<compile_context>
chip_gen: v7x
topology: tpu7x:2x2x1
jax: 0.10.2.dev20260603
libtpu: 0.0.44.dev20260713+nightly
codegen_flags: <defaults>
</compile_context>

<pallas_src>
import functools

import jax
import jax.numpy as jnp
from jax import lax
from jax.experimental import pallas as pl
from jax.experimental.pallas import tpu as pltpu
from jax.experimental.pallas import tpu_sc as plsc

NVD = 1024
NPX = 1024
NPY = 1024
B = NPX * NPY
NC = 2
NS = 16
L = 16
NW = NC * NS
PTS_PER_W = B // NW
VECS = PTS_PER_W // L
MAX_DEPTH = 16
VERT_BIT = 1 << 20
UNROLL = 4


def _prep_body(lm_ref, rm_ref, sd_ref, packed_ref):
    col = lax.broadcasted_iota(jnp.int32, (NVD, NVD), 1).astype(jnp.float32)
    li = jnp.sum(lm_ref[...] * col, axis=1, keepdims=True).astype(jnp.int32)
    ri = jnp.sum(rm_ref[...] * col, axis=1, keepdims=True).astype(jnp.int32)
    vert = (sd_ref[...] != 0.0).astype(jnp.int32)
    packed_ref[...] = (vert << 20) | (li << 10) | ri


def _pack_tables(left_matrix, right_matrix, split_directions):
    packed = pl.pallas_call(
        _prep_body,
        out_shape=jax.ShapeDtypeStruct((NVD, 1), jnp.int32),
    )(left_matrix, right_matrix, split_directions.reshape(NVD, 1))
    return packed.reshape(NVD)


_mesh = plsc.VectorSubcoreMesh(core_axis_name="c", subcore_axis_name="s")


@functools.partial(
    pl.kernel,
    mesh=_mesh,
    out_type=jax.ShapeDtypeStruct((B,), jnp.float32),
    compiler_params=pltpu.CompilerParams(needs_layout_passes=False),
    scratch_types=[
        pltpu.VMEM((PTS_PER_W,), jnp.float32),
        pltpu.VMEM((PTS_PER_W,), jnp.float32),
        pltpu.VMEM((NVD,), jnp.int32),
        pltpu.VMEM((NVD,), jnp.float32),
        pltpu.VMEM((NVD,), jnp.float32),
        pltpu.VMEM((PTS_PER_W,), jnp.float32),
        pltpu.VMEM((L,), jnp.int32),
    ],
)
def _traverse(xs_hbm, ys_hbm, packed_hbm, sp_hbm, vals_hbm, zero_hbm, out_hbm,
              xs_v, ys_v, packed_v, sp_v, vals_v, out_v, zero_v):
    wid = lax.axis_index("s") * NC + lax.axis_index("c")
    base = wid * PTS_PER_W
    pltpu.sync_copy(xs_hbm.at[pl.ds(base, PTS_PER_W)], xs_v)
    pltpu.sync_copy(ys_hbm.at[pl.ds(base, PTS_PER_W)], ys_v)
    pltpu.sync_copy(packed_hbm, packed_v)
    pltpu.sync_copy(sp_hbm, sp_v)
    pltpu.sync_copy(vals_hbm, vals_v)
    pltpu.sync_copy(zero_hbm, zero_v)

    idx0 = zero_v[...]

    def body(i, carry):
        pbase0 = i * (L * UNROLL)
        x = [None] * UNROLL
        y = [None] * UNROLL
        idx = [idx0] * UNROLL
        minx = [jnp.zeros((L,), jnp.float32)] * UNROLL
        maxx = [jnp.ones((L,), jnp.float32)] * UNROLL
        miny = [jnp.zeros((L,), jnp.float32)] * UNROLL
        maxy = [jnp.ones((L,), jnp.float32)] * UNROLL
        for u in range(UNROLL):
            pb = pbase0 + u * L
            x[u] = xs_v[pl.ds(pb, L)]
            y[u] = ys_v[pl.ds(pb, L)]
        for _ in range(MAX_DEPTH):
            for u in range(UNROLL):
                packed = plsc.load_gather(packed_v, [idx[u]])
                sp = plsc.load_gather(sp_v, [idx[u]])
                horiz = packed < VERT_BIT
                lchild = (packed >> 10) & (NVD - 1)
                rchild = packed & (NVD - 1)
                mn = jnp.where(horiz, minx[u], miny[u])
                mx = jnp.where(horiz, maxx[u], maxy[u])
                pos = jnp.where(horiz, x[u], y[u])
                split = mn + sp * (mx - mn)
                is_left = pos < split
                nmn = jnp.where(is_left, mn, split)
                nmx = jnp.where(is_left, split, mx)
                minx[u] = jnp.where(horiz, nmn, minx[u])
                maxx[u] = jnp.where(horiz, nmx, maxx[u])
                miny[u] = jnp.where(horiz, miny[u], nmn)
                maxy[u] = jnp.where(horiz, maxy[u], nmx)
                idx[u] = jnp.where(is_left, lchild, rchild)
        for u in range(UNROLL):
            out_v[pl.ds(pbase0 + u * L, L)] = plsc.load_gather(vals_v, [idx[u]])
        return carry

    lax.fori_loop(0, VECS // UNROLL, body, 0)
    pltpu.sync_copy(out_v, out_hbm.at[pl.ds(base, PTS_PER_W)])


def kernel(grid_points, split_points, split_directions, values,
           left_matrix, right_matrix, max_depth):
    del max_depth
    packed = _pack_tables(left_matrix, right_matrix, split_directions)
    zero16 = jnp.zeros((L,), jnp.int32)
    xs = grid_points[:, 0]
    ys = grid_points[:, 1]
    flat = _traverse(xs, ys, packed, split_points, values, zero16)
    return flat.reshape(NPX, NPY)

# --- scband reference (transcript-rebuilt; emitter-appended) ---
"""Pipeline reference for scband-fractal2-dnon-diff-65395172049480 (READ-ONLY COPY).

The authoritative reference and input builder live on the scoring server;
editing this copy changes nothing except your own understanding.
"""

import jax, jax.numpy as jnp
import numpy as np

NUM_VALUES = 256
NUM_DUPES = 4
NPX = 1024
NPY = 1024
NVD = NUM_VALUES * NUM_DUPES


def setup_inputs(seed: int = 0) -> dict:
    key = jax.random.key(seed)
    k1, k2 = jax.random.split(key)
    x = jnp.linspace(0.0, 1.0, NPX, dtype=jnp.float32)
    y = jnp.linspace(0.0, 1.0, NPY, dtype=jnp.float32)
    grid_x, grid_y = jnp.meshgrid(x, y, indexing='ij')
    grid_points = jnp.stack([grid_x.flatten(), grid_y.flatten()], axis=1)

    base = np.linspace(0.0, 1.0, NUM_DUPES // 2 + 2, dtype=np.float32)[1:-1]
    mid = len(base) // 2
    base = np.concatenate([base[mid:mid + 1], base[:mid], base[mid + 1:]])

    split_points = []
    split_directions = []
    values = []
    for dupe in range(NUM_DUPES):
        sp = base[dupe // 2]
        sd = dupe % 2
        for v in range(NUM_VALUES):
            split_points.append(sp)
            split_directions.append(float(sd))
            values.append(float(v))
    split_points = jnp.asarray(np.array(split_points, dtype=np.float32))
    split_directions = jnp.asarray(np.array(split_directions, dtype=np.float32))
    values = jnp.asarray(np.array(values, dtype=np.float32))

    idx_l = jax.random.randint(k1, (NVD,), 0, NVD)
    idx_r = jax.random.randint(k2, (NVD,), 0, NVD)
    rows = jnp.arange(NVD)
    left_matrix = jnp.zeros((NVD, NVD), dtype=jnp.float32).at[rows, idx_l].set(1.0)
    right_matrix = jnp.zeros((NVD, NVD), dtype=jnp.float32).at[rows, idx_r].set(1.0)

    return {
        'grid_points': grid_points,
        'split_points': split_points,
        'split_directions': split_directions,
        'values': values,
        'left_matrix': left_matrix,
        'right_matrix': right_matrix,
        'max_depth': 16,
    }


def reference(grid_points, split_points, split_directions, values, left_matrix, right_matrix, max_depth):
    batch = grid_points.shape[0]
    current_indices = jnp.zeros((batch,), dtype=jnp.int32)
    x_positions = grid_points[:, 0]
    y_positions = grid_points[:, 1]
    min_x = jnp.zeros_like(x_positions)
    max_x = jnp.ones_like(x_positions)
    min_y = jnp.zeros_like(y_positions)
    max_y = jnp.ones_like(y_positions)
    # argmax over one-hot rows; hoisted out of loop (mathematically identical to
    # argmax(left_matrix[current_indices], axis=1))
    left_children_all = jnp.argmax(left_matrix, axis=1).astype(jnp.int32)
    right_children_all = jnp.argmax(right_matrix, axis=1).astype(jnp.int32)

    def body(depth, carry):
        current_indices, min_x, max_x, min_y, max_y = carry
        curr_directions = split_directions[current_indices]
        curr_split_points = split_points[current_indices]
        split_x = min_x + curr_split_points * (max_x - min_x)
        split_y = min_y + curr_split_points * (max_y - min_y)
        horizontal_mask = curr_directions == 0
        vertical_mask = curr_directions == 1
        is_left = jnp.where(horizontal_mask, x_positions < split_x, y_positions < split_y)
        new_min_x = jnp.where(horizontal_mask & (~is_left), split_x, min_x)
        new_max_x = jnp.where(horizontal_mask & is_left, split_x, max_x)
        new_min_y = jnp.where(vertical_mask & (~is_left), split_y, min_y)
        new_max_y = jnp.where(vertical_mask & is_left, split_y, max_y)
        min_x, max_x = new_min_x, new_max_x
        min_y, max_y = new_min_y, new_max_y
        left_children = left_children_all[current_indices]
        right_children = right_children_all[current_indices]
        current_indices = jnp.where(is_left, left_children, right_children)
        return (current_indices, min_x, max_x, min_y, max_y)

    carry = (current_indices, min_x, max_x, min_y, max_y)
    carry = jax.lax.fori_loop(0, max_depth, body, carry)
    current_indices = carry[0]
    final_values = values[current_indices]
    return final_values.reshape(NPX, NPY)

if __name__ == "__main__":
    import jax
    _d = setup_inputs()
    print(jax.jit(kernel)(*tuple(_d.values())))

</pallas_src>

<mosaic_0001>
#map = affine_map<(d0, d1) -> (0)>
module attributes {stable_mosaic.version = 14 : i64} {
  func.func @_traverse(%arg0: i32, %arg1: i32, %arg2: memref<1048576xf32, #tpu.memory_space<hbm>>, %arg3: memref<1048576xf32, #tpu.memory_space<hbm>>, %arg4: memref<1024xi32, #tpu.memory_space<hbm>>, %arg5: memref<1024xf32, #tpu.memory_space<hbm>>, %arg6: memref<1024xf32, #tpu.memory_space<hbm>>, %arg7: memref<16xi32, #tpu.memory_space<hbm>>, %arg8: memref<1048576xf32, #tpu.memory_space<hbm>>, %arg9: memref<32768xf32, #tpu.memory_space<vmem>>, %arg10: memref<32768xf32, #tpu.memory_space<vmem>>, %arg11: memref<1024xi32, #tpu.memory_space<vmem>>, %arg12: memref<1024xf32, #tpu.memory_space<vmem>>, %arg13: memref<1024xf32, #tpu.memory_space<vmem>>, %arg14: memref<32768xf32, #tpu.memory_space<vmem>>, %arg15: memref<16xi32, #tpu.memory_space<vmem>>) attributes {dimension_semantics = [#tpu.dimension_semantics<core_parallel>, #tpu.dimension_semantics<subcore_parallel>], iteration_bounds = array<i64: 2, 16>, scalar_prefetch = 0 : i64, scratch_operands = 7 : i64, tpu.core_type = #tpu.core_type<sc_vector_subcore>, window_params = [{transform_indices = #map}, {transform_indices = #map}, {transform_indices = #map}, {transform_indices = #map}, {transform_indices = #map}, {transform_indices = #map}, {transform_indices = #map}]} {
    %mul3A = arith.constant 2 : i32
    %mul3A_0 = arith.muli %arg1, %mul3A : i32
    %add3A = arith.addi %mul3A_0, %arg0 : i32
    %mul3A_1 = arith.constant 32768 : i32
    %mul3A_2 = arith.muli %add3A, %mul3A_1 : i32
    "tpu.region"() ({
      %run_scoped3A = tpu.sem_alloc : memref<!tpu.dma_semaphore, #tpu.memory_space<semaphore_mem>>
      %dma_start3A = tpu.memref_slice %arg2[%mul3A_2] : memref<1048576xf32, #tpu.memory_space<hbm>> -> memref<32768xf32, #tpu.memory_space<hbm>>
      %dma_start3A_9 = tpu.memref_slice %arg2[%mul3A_2] : memref<1048576xf32, #tpu.memory_space<hbm>> -> memref<32768xf32, #tpu.memory_space<hbm>>
      tpu.enqueue_dma source(%dma_start3A_9 : memref<32768xf32, #tpu.memory_space<hbm>>) target(%arg9 : memref<32768xf32, #tpu.memory_space<vmem>>) target_semaphore(%run_scoped3A : memref<!tpu.dma_semaphore, #tpu.memory_space<semaphore_mem>>)
      %dma_wait3A = tpu.memref_slice %arg2[%mul3A_2] : memref<1048576xf32, #tpu.memory_space<hbm>> -> memref<32768xf32, #tpu.memory_space<hbm>>
      %dma_wait3A_10 = tpu.memref_slice %arg2[%mul3A_2] : memref<1048576xf32, #tpu.memory_space<hbm>> -> memref<32768xf32, #tpu.memory_space<hbm>>
      tpu.wait_dma2 semaphore(%run_scoped3A : memref<!tpu.dma_semaphore, #tpu.memory_space<semaphore_mem>>) src(%dma_wait3A_10 : memref<32768xf32, #tpu.memory_space<hbm>>) dst(%arg9 : memref<32768xf32, #tpu.memory_space<vmem>>)
      tpu.yield
    }) : () -> ()
    "tpu.region"() ({
      %run_scoped3A = tpu.sem_alloc : memref<!tpu.dma_semaphore, #tpu.memory_space<semaphore_mem>>
      %dma_start3A = tpu.memref_slice %arg3[%mul3A_2] : memref<1048576xf32, #tpu.memory_space<hbm>> -> memref<32768xf32, #tpu.memory_space<hbm>>
      %dma_start3A_9 = tpu.memref_slice %arg3[%mul3A_2] : memref<1048576xf32, #tpu.memory_space<hbm>> -> memref<32768xf32, #tpu.memory_space<hbm>>
      tpu.enqueue_dma source(%dma_start3A_9 : memref<32768xf32, #tpu.memory_space<hbm>>) target(%arg10 : memref<32768xf32, #tpu.memory_space<vmem>>) target_semaphore(%run_scoped3A : memref<!tpu.dma_semaphore, #tpu.memory_space<semaphore_mem>>)
      %dma_wait3A = tpu.memref_slice %arg3[%mul3A_2] : memref<1048576xf32, #tpu.memory_space<hbm>> -> memref<32768xf32, #tpu.memory_space<hbm>>
      %dma_wait3A_10 = tpu.memref_slice %arg3[%mul3A_2] : memref<1048576xf32, #tpu.memory_space<hbm>> -> memref<32768xf32, #tpu.memory_space<hbm>>
      tpu.wait_dma2 semaphore(%run_scoped3A : memref<!tpu.dma_semaphore, #tpu.memory_space<semaphore_mem>>) src(%dma_wait3A_10 : memref<32768xf32, #tpu.memory_space<hbm>>) dst(%arg10 : memref<32768xf32, #tpu.memory_space<vmem>>)
      tpu.yield
    }) : () -> ()
    "tpu.region"() ({
      %run_scoped3A = tpu.sem_alloc : memref<!tpu.dma_semaphore, #tpu.memory_space<semaphore_mem>>
      tpu.enqueue_dma source(%arg4 : memref<1024xi32, #tpu.memory_space<hbm>>) target(%arg11 : memref<1024xi32, #tpu.memory_space<vmem>>) target_semaphore(%run_scoped3A : memref<!tpu.dma_semaphore, #tpu.memory_space<semaphore_mem>>)
      tpu.wait_dma2 semaphore(%run_scoped3A : memref<!tpu.dma_semaphore, #tpu.memory_space<semaphore_mem>>) src(%arg4 : memref<1024xi32, #tpu.memory_space<hbm>>) dst(%arg11 : memref<1024xi32, #tpu.memory_space<vmem>>)
      tpu.yield
    }) : () -> ()
    "tpu.region"() ({
      %run_scoped3A = tpu.sem_alloc : memref<!tpu.dma_semaphore, #tpu.memory_space<semaphore_mem>>
      tpu.enqueue_dma source(%arg5 : memref<1024xf32, #tpu.memory_space<hbm>>) target(%arg12 : memref<1024xf32, #tpu.memory_space<vmem>>) target_semaphore(%run_scoped3A : memref<!tpu.dma_semaphore, #tpu.memory_space<semaphore_mem>>)
      tpu.wait_dma2 semaphore(%run_scoped3A : memref<!tpu.dma_semaphore, #tpu.memory_space<semaphore_mem>>) src(%arg5 : memref<1024xf32, #tpu.memory_space<hbm>>) dst(%arg12 : memref<1024xf32, #tpu.memory_space<vmem>>)
      tpu.yield
    }) : () -> ()
    "tpu.region"() ({
      %run_scoped3A = tpu.sem_alloc : memref<!tpu.dma_semaphore, #tpu.memory_space<semaphore_mem>>
      tpu.enqueue_dma source(%arg6 : memref<1024xf32, #tpu.memory_space<hbm>>) target(%arg13 : memref<1024xf32, #tpu.memory_space<vmem>>) target_semaphore(%run_scoped3A : memref<!tpu.dma_semaphore, #tpu.memory_space<semaphore_mem>>)
      tpu.wait_dma2 semaphore(%run_scoped3A : memref<!tpu.dma_semaphore, #tpu.memory_space<semaphore_mem>>) src(%arg6 : memref<1024xf32, #tpu.memory_space<hbm>>) dst(%arg13 : memref<1024xf32, #tpu.memory_space<vmem>>)
      tpu.yield
    }) : () -> ()
    "tpu.region"() ({
      %run_scoped3A = tpu.sem_alloc : memref<!tpu.dma_semaphore, #tpu.memory_space<semaphore_mem>>
      tpu.enqueue_dma source(%arg7 : memref<16xi32, #tpu.memory_space<hbm>>) target(%arg15 : memref<16xi32, #tpu.memory_space<vmem>>) target_semaphore(%run_scoped3A : memref<!tpu.dma_semaphore, #tpu.memory_space<semaphore_mem>>)
      tpu.wait_dma2 semaphore(%run_scoped3A : memref<!tpu.dma_semaphore, #tpu.memory_space<semaphore_mem>>) src(%arg7 : memref<16xi32, #tpu.memory_space<hbm>>) dst(%arg15 : memref<16xi32, #tpu.memory_space<vmem>>)
      tpu.yield
    }) : () -> ()
    %get3A = arith.constant 0 : index
    %get3A_3 = tpu.vector_load %arg15[%get3A] {strides = array<i32>} : memref<16xi32, #tpu.memory_space<vmem>>, vector<16xi32>,
    %scan3A = arith.constant 0 : i32
    %scan3A_4 = arith.constant 0 : i32
    %scan3A_5 = arith.constant 512 : i32
    %scan3A_6 = arith.addi %scan3A_4, %scan3A_5 : i32
    %scan3A_7 = arith.constant 1 : i32
    scf.for %scan3A_9 = %scan3A_4 to %scan3A_6 step %scan3A_7  : i32 {
      %mul3A_10 = arith.constant 64 : i32
      %mul3A_11 = arith.muli %scan3A_9, %mul3A_10 : i32
      %broadcast_in_dim3A = arith.constant 0.000000e+00 : f32
      %broadcast_in_dim3A_12 = vector.broadcast %broadcast_in_dim3A : f32 to vector<16xf32>
      %broadcast_in_dim3A_13 = arith.constant 1.000000e+00 : f32
      %broadcast_in_dim3A_14 = vector.broadcast %broadcast_in_dim3A_13 : f32 to vector<16xf32>
      %broadcast_in_dim3A_15 = arith.constant 0.000000e+00 : f32
      %broadcast_in_dim3A_16 = vector.broadcast %broadcast_in_dim3A_15 : f32 to vector<16xf32>
      %broadcast_in_dim3A_17 = arith.constant 1.000000e+00 : f32
      %broadcast_in_dim3A_18 = vector.broadcast %broadcast_in_dim3A_17 : f32 to vector<16xf32>
      %add3A_19 = arith.constant 0 : i32
      %add3A_20 = arith.addi %mul3A_11, %add3A_19 : i32
      %get3A_21 = arith.index_cast %add3A_20 : i32 to index
      %get3A_22 = tpu.vector_load %arg9[%get3A_21] {strides = array<i32>} : memref<32768xf32, #tpu.memory_space<vmem>>, vector<16xf32>,
      %get3A_23 = arith.index_cast %add3A_20 : i32 to index
      %get3A_24 = tpu.vector_load %arg10[%get3A_23] {strides = array<i32>} : memref<32768xf32, #tpu.memory_space<vmem>>, vector<16xf32>,
      %add3A_25 = arith.constant 16 : i32
      %add3A_26 = arith.addi %mul3A_11, %add3A_25 : i32
      %get3A_27 = arith.index_cast %add3A_26 : i32 to index
      %get3A_28 = tpu.vector_load %arg9[%get3A_27] {strides = array<i32>} : memref<32768xf32, #tpu.memory_space<vmem>>, vector<16xf32>,
      %get3A_29 = arith.index_cast %add3A_26 : i32 to index
      %get3A_30 = tpu.vector_load %arg10[%get3A_29] {strides = array<i32>} : memref<32768xf32, #tpu.memory_space<vmem>>, vector<16xf32>,
      %add3A_31 = arith.constant 32 : i32
      %add3A_32 = arith.addi %mul3A_11, %add3A_31 : i32
      %get3A_33 = arith.index_cast %add3A_32 : i32 to index
      %get3A_34 = tpu.vector_load %arg9[%get3A_33] {strides = array<i32>} : memref<32768xf32, #tpu.memory_space<vmem>>, vector<16xf32>,
      %get3A_35 = arith.index_cast %add3A_32 : i32 to index
      %get3A_36 = tpu.vector_load %arg10[%get3A_35] {strides = array<i32>} : memref<32768xf32, #tpu.memory_space<vmem>>, vector<16xf32>,
      %add3A_37 = arith.constant 48 : i32
      %add3A_38 = arith.addi %mul3A_11, %add3A_37 : i32
      %get3A_39 = arith.index_cast %add3A_38 : i32 to index
      %get3A_40 = tpu.vector_load %arg9[%get3A_39] {strides = array<i32>} : memref<32768xf32, #tpu.memory_space<vmem>>, vector<16xf32>,
      %get3A_41 = arith.index_cast %add3A_38 : i32 to index
      %get3A_42 = tpu.vector_load %arg10[%get3A_41] {strides = array<i32>} : memref<32768xf32, #tpu.memory_space<vmem>>, vector<16xf32>,
      %gather3A = tpu.vector_load_idx %arg11[%get3A_3] : memref<1024xi32, #tpu.memory_space<vmem>>[vector<16xi32>], vector<16xi32>,
      %gather3A_43 = tpu.vector_load_idx %arg12[%get3A_3] : memref<1024xf32, #tpu.memory_space<vmem>>[vector<16xi32>], vector<16xf32>,
      %lt3A = arith.constant 1048576 : i32
      %lt3A_44 = vector.broadcast %lt3A : i32 to vector<16xi32>
      %lt3A_45 = arith.cmpi slt, %gather3A, %lt3A_44 : vector<16xi32>
      %shift_right_arithmetic3A = arith.constant 10 : i32
      %shift_right_arithmetic3A_46 = vector.broadcast %shift_right_arithmetic3A : i32 to vector<16xi32>
      %shift_right_arithmetic3A_47 = arith.shrsi %gather3A, %shift_right_arithmetic3A_46 : vector<16xi32>
      %and3A = arith.constant 1023 : i32
      %and3A_48 = vector.broadcast %and3A : i32 to vector<16xi32>
      %and3A_49 = arith.andi %shift_right_arithmetic3A_47, %and3A_48 : vector<16xi32>
      %and3A_50 = arith.constant 1023 : i32
      %and3A_51 = vector.broadcast %and3A_50 : i32 to vector<16xi32>
      %and3A_52 = arith.andi %gather3A, %and3A_51 : vector<16xi32>
      %select_n3A = arith.select %lt3A_45, %broadcast_in_dim3A_12, %broadcast_in_dim3A_16 : vector<16xi1>, vector<16xf32>
      %select_n3A_53 = arith.select %lt3A_45, %broadcast_in_dim3A_14, %broadcast_in_dim3A_18 : vector<16xi1>, vector<16xf32>
      %select_n3A_54 = arith.select %lt3A_45, %get3A_22, %get3A_24 : vector<16xi1>, vector<16xf32>
      %sub3A = arith.subf %select_n3A_53, %select_n3A : vector<16xf32>
      %mul3A_55 = arith.mulf %gather3A_43, %sub3A : vector<16xf32>
      %add3A_56 = arith.addf %select_n3A, %mul3A_55 : vector<16xf32>
      %lt3A_57 = arith.cmpf olt, %select_n3A_54, %add3A_56 : vector<16xf32>
      %select_n3A_58 = arith.select %lt3A_57, %select_n3A, %add3A_56 : vector<16xi1>, vector<16xf32>
      %select_n3A_59 = arith.select %lt3A_57, %add3A_56, %select_n3A_53 : vector<16xi1>, vector<16xf32>
      %select_n3A_60 = arith.select %lt3A_45, %select_n3A_58, %broadcast_in_dim3A_12 : vector<16xi1>, vector<16xf32>
      %select_n3A_61 = arith.select %lt3A_45, %select_n3A_59, %broadcast_in_dim3A_14 : vector<16xi1>, vector<16xf32>
      %select_n3A_62 = arith.select %lt3A_45, %broadcast_in_dim3A_16, %select_n3A_58 : vector<16xi1>, vector<16xf32>
      %select_n3A_63 = arith.select %lt3A_45, %broadcast_in_dim3A_18, %select_n3A_59 : vector<16xi1>, vector<16xf32>
      %select_n3A_64 = arith.select %lt3A_57, %and3A_49, %and3A_52 : vector<16xi1>, vector<16xi32>
      %gather3A_65 = tpu.vector_load_idx %arg11[%get3A_3] : memref<1024xi32, #tpu.memory_space<vmem>>[vector<16xi32>], vector<16xi32>,
      %gather3A_66 = tpu.vector_load_idx %arg12[%get3A_3] : memref<1024xf32, #tpu.memory_space<vmem>>[vector<16xi32>], vector<16xf32>,
      %lt3A_67 = arith.constant 1048576 : i32
      %lt3A_68 = vector.broadcast %lt3A_67 : i32 to vector<16xi32>
      %lt3A_69 = arith.cmpi slt, %gather3A_65, %lt3A_68 : vector<16xi32>
      %shift_right_arithmetic3A_70 = arith.constant 10 : i32
      %shift_right_arithmetic3A_71 = vector.broadcast %shift_right_arithmetic3A_70 : i32 to vector<16xi32>
      %shift_right_arithmetic3A_72 = arith.shrsi %gather3A_65, %shift_right_arithmetic3A_71 : vector<16xi32>
      %and3A_73 = arith.constant 1023 : i32
      %and3A_74 = vector.broadcast %and3A_73 : i32 to vector<16xi32>
      %and3A_75 = arith.andi %shift_right_arithmetic3A_72, %and3A_74 : vector<16xi32>
      %and3A_76 = arith.constant 1023 : i32
      %and3A_77 = vector.broadcast %and3A_76 : i32 to vector<16xi32>
      %and3A_78 = arith.andi %gather3A_65, %and3A_77 : vector<16xi32>
      %select_n3A_79 = arith.select %lt3A_69, %broadcast_in_dim3A_12, %broadcast_in_dim3A_16 : vector<16xi1>, vector<16xf32>
      %select_n3A_80 = arith.select %lt3A_69, %broadcast_in_dim3A_14, %broadcast_in_dim3A_18 : vector<16xi1>, vector<16xf32>
      %select_n3A_81 = arith.select %lt3A_69, %get3A_28, %get3A_30 : vector<16xi1>, vector<16xf32>
      %sub3A_82 = arith.subf %select_n3A_80, %select_n3A_79 : vector<16xf32>
      %mul3A_83 = arith.mulf %gather3A_66, %sub3A_82 : vector<16xf32>
      %add3A_84 = arith.addf %select_n3A_79, %mul3A_83 : vector<16xf32>
      %lt3A_85 = arith.cmpf olt, %select_n3A_81, %add3A_84 : vector<16xf32>
      %select_n3A_86 = arith.select %lt3A_85, %select_n3A_79, %add3A_84 : vector<16xi1>, vector<16xf32>
      %select_n3A_87 = arith.select %lt3A_85, %add3A_84, %select_n3A_80 : vector<16xi1>, vector<16xf32>
      %select_n3A_88 = arith.select %lt3A_69, %select_n3A_86, %broadcast_in_dim3A_12 : vector<16xi1>, vector<16xf32>
      %select_n3A_89 = arith.select %lt3A_69, %select_n3A_87, %broadcast_in_dim3A_14 : vector<16xi1>, vector<16xf32>
      %select_n3A_90 = arith.select %lt3A_69, %broadcast_in_dim3A_16, %select_n3A_86 : vector<16xi1>, vector<16xf32>
      %select_n3A_91 = arith.select %lt3A_69, %broadcast_in_dim3A_18, %select_n3A_87 : vector<16xi1>, vector<16xf32>
      %select_n3A_92 = arith.select %lt3A_85, %and3A_75, %and3A_78 : vector<16xi1>, vector<16xi32>
      %gather3A_93 = tpu.vector_load_idx %arg11[%get3A_3] : memref<1024xi32, #tpu.memory_space<vmem>>[vector<16xi32>], vector<16xi32>,
      %gather3A_94 = tpu.vector_load_idx %arg12[%get3A_3] : memref<1024xf32, #tpu.memory_space<vmem>>[vector<16xi32>], vector<16xf32>,
      %lt3A_95 = arith.constant 1048576 : i32
      %lt3A_96 = vector.broadcast %lt3A_95 : i32 to vector<16xi32>
      %lt3A_97 = arith.cmpi slt, %gather3A_93, %lt3A_96 : vector<16xi32>
      %shift_right_arithmetic3A_98 = arith.constant 10 : i32
      %shift_right_arithmetic3A_99 = vector.broadcast %shift_right_arithmetic3A_98 : i32 to vector<16xi32>
      %shift_right_arithmetic3A_100 = arith.shrsi %gather3A_93, %shift_right_arithmetic3A_99 : vector<16xi32>
      %and3A_101 = arith.constant 1023 : i32
      %and3A_102 = vector.broadcast %and3A_101 : i32 to vector<16xi32>
      %and3A_103 = arith.andi %shift_right_arithmetic3A_100, %and3A_102 : vector<16xi32>
      %and3A_104 = arith.constant 1023 : i32
      %and3A_105 = vector.broadcast %and3A_104 : i32 to vector<16xi32>
      %and3A_106 = arith.andi %gather3A_93, %and3A_105 : vector<16xi32>
      %select_n3A_107 = arith.select %lt3A_97, %broadcast_in_dim3A_12, %broadcast_in_dim3A_16 : vector<16xi1>, vector<16xf32>
      %select_n3A_108 = arith.select %lt3A_97, %broadcast_in_dim3A_14, %broadcast_in_dim3A_18 : vector<16xi1>, vector<16xf32>
      %select_n3A_109 = arith.select %lt3A_97, %get3A_34, %get3A_36 : vector<16xi1>, vector<16xf32>
      %sub3A_110 = arith.subf %select_n3A_108, %select_n3A_107 : vector<16xf32>
      %mul3A_111 = arith.mulf %gather3A_94, %sub3A_110 : vector<16xf32>
      %add3A_112 = arith.addf %select_n3A_107, %mul3A_111 : vector<16xf32>
      %lt3A_113 = arith.cmpf olt, %select_n3A_109, %add3A_112 : vector<16xf32>
      %select_n3A_114 = arith.select %lt3A_113, %select_n3A_107, %add3A_112 : vector<16xi1>, vector<16xf32>
      %select_n3A_115 = arith.select %lt3A_113, %add3A_112, %select_n3A_108 : vector<16xi1>, vector<16xf32>
      %select_n3A_116 = arith.select %lt3A_97, %select_n3A_114, %broadcast_in_dim3A_12 : vector<16xi1>, vector<16xf32>
      %select_n3A_117 = arith.select %lt3A_97, %select_n3A_115, %broadcast_in_dim3A_14 : vector<16xi1>, vector<16xf32>
      %select_n3A_118 = arith.select %lt3A_97, %broadcast_in_dim3A_16, %select_n3A_114 : vector<16xi1>, vector<16xf32>
      %select_n3A_119 = arith.select %lt3A_97, %broadcast_in_dim3A_18, %select_n3A_115 : vector<16xi1>, vector<16xf32>
      %select_n3A_120 = arith.select %lt3A_113, %and3A_103, %and3A_106 : vector<16xi1>, vector<16xi32>
      %gather3A_121 = tpu.vector_load_idx %arg11[%get3A_3] : memref<1024xi32, #tpu.memory_space<vmem>>[vector<16xi32>], vector<16xi32>,
      %gather3A_122 = tpu.vector_load_idx %arg12[%get3A_3] : memref<1024xf32, #tpu.memory_space<vmem>>[vector<16xi32>], vector<16xf32>,
      %lt3A_123 = arith.constant 1048576 : i32
      %lt3A_124 = vector.broadcast %lt3A_123 : i32 to vector<16xi32>
      %lt3A_125 = arith.cmpi slt, %gather3A_121, %lt3A_124 : vector<16xi32>
      %shift_right_arithmetic3A_126 = arith.constant 10 : i32
      %shift_right_arithmetic3A_127 = vector.broadcast %shift_right_arithmetic3A_126 : i32 to vector<16xi32>
      %shift_right_arithmetic3A_128 = arith.shrsi %gather3A_121, %shift_right_arithmetic3A_127 : vector<16xi32>
      %and3A_129 = arith.constant 1023 : i32
      %and3A_130 = vector.broadcast %and3A_129 : i32 to vector<16xi32>
      %and3A_131 = arith.andi %shift_right_arithmetic3A_128, %and3A_130 : vector<16xi32>
      %and3A_132 = arith.constant 1023 : i32
      %and3A_133 = vector.broadcast %and3A_132 : i32 to vector<16xi32>
      %and3A_134 = arith.andi %gather3A_121, %and3A_133 : vector<16xi32>
      %select_n3A_135 = arith.select %lt3A_125, %broadcast_in_dim3A_12, %broadcast_in_dim3A_16 : vector<16xi1>, vector<16xf32>
      %select_n3A_136 = arith.select %lt3A_125, %broadcast_in_dim3A_14, %broadcast_in_dim3A_18 : vector<16xi1>, vector<16xf32>
      %select_n3A_137 = arith.select %lt3A_125, %get3A_40, %get3A_42 : vector<16xi1>, vector<16xf32>
      %sub3A_138 = arith.subf %select_n3A_136, %select_n3A_135 : vector<16xf32>
      %mul3A_139 = arith.mulf %gather3A_122, %sub3A_138 : vector<16xf32>
      %add3A_140 = arith.addf %select_n3A_135, %mul3A_139 : vector<16xf32>
      %lt3A_141 = arith.cmpf olt, %select_n3A_137, %add3A_140 : vector<16xf32>
      %select_n3A_142 = arith.select %lt3A_141, %select_n3A_135, %add3A_140 : vector<16xi1>, vector<16xf32>
      %select_n3A_143 = arith.select %lt3A_141, %add3A_140, %select_n3A_136 : vector<16xi1>, vector<16xf32>
      %select_n3A_144 = arith.select %lt3A_125, %select_n3A_142, %broadcast_in_dim3A_12 : vector<16xi1>, vector<16xf32>
      %select_n3A_145 = arith.select %lt3A_125, %select_n3A_143, %broadcast_in_dim3A_14 : vector<16xi1>, vector<16xf32>
      %select_n3A_146 = arith.select %lt3A_125, %broadcast_in_dim3A_16, %select_n3A_142 : vector<16xi1>, vector<16xf32>
      %select_n3A_147 = arith.select %lt3A_125, %broadcast_in_dim3A_18, %select_n3A_143 : vector<16xi1>, vector<16xf32>
      %select_n3A_148 = arith.select %lt3A_141, %and3A_131, %and3A_134 : vector<16xi1>, vector<16xi32>
      %gather3A_149 = tpu.vector_load_idx %arg11[%select_n3A_64] : memref<1024xi32, #tpu.memory_space<vmem>>[vector<16xi32>], vector<16xi32>,
      %gather3A_150 = tpu.vector_load_idx %arg12[%select_n3A_64] : memref<1024xf32, #tpu.memory_space<vmem>>[vector<16xi32>], vector<16xf32>,
      %lt3A_151 = arith.constant 1048576 : i32
      %lt3A_152 = vector.broadcast %lt3A_151 : i32 to vector<16xi32>
      %lt3A_153 = arith.cmpi slt, %gather3A_149, %lt3A_152 : vector<16xi32>
      %shift_right_arithmetic3A_154 = arith.constant 10 : i32
      %shift_right_arithmetic3A_155 = vector.broadcast %shift_right_arithmetic3A_154 : i32 to vector<16xi32>
      %shift_right_arithmetic3A_156 = arith.shrsi %gather3A_149, %shift_right_arithmetic3A_155 : vector<16xi32>
      %and3A_157 = arith.constant 1023 : i32
      %and3A_158 = vector.broadcast %and3A_157 : i32 to vector<16xi32>
      %and3A_159 = arith.andi %shift_right_arithmetic3A_156, %and3A_158 : vector<16xi32>
      %and3A_160 = arith.constant 1023 : i32
      %and3A_161 = vector.broadcast %and3A_160 : i32 to vector<16xi32>
      %and3A_162 = arith.andi %gather3A_149, %and3A_161 : vector<16xi32>
      %select_n3A_163 = arith.select %lt3A_153, %select_n3A_60, %select_n3A_62 : vector<16xi1>, vector<16xf32>
      %select_n3A_164 = arith.select %lt3A_153, %select_n3A_61, %select_n3A_63 : vector<16xi1>, vector<16xf32>
      %select_n3A_165 = arith.select %lt3A_153, %get3A_22, %get3A_24 : vector<16xi1>, vector<16xf32>
      %sub3A_166 = arith.subf %select_n3A_164, %select_n3A_163 : vector<16xf32>
      %mul3A_167 = arith.mulf %gather3A_150, %sub3A_166 : vector<16xf32>
      %add3A_168 = arith.addf %select_n3A_163, %mul3A_167 : vector<16xf32>
      %lt3A_169 = arith.cmpf olt, %select_n3A_165, %add3A_168 : vector<16xf32>
      %select_n3A_170 = arith.select %lt3A_169, %select_n3A_163, %add3A_168 : vector<16xi1>, vector<16xf32>
      %select_n3A_171 = arith.select %lt3A_169, %add3A_168, %select_n3A_164 : vector<16xi1>, vector<16xf32>
      %select_n3A_172 = arith.select %lt3A_153, %select_n3A_170, %select_n3A_60 : vector<16xi1>, vector<16xf32>
      %select_n3A_173 = arith.select %lt3A_153, %select_n3A_171, %select_n3A_61 : vector<16xi1>, vector<16xf32>
      %select_n3A_174 = arith.select %lt3A_153, %select_n3A_62, %select_n3A_170 : vector<16xi1>, vector<16xf32>
      %select_n3A_175 = arith.select %lt3A_153, %select_n3A_63, %select_n3A_171 : vector<16xi1>, vector<16xf32>
      %select_n3A_176 = arith.select %lt3A_169, %and3A_159, %and3A_162 : vector<16xi1>, vector<16xi32>
      %gather3A_177 = tpu.vector_load_idx %arg11[%select_n3A_92] : memref<1024xi32, #tpu.memory_space<vmem>>[vector<16xi32>], vector<16xi32>,
      %gather3A_178 = tpu.vector_load_idx %arg12[%select_n3A_92] : memref<1024xf32, #tpu.memory_space<vmem>>[vector<16xi32>], vector<16xf32>,
      %lt3A_179 = arith.constant 1048576 : i32
      %lt3A_180 = vector.broadcast %lt3A_179 : i32 to vector<16xi32>
      %lt3A_181 = arith.cmpi slt, %gather3A_177, %lt3A_180 : vector<16xi32>
      %shift_right_arithmetic3A_182 = arith.constant 10 : i32
      %shift_right_arithmetic3A_183 = vector.broadcast %shift_right_arithmetic3A_182 : i32 to vector<16xi32>
      %shift_right_arithmetic3A_184 = arith.shrsi %gather3A_177, %shift_right_arithmetic3A_183 : vector<16xi32>
      %and3A_185 = arith.constant 1023 : i32
      %and3A_186 = vector.broadcast %and3A_185 : i32 to vector<16xi32>
      %and3A_187 = arith.andi %shift_right_arithmetic3A_184, %and3A_186 : vector<16xi32>
      %and3A_188 = arith.constant 1023 : i32
      %and3A_189 = vector.broadcast %and3A_188 : i32 to vector<16xi32>
      %and3A_190 = arith.andi %gather3A_177, %and3A_189 : vector<16xi32>
      %select_n3A_191 = arith.select %lt3A_181, %select_n3A_88, %select_n3A_90 : vector<16xi1>, vector<16xf32>
      %select_n3A_192 = arith.select %lt3A_181, %select_n3A_89, %select_n3A_91 : vector<16xi1>, vector<16xf32>
      %select_n3A_193 = arith.select %lt3A_181, %get3A_28, %get3A_30 : vector<16xi1>, vector<16xf32>
      %sub3A_194 = arith.subf %select_n3A_192, %select_n3A_191 : vector<16xf32>
      %mul3A_195 = arith.mulf %gather3A_178, %sub3A_194 : vector<16xf32>
      %add3A_196 = arith.addf %select_n3A_191, %mul3A_195 : vector<16xf32>
      %lt3A_197 = arith.cmpf olt, %select_n3A_193, %add3A_196 : vector<16xf32>
      %select_n3A_198 = arith.select %lt3A_197, %select_n3A_191, %add3A_196 : vector<16xi1>, vector<16xf32>
      %select_n3A_199 = arith.select %lt3A_197, %add3A_196, %select_n3A_192 : vector<16xi1>, vector<16xf32>
      %select_n3A_200 = arith.select %lt3A_181, %select_n3A_198, %select_n3A_88 : vector<16xi1>, vector<16xf32>
      %select_n3A_201 = arith.select %lt3A_181, %select_n3A_199, %select_n3A_89 : vector<16xi1>, vector<16xf32>
      %select_n3A_202 = arith.select %lt3A_181, %select_n3A_90, %select_n3A_198 : vector<16xi1>, vector<16xf32>
      %select_n3A_203 = arith.select %lt3A_181, %select_n3A_91, %select_n3A_199 : vector<16xi1>, vector<16xf32>
      %select_n3A_204 = arith.select %lt3A_197, %and3A_187, %and3A_190 : vector<16xi1>, vector<16xi32>
      %gather3A_205 = tpu.vector_load_idx %arg11[%select_n3A_120] : memref<1024xi32, #tpu.memory_space<vmem>>[vector<16xi32>], vector<16xi32>,
      %gather3A_206 = tpu.vector_load_idx %arg12[%select_n3A_120] : memref<1024xf32, #tpu.memory_space<vmem>>[vector<16xi32>], vector<16xf32>,
      %lt3A_207 = arith.constant 1048576 : i32
      %lt3A_208 = vector.broadcast %lt3A_207 : i32 to vector<16xi32>
      %lt3A_209 = arith.cmpi slt, %gather3A_205, %lt3A_208 : vector<16xi32>
      %shift_right_arithmetic3A_210 = arith.constant 10 : i32
      %shift_right_arithmetic3A_211 = vector.broadcast %shift_right_arithmetic3A_210 : i32 to vector<16xi32>
      %shift_right_arithmetic3A_212 = arith.shrsi %gather3A_205, %shift_right_arithmetic3A_211 : vector<16xi32>
      %and3A_213 = arith.constant 1023 : i32
      %and3A_214 = vector.broadcast %and3A_213 : i32 to vector<16xi32>
      %and3A_215 = arith.andi %shift_right_arithmetic3A_212, %and3A_214 : vector<16xi32>
      %and3A_216 = arith.constant 1023 : i32
      %and3A_217 = vector.broadcast %and3A_216 : i32 to vector<16xi32>
      %and3A_218 = arith.andi %gather3A_205, %and3A_217 : vector<16xi32>
      %select_n3A_219 = arith.select %lt3A_209, %select_n3A_116, %select_n3A_118 : vector<16xi1>, vector<16xf32>
      %select_n3A_220 = arith.select %lt3A_209, %select_n3A_117, %select_n3A_119 : vector<16xi1>, vector<16xf32>
      %select_n3A_221 = arith.select %lt3A_209, %get3A_34, %get3A_36 : vector<16xi1>, vector<16xf32>
      %sub3A_222 = arith.subf %select_n3A_220, %select_n3A_219 : vector<16xf32>
      %mul3A_223 = arith.mulf %gather3A_206, %sub3A_222 : vector<16xf32>
      %add3A_224 = arith.addf %select_n3A_219, %mul3A_223 : vector<16xf32>
      %lt3A_225 = arith.cmpf olt, %select_n3A_221, %add3A_224 : vector<16xf32>
      %select_n3A_226 = arith.select %lt3A_225, %select_n3A_219, %add3A_224 : vector<16xi1>, vector<16xf32>
      %select_n3A_227 = arith.select %lt3A_225, %add3A_224, %select_n3A_220 : vector<16xi1>, vector<16xf32>
      %select_n3A_228 = arith.select %lt3A_209, %select_n3A_226, %select_n3A_116 : vector<16xi1>, vector<16xf32>
      %select_n3A_229 = arith.select %lt3A_209, %select_n3A_227, %select_n3A_117 : vector<16xi1>, vector<16xf32>
      %select_n3A_230 = arith.select %lt3A_209, %select_n3A_118, %select_n3A_226 : vector<16xi1>, vector<16xf32>
      %select_n3A_231 = arith.select %lt3A_209, %select_n3A_119, %select_n3A_227 : vector<16xi1>, vector<16xf32>
      %select_n3A_232 = arith.select %lt3A_225, %and3A_215, %and3A_218 : vector<16xi1>, vector<16xi32>
      %gather3A_233 = tpu.vector_load_idx %arg11[%select_n3A_148] : memref<1024xi32, #tpu.memory_space<vmem>>[vector<16xi32>], vector<16xi32>,
      %gather3A_234 = tpu.vector_load_idx %arg12[%select_n3A_148] : memref<1024xf32, #tpu.memory_space<vmem>>[vector<16xi32>], vector<16xf32>,
      %lt3A_235 = arith.constant 1048576 : i32
      %lt3A_236 = vector.broadcast %lt3A_235 : i32 to vector<16xi32>
      %lt3A_237 = arith.cmpi slt, %gather3A_233, %lt3A_236 : vector<16xi32>
      %shift_right_arithmetic3A_238 = arith.constant 10 : i32
      %shift_right_arithmetic3A_239 = vector.broadcast %shift_right_arithmetic3A_238 : i32 to vector<16xi32>
      %shift_right_arithmetic3A_240 = arith.shrsi %gather3A_233, %shift_right_arithmetic3A_239 : vector<16xi32>
      %and3A_241 = arith.constant 1023 : i32
      %and3A_242 = vector.broadcast %and3A_241 : i32 to vector<16xi32>
      %and3A_243 = arith.andi %shift_right_arithmetic3A_240, %and3A_242 : vector<16xi32>
      %and3A_244 = arith.constant 1023 : i32
      %and3A_245 = vector.broadcast %and3A_244 : i32 to vector<16xi32>
      %and3A_246 = arith.andi %gather3A_233, %and3A_245 : vector<16xi32>
      %select_n3A_247 = arith.select %lt3A_237, %select_n3A_144, %select_n3A_146 : vector<16xi1>, vector<16xf32>
      %select_n3A_248 = arith.select %lt3A_237, %select_n3A_145, %select_n3A_147 : vector<16xi1>, vector<16xf32>
      %select_n3A_249 = arith.select %lt3A_237, %get3A_40, %get3A_42 : vector<16xi1>, vector<16xf32>
      %sub3A_250 = arith.subf %select_n3A_248, %select_n3A_247 : vector<16xf32>
      %mul3A_251 = arith.mulf %gather3A_234, %sub3A_250 : vector<16xf32>
      %add3A_252 = arith.addf %select_n3A_247, %mul3A_251 : vector<16xf32>
      %lt3A_253 = arith.cmpf olt, %select_n3A_249, %add3A_252 : vector<16xf32>
      %select_n3A_254 = arith.select %lt3A_253, %select_n3A_247, %add3A_252 : vector<16xi1>, vector<16xf32>
      %select_n3A_255 = arith.select %lt3A_253, %add3A_252, %select_n3A_248 : vector<16xi1>, vector<16xf32>
      %select_n3A_256 = arith.select %lt3A_237, %select_n3A_254, %select_n3A_144 : vector<16xi1>, vector<16xf32>
      %select_n3A_257 = arith.select %lt3A_237, %select_n3A_255, %select_n3A_145 : vector<16xi1>, vector<16xf32>
      %select_n3A_258 = arith.select %lt3A_237, %select_n3A_146, %select_n3A_254 : vector<16xi1>, vector<16xf32>
      %select_n3A_259 = arith.select %lt3A_237, %select_n3A_147, %select_n3A_255 : vector<16xi1>, vector<16xf32>
      %select_n3A_260 = arith.select %lt3A_253, %and3A_243, %and3A_246 : vector<16xi1>, vector<16xi32>
      %gather3A_261 = tpu.vector_load_idx %arg11[%select_n3A_176] : memref<1024xi32, #tpu.memory_space<vmem>>[vector<16xi32>], vector<16xi32>,
      %gather3A_262 = tpu.vector_load_idx %arg12[%select_n3A_176] : memref<1024xf32, #tpu.memory_space<vmem>>[vector<16xi32>], vector<16xf32>,
      %lt3A_263 = arith.constant 1048576 : i32
      %lt3A_264 = vector.broadcast %lt3A_263 : i32 to vector<16xi32>
      %lt3A_265 = arith.cmpi slt, %gather3A_261, %lt3A_264 : vector<16xi32>
      %shift_right_arithmetic3A_266 = arith.constant 10 : i32
      %shift_right_arithmetic3A_267 = vector.broadcast %shift_right_arithmetic3A_266 : i32 to vector<16xi32>
      %shift_right_arithmetic3A_268 = arith.shrsi %gather3A_261, %shift_right_arithmetic3A_267 : vector<16xi32>
      %and3A_269 = arith.constant 1023 : i32
      %and3A_270 = vector.broadcast %and3A_269 : i32 to vector<16xi32>
      %and3A_271 = arith.andi %shift_right_arithmetic3A_268, %and3A_270 : vector<16xi32>
      %and3A_272 = arith.constant 1023 : i32
      %and3A_273 = vector.broadcast %and3A_272 : i32 to vector<16xi32>
      %and3A_274 = arith.andi %gather3A_261, %and3A_273 : vector<16xi32>
      %select_n3A_275 = arith.select %lt3A_265, %select_n3A_172, %select_n3A_174 : vector<16xi1>, vector<16xf32>
      %select_n3A_276 = arith.select %lt3A_265, %select_n3A_173, %select_n3A_175 : vector<16xi1>, vector<16xf32>
      %select_n3A_277 = arith.select %lt3A_265, %get3A_22, %get3A_24 : vector<16xi1>, vector<16xf32>
      %sub3A_278 = arith.subf %select_n3A_276, %select_n3A_275 : vector<16xf32>
      %mul3A_279 = arith.mulf %gather3A_262, %sub3A_278 : vector<16xf32>
      %add3A_280 = arith.addf %select_n3A_275, %mul3A_279 : vector<16xf32>
      %lt3A_281 = arith.cmpf olt, %select_n3A_277, %add3A_280 : vector<16xf32>
      %select_n3A_282 = arith.select %lt3A_281, %select_n3A_275, %add3A_280 : vector<16xi1>, vector<16xf32>
      %select_n3A_283 = arith.select %lt3A_281, %add3A_280, %select_n3A_276 : vector<16xi1>, vector<16xf32>
      %select_n3A_284 = arith.select %lt3A_265, %select_n3A_282, %select_n3A_172 : vector<16xi1>, vector<16xf32>
      %select_n3A_285 = arith.select %lt3A_265, %select_n3A_283, %select_n3A_173 : vector<16xi1>, vector<16xf32>
      %select_n3A_286 = arith.select %lt3A_265, %select_n3A_174, %select_n3A_282 : vector<16xi1>, vector<16xf32>
      %select_n3A_287 = arith.select %lt3A_265, %select_n3A_175, %select_n3A_283 : vector<16xi1>, vector<16xf32>
      %select_n3A_288 = arith.select %lt3A_281, %and3A_271, %and3A_274 : vector<16xi1>, vector<16xi32>
      %gather3A_289 = tpu.vector_load_idx %arg11[%select_n3A_204] : memref<1024xi32, #tpu.memory_space<vmem>>[vector<16xi32>], vector<16xi32>,
      %gather3A_290 = tpu.vector_load_idx %arg12[%select_n3A_204] : memref<1024xf32, #tpu.memory_space<vmem>>[vector<16xi32>], vector<16xf32>,
      %lt3A_291 = arith.constant 1048576 : i32
      %lt3A_292 = vector.broadcast %lt3A_291 : i32 to vector<16xi32>
      %lt3A_293 = arith.cmpi slt, %gather3A_289, %lt3A_292 : vector<16xi32>
      %shift_right_arithmetic3A_294 = arith.constant 10 : i32
      %shift_right_arithmetic3A_295 = vector.broadcast %shift_right_arithmetic3A_294 : i32 to vector<16xi32>
      %shift_right_arithmetic3A_296 = arith.shrsi %gather3A_289, %shift_right_arithmetic3A_295 : vector<16xi32>
      %and3A_297 = arith.constant 1023 : i32
      %and3A_298 = vector.broadcast %and3A_297 : i32 to vector<16xi32>
      %and3A_299 = arith.andi %shift_right_arithmetic3A_296, %and3A_298 : vector<16xi32>
      %and3A_300 = arith.constant 1023 : i32
      %and3A_301 = vector.broadcast %and3A_300 : i32 to vector<16xi32>
      %and3A_302 = arith.andi %gather3A_289, %and3A_301 : vector<16xi32>
      %select_n3A_303 = arith.select %lt3A_293, %select_n3A_200, %select_n3A_202 : vector<16xi1>, vector<16xf32>
      %select_n3A_304 = arith.select %lt3A_293, %select_n3A_201, %select_n3A_203 : vector<16xi1>, vector<16xf32>
      %select_n3A_305 = arith.select %lt3A_293, %get3A_28, %get3A_30 : vector<16xi1>, vector<16xf32>
      %sub3A_306 = arith.subf %select_n3A_304, %select_n3A_303 : vector<16xf32>
      %mul3A_307 = arith.mulf %gather3A_290, %sub3A_306 : vector<16xf32>
      %add3A_308 = arith.addf %select_n3A_303, %mul3A_307 : vector<16xf32>
      %lt3A_309 = arith.cmpf olt, %select_n3A_305, %add3A_308 : vector<16xf32>
      %select_n3A_310 = arith.select %lt3A_309, %select_n3A_303, %add3A_308 : vector<16xi1>, vector<16xf32>
      %select_n3A_311 = arith.select %lt3A_309, %add3A_308, %select_n3A_304 : vector<16xi1>, vector<16xf32>
      %select_n3A_312 = arith.select %lt3A_293, %select_n3A_310, %select_n3A_200 : vector<16xi1>, vector<16xf32>
      %select_n3A_313 = arith.select %lt3A_293, %select_n3A_311, %select_n3A_201 : vector<16xi1>, vector<16xf32>
      %select_n3A_314 = arith.select %lt3A_293, %select_n3A_202, %select_n3A_310 : vector<16xi1>, vector<16xf32>
      %select_n3A_315 = arith.select %lt3A_293, %select_n3A_203, %select_n3A_311 : vector<16xi1>, vector<16xf32>
      %select_n3A_316 = arith.select %lt3A_309, %and3A_299, %and3A_302 : vector<16xi1>, vector<16xi32>
      %gather3A_317 = tpu.vector_load_idx %arg11[%select_n3A_232] : memref<1024xi32, #tpu.memory_space<vmem>>[vector<16xi32>], vector<16xi32>,
      %gather3A_318 = tpu.vector_load_idx %arg12[%select_n3A_232] : memref<1024xf32, #tpu.memory_space<vmem>>[vector<16xi32>], vector<16xf32>,
      %lt3A_319 = arith.constant 1048576 : i32
      %lt3A_320 = vector.broadcast %lt3A_319 : i32 to vector<16xi32>
      %lt3A_321 = arith.cmpi slt, %gather3A_317, %lt3A_320 : vector<16xi32>
      %shift_right_arithmetic3A_322 = arith.constant 10 : i32
      %shift_right_arithmetic3A_323 = vector.broadcast %shift_right_arithmetic3A_322 : i32 to vector<16xi32>
      %shift_right_arithmetic3A_324 = arith.shrsi %gather3A_317, %shift_right_arithmetic3A_323 : vector<16xi32>
      %and3A_325 = arith.constant 1023 : i32
      %and3A_326 = vector.broadcast %and3A_325 : i32 to vector<16xi32>
      %and3A_327 = arith.andi %shift_right_arithmetic3A_324, %and3A_326 : vector<16xi32>
      %and3A_328 = arith.constant 1023 : i32
      %and3A_329 = vector.broadcast %and3A_328 : i32 to vector<16xi32>
      %and3A_330 = arith.andi %gather3A_317, %and3A_329 : vector<16xi32>
      %select_n3A_331 = arith.select %lt3A_321, %select_n3A_228, %select_n3A_230 : vector<16xi1>, vector<16xf32>
      %select_n3A_332 = arith.select %lt3A_321, %select_n3A_229, %select_n3A_231 : vector<16xi1>, vector<16xf32>
      %select_n3A_333 = arith.select %lt3A_321, %get3A_34, %get3A_36 : vector<16xi1>, vector<16xf32>
      %sub3A_334 = arith.subf %select_n3A_332, %select_n3A_331 : vector<16xf32>
      %mul3A_335 = arith.mulf %gather3A_318, %sub3A_334 : vector<16xf32>
      %add3A_336 = arith.addf %select_n3A_331, %mul3A_335 : vector<16xf32>
      %lt3A_337 = arith.cmpf olt, %select_n3A_333, %add3A_336 : vector<16xf32>
      %select_n3A_338 = arith.select %lt3A_337, %select_n3A_331, %add3A_336 : vector<16xi1>, vector<16xf32>
      %select_n3A_339 = arith.select %lt3A_337, %add3A_336, %select_n3A_332 : vector<16xi1>, vector<16xf32>
      %select_n3A_340 = arith.select %lt3A_321, %select_n3A_338, %select_n3A_228 : vector<16xi1>, vector<16xf32>
      %select_n3A_341 = arith.select %lt3A_321, %select_n3A_339, %select_n3A_229 : vector<16xi1>, vector<16xf32>
      %select_n3A_342 = arith.select %lt3A_321, %select_n3A_230, %select_n3A_338 : vector<16xi1>, vector<16xf32>
      %select_n3A_343 = arith.select %lt3A_321, %select_n3A_231, %select_n3A_339 : vector<16xi1>, vector<16xf32>
      %select_n3A_344 = arith.select %lt3A_337, %and3A_327, %and3A_330 : vector<16xi1>, vector<16xi32>
      %gather3A_345 = tpu.vector_load_idx %arg11[%select_n3A_260] : memref<1024xi32, #tpu.memory_space<vmem>>[vector<16xi32>], vector<16xi32>,
      %gather3A_346 = tpu.vector_load_idx %arg12[%select_n3A_260] : memref<1024xf32, #tpu.memory_space<vmem>>[vector<16xi32>], vector<16xf32>,
      %lt3A_347 = arith.constant 1048576 : i32
      %lt3A_348 = vector.broadcast %lt3A_347 : i32 to vector<16xi32>
      %lt3A_349 = arith.cmpi slt, %gather3A_345, %lt3A_348 : vector<16xi32>
      %shift_right_arithmetic3A_350 = arith.constant 10 : i32
      %shift_right_arithmetic3A_351 = vector.broadcast %shift_right_arithmetic3A_350 : i32 to vector<16xi32>
      %shift_right_arithmetic3A_352 = arith.shrsi %gather3A_345, %shift_right_arithmetic3A_351 : vector<16xi32>
      %and3A_353 = arith.constant 1023 : i32
      %and3A_354 = vector.broadcast %and3A_353 : i32 to vector<16xi32>
      %and3A_355 = arith.andi %shift_right_arithmetic3A_352, %and3A_354 : vector<16xi32>
      %and3A_356 = arith.constant 1023 : i32
      %and3A_357 = vector.broadcast %and3A_356 : i32 to vector<16xi32>
      %and3A_358 = arith.andi %gather3A_345, %and3A_357 : vector<16xi32>
      %select_n3A_359 = arith.select %lt3A_349, %select_n3A_256, %select_n3A_258 : vector<16xi1>, vector<16xf32>
      %select_n3A_360 = arith.select %lt3A_349, %select_n3A_257, %select_n3A_259 : vector<16xi1>, vector<16xf32>
      %select_n3A_361 = arith.select %lt3A_349, %get3A_40, %get3A_42 : vector<16xi1>, vector<16xf32>
      %sub3A_362 = arith.subf %select_n3A_360, %select_n3A_359 : vector<16xf32>
      %mul3A_363 = arith.mulf %gather3A_346, %sub3A_362 : vector<16xf32>
      %add3A_364 = arith.addf %select_n3A_359, %mul3A_363 : vector<16xf32>
      %lt3A_365 = arith.cmpf olt, %select_n3A_361, %add3A_364 : vector<16xf32>
      %select_n3A_366 = arith.select %lt3A_365, %select_n3A_359, %add3A_364 : vector<16xi1>, vector<16xf32>
      %select_n3A_367 = arith.select %lt3A_365, %add3A_364, %select_n3A_360 : vector<16xi1>, vector<16xf32>
      %select_n3A_368 = arith.select %lt3A_349, %select_n3A_366, %select_n3A_256 : vector<16xi1>, vector<16xf32>
      %select_n3A_369 = arith.select %lt3A_349, %select_n3A_367, %select_n3A_257 : vector<16xi1>, vector<16xf32>
      %select_n3A_370 = arith.select %lt3A_349, %select_n3A_258, %select_n3A_366 : vector<16xi1>, vector<16xf32>
      %select_n3A_371 = arith.select %lt3A_349, %select_n3A_259, %select_n3A_367 : vector<16xi1>, vector<16xf32>
      %select_n3A_372 = arith.select %lt3A_365, %and3A_355, %and3A_358 : vector<16xi1>, vector<16xi32>
      %gather3A_373 = tpu.vector_load_idx %arg11[%select_n3A_288] : memref<1024xi32, #tpu.memory_space<vmem>>[vector<16xi32>], vector<16xi32>,
      %gather3A_374 = tpu.vector_load_idx %arg12[%select_n3A_288] : memref<1024xf32, #tpu.memory_space<vmem>>[vector<16xi32>], vector<16xf32>,
      %lt3A_375 = arith.constant 1048576 : i32
      %lt3A_376 = vector.broadcast %lt3A_375 : i32 to vector<16xi32>
      %lt3A_377 = arith.cmpi slt, %gather3A_373, %lt3A_376 : vector<16xi32>
      %shift_right_arithmetic3A_378 = arith.constant 10 : i32
      %shift_right_arithmetic3A_379 = vector.broadcast %shift_right_arithmetic3A_378 : i32 to vector<16xi32>
      %shift_right_arithmetic3A_380 = arith.shrsi %gather3A_373, %shift_right_arithmetic3A_379 : vector<16xi32>
      %and3A_381 = arith.constant 1023 : i32
      %and3A_382 = vector.broadcast %and3A_381 : i32 to vector<16xi32>
      %and3A_383 = arith.andi %shift_right_arithmetic3A_380, %and3A_382 : vector<16xi32>
      %and3A_384 = arith.constant 1023 : i32
      %and3A_385 = vector.broadcast %and3A_384 : i32 to vector<16xi32>
      %and3A_386 = arith.andi %gather3A_373, %and3A_385 : vector<16xi32>
      %select_n3A_387 = arith.select %lt3A_377, %select_n3A_284, %select_n3A_286 : vector<16xi1>, vector<16xf32>
      %select_n3A_388 = arith.select %lt3A_377, %select_n3A_285, %select_n3A_287 : vector<16xi1>, vector<16xf32>
      %select_n3A_389 = arith.select %lt3A_377, %get3A_22, %get3A_24 : vector<16xi1>, vector<16xf32>
      %sub3A_390 = arith.subf %select_n3A_388, %select_n3A_387 : vector<16xf32>
      %mul3A_391 = arith.mulf %gather3A_374, %sub3A_390 : vector<16xf32>
      %add3A_392 = arith.addf %select_n3A_387, %mul3A_391 : vector<16xf32>
      %lt3A_393 = arith.cmpf olt, %select_n3A_389, %add3A_392 : vector<16xf32>
      %select_n3A_394 = arith.select %lt3A_393, %select_n3A_387, %add3A_392 : vector<16xi1>, vector<16xf32>
      %select_n3A_395 = arith.select %lt3A_393, %add3A_392, %select_n3A_388 : vector<16xi1>, vector<16xf32>
      %select_n3A_396 = arith.select %lt3A_377, %select_n3A_394, %select_n3A_284 : vector<16xi1>, vector<16xf32>
      %select_n3A_397 = arith.select %lt3A_377, %select_n3A_395, %select_n3A_285 : vector<16xi1>, vector<16xf32>
      %select_n3A_398 = arith.select %lt3A_377, %select_n3A_286, %select_n3A_394 : vector<16xi1>, vector<16xf32>
      %select_n3A_399 = arith.select %lt3A_377, %select_n3A_287, %select_n3A_395 : vector<16xi1>, vector<16xf32>
      %select_n3A_400 = arith.select %lt3A_393, %and3A_383, %and3A_386 : vector<16xi1>, vector<16xi32>
      %gather3A_401 = tpu.vector_load_idx %arg11[%select_n3A_316] : memref<1024xi32, #tpu.memory_space<vmem>>[vector<16xi32>], vector<16xi32>,
      %gather3A_402 = tpu.vector_load_idx %arg12[%select_n3A_316] : memref<1024xf32, #tpu.memory_space<vmem>>[vector<16xi32>], vector<16xf32>,
      %lt3A_403 = arith.constant 1048576 : i32
      %lt3A_404 = vector.broadcast %lt3A_403 : i32 to vector<16xi32>
      %lt3A_405 = arith.cmpi slt, %gather3A_401, %lt3A_404 : vector<16xi32>
      %shift_right_arithmetic3A_406 = arith.constant 10 : i32
      %shift_right_arithmetic3A_407 = vector.broadcast %shift_right_arithmetic3A_406 : i32 to vector<16xi32>
      %shift_right_arithmetic3A_408 = arith.shrsi %gather3A_401, %shift_right_arithmetic3A_407 : vector<16xi32>
      %and3A_409 = arith.constant 1023 : i32
      %and3A_410 = vector.broadcast %and3A_409 : i32 to vector<16xi32>
      %and3A_411 = arith.andi %shift_right_arithmetic3A_408, %and3A_410 : vector<16xi32>
      %and3A_412 = arith.constant 1023 : i32
      %and3A_413 = vector.broadcast %and3A_412 : i32 to vector<16xi32>
      %and3A_414 = arith.andi %gather3A_401, %and3A_413 : vector<16xi32>
      %select_n3A_415 = arith.select %lt3A_405, %select_n3A_312, %select_n3A_314 : vector<16xi1>, vector<16xf32>
      %select_n3A_416 = arith.select %lt3A_405, %select_n3A_313, %select_n3A_315 : vector<16xi1>, vector<16xf32>
      %select_n3A_417 = arith.select %lt3A_405, %get3A_28, %get3A_30 : vector<16xi1>, vector<16xf32>
      %sub3A_418 = arith.subf %select_n3A_416, %select_n3A_415 : vector<16xf32>
      %mul3A_419 = arith.mulf %gather3A_402, %sub3A_418 : vector<16xf32>
      %add3A_420 = arith.addf %select_n3A_415, %mul3A_419 : vector<16xf32>
      %lt3A_421 = arith.cmpf olt, %select_n3A_417, %add3A_420 : vector<16xf32>
      %select_n3A_422 = arith.select %lt3A_421, %select_n3A_415, %add3A_420 : vector<16xi1>, vector<16xf32>
      %select_n3A_423 = arith.select %lt3A_421, %add3A_420, %select_n3A_416 : vector<16xi1>, vector<16xf32>
      %select_n3A_424 = arith.select %lt3A_405, %select_n3A_422, %select_n3A_312 : vector<16xi1>, vector<16xf32>
      %select_n3A_425 = arith.select %lt3A_405, %select_n3A_423, %select_n3A_313 : vector<16xi1>, vector<16xf32>
      %select_n3A_426 = arith.select %lt3A_405, %select_n3A_314, %select_n3A_422 : vector<16xi1>, vector<16xf32>
      %select_n3A_427 = arith.select %lt3A_405, %select_n3A_315, %select_n3A_423 : vector<16xi1>, vector<16xf32>
      %select_n3A_428 = arith.select %lt3A_421, %and3A_411, %and3A_414 : vector<16xi1>, vector<16xi32>
      %gather3A_429 = tpu.vector_load_idx %arg11[%select_n3A_344] : memref<1024xi32, #tpu.memory_space<vmem>>[vector<16xi32>], vector<16xi32>,
      %gather3A_430 = tpu.vector_load_idx %arg12[%select_n3A_344] : memref<1024xf32, #tpu.memory_space<vmem>>[vector<16xi32>], vector<16xf32>,
      %lt3A_431 = arith.constant 1048576 : i32
      %lt3A_432 = vector.broadcast %lt3A_431 : i32 to vector<16xi32>
      %lt3A_433 = arith.cmpi slt, %gather3A_429, %lt3A_432 : vector<16xi32>
      %shift_right_arithmetic3A_434 = arith.constant 10 : i32
      %shift_right_arithmetic3A_435 = vector.broadcast %shift_right_arithmetic3A_434 : i32 to vector<16xi32>
      %shift_right_arithmetic3A_436 = arith.shrsi %gather3A_429, %shift_right_arithmetic3A_435 : vector<16xi32>
      %and3A_437 = arith.constant 1023 : i32
      %and3A_438 = vector.broadcast %and3A_437 : i32 to vector<16xi32>
      %and3A_439 = arith.andi %shift_right_arithmetic3A_436, %and3A_438 : vector<16xi32>
      %and3A_440 = arith.constant 1023 : i32
      %and3A_441 = vector.broadcast %and3A_440 : i32 to vector<16xi32>
      %and3A_442 = arith.andi %gather3A_429, %and3A_441 : vector<16xi32>
      %select_n3A_443 = arith.select %lt3A_433, %select_n3A_340, %select_n3A_342 : vector<16xi1>, vector<16xf32>
      %select_n3A_444 = arith.select %lt3A_433, %select_n3A_341, %select_n3A_343 : vector<16xi1>, vector<16xf32>
      %select_n3A_445 = arith.select %lt3A_433, %get3A_34, %get3A_36 : vector<16xi1>, vector<16xf32>
      %sub3A_446 = arith.subf %select_n3A_444, %select_n3A_443 : vector<16xf32>
      %mul3A_447 = arith.mulf %gather3A_430, %sub3A_446 : vector<16xf32>
      %add3A_448 = arith.addf %select_n3A_443, %mul3A_447 : vector<16xf32>
      %lt3A_449 = arith.cmpf olt, %select_n3A_445, %add3A_448 : vector<16xf32>
      %select_n3A_450 = arith.select %lt3A_449, %select_n3A_443, %add3A_448 : vector<16xi1>, vector<16xf32>
      %select_n3A_451 = arith.select %lt3A_449, %add3A_448, %select_n3A_444 : vector<16xi1>, vector<16xf32>
      %select_n3A_452 = arith.select %lt3A_433, %select_n3A_450, %select_n3A_340 : vector<16xi1>, vector<16xf32>
      %select_n3A_453 = arith.select %lt3A_433, %select_n3A_451, %select_n3A_341 : vector<16xi1>, vector<16xf32>
      %select_n3A_454 = arith.select %lt3A_433, %select_n3A_342, %select_n3A_450 : vector<16xi1>, vector<16xf32>
      %select_n3A_455 = arith.select %lt3A_433, %select_n3A_343, %select_n3A_451 : vector<16xi1>, vector<16xf32>
      %select_n3A_456 = arith.select %lt3A_449, %and3A_439, %and3A_442 : vector<16xi1>, vector<16xi32>
      %gather3A_457 = tpu.vector_load_idx %arg11[%select_n3A_372] : memref<1024xi32, #tpu.memory_space<vmem>>[vector<16xi32>], vector<16xi32>,
      %gather3A_458 = tpu.vector_load_idx %arg12[%select_n3A_372] : memref<1024xf32, #tpu.memory_space<vmem>>[vector<16xi32>], vector<16xf32>,
      %lt3A_459 = arith.constant 1048576 : i32
      %lt3A_460 = vector.broadcast %lt3A_459 : i32 to vector<16xi32>
      %lt3A_461 = arith.cmpi slt, %gather3A_457, %lt3A_460 : vector<16xi32>
      %shift_right_arithmetic3A_462 = arith.constant 10 : i32
      %shift_right_arithmetic3A_463 = vector.broadcast %shift_right_arithmetic3A_462 : i32 to vector<16xi32>
      %shift_right_arithmetic3A_464 = arith.shrsi %gather3A_457, %shift_right_arithmetic3A_463 : vector<16xi32>
      %and3A_465 = arith.constant 1023 : i32
      %and3A_466 = vector.broadcast %and3A_465 : i32 to vector<16xi32>
      %and3A_467 = arith.andi %shift_right_arithmetic3A_464, %and3A_466 : vector<16xi32>
      %and3A_468 = arith.constant 1023 : i32
      %and3A_469 = vector.broadcast %and3A_468 : i32 to vector<16xi32>
      %and3A_470 = arith.andi %gather3A_457, %and3A_469 : vector<16xi32>
      %select_n3A_471 = arith.select %lt3A_461, %select_n3A_368, %select_n3A_370 : vector<16xi1>, vector<16xf32>
      %select_n3A_472 = arith.select %lt3A_461, %select_n3A_369, %select_n3A_371 : vector<16xi1>, vector<16xf32>
      %select_n3A_473 = arith.select %lt3A_461, %get3A_40, %get3A_42 : vector<16xi1>, vector<16xf32>
      %sub3A_474 = arith.subf %select_n3A_472, %select_n3A_471 : vector<16xf32>
      %mul3A_475 = arith.mulf %gather3A_458, %sub3A_474 : vector<16xf32>
      %add3A_476 = arith.addf %select_n3A_471, %mul3A_475 : vector<16xf32>
      %lt3A_477 = arith.cmpf olt, %select_n3A_473, %add3A_476 : vector<16xf32>
      %select_n3A_478 = arith.select %lt3A_477, %select_n3A_471, %add3A_476 : vector<16xi1>, vector<16xf32>
      %select_n3A_479 = arith.select %lt3A_477, %add3A_476, %select_n3A_472 : vector<16xi1>, vector<16xf32>
      %select_n3A_480 = arith.select %lt3A_461, %select_n3A_478, %select_n3A_368 : vector<16xi1>, vector<16xf32>
      %select_n3A_481 = arith.select %lt3A_461, %select_n3A_479, %select_n3A_369 : vector<16xi1>, vector<16xf32>
      %select_n3A_482 = arith.select %lt3A_461, %select_n3A_370, %select_n3A_478 : vector<16xi1>, vector<16xf32>
      %select_n3A_483 = arith.select %lt3A_461, %select_n3A_371, %select_n3A_479 : vector<16xi1>, vector<16xf32>
      %select_n3A_484 = arith.select %lt3A_477, %and3A_467, %and3A_470 : vector<16xi1>, vector<16xi32>
      %gather3A_485 = tpu.vector_load_idx %arg11[%select_n3A_400] : memref<1024xi32, #tpu.memory_space<vmem>>[vector<16xi32>], vector<16xi32>,
      %gather3A_486 = tpu.vector_load_idx %arg12[%select_n3A_400] : memref<1024xf32, #tpu.memory_space<vmem>>[vector<16xi32>], vector<16xf32>,
      %lt3A_487 = arith.constant 1048576 : i32
      %lt3A_488 = vector.broadcast %lt3A_487 : i32 to vector<16xi32>
      %lt3A_489 = arith.cmpi slt, %gather3A_485, %lt3A_488 : vector<16xi32>
      %shift_right_arithmetic3A_490 = arith.constant 10 : i32
      %shift_right_arithmetic3A_491 = vector.broadcast %shift_right_arithmetic3A_490 : i32 to vector<16xi32>
      %shift_right_arithmetic3A_492 = arith.shrsi %gather3A_485, %shift_right_arithmetic3A_491 : vector<16xi32>
      %and3A_493 = arith.constant 1023 : i32
      %and3A_494 = vector.broadcast %and3A_493 : i32 to vector<16xi32>
      %and3A_495 = arith.andi %shift_right_arithmetic3A_492, %and3A_494 : vector<16xi32>
      %and3A_496 = arith.constant 1023 : i32
      %and3A_497 = vector.broadcast %and3A_496 : i32 to vector<16xi32>
      %and3A_498 = arith.andi %gather3A_485, %and3A_497 : vector<16xi32>
      %select_n3A_499 = arith.select %lt3A_489, %select_n3A_396, %select_n3A_398 : vector<16xi1>, vector<16xf32>
      %select_n3A_500 = arith.select %lt3A_489, %select_n3A_397, %select_n3A_399 : vector<16xi1>, vector<16xf32>
      %select_n3A_501 = arith.select %lt3A_489, %get3A_22, %get3A_24 : vector<16xi1>, vector<16xf32>
      %sub3A_502 = arith.subf %select_n3A_500, %select_n3A_499 : vector<16xf32>
      %mul3A_503 = arith.mulf %gather3A_486, %sub3A_502 : vector<16xf32>
      %add3A_504 = arith.addf %select_n3A_499, %mul3A_503 : vector<16xf32>
      %lt3A_505 = arith.cmpf olt, %select_n3A_501, %add3A_504 : vector<16xf32>
      %select_n3A_506 = arith.select %lt3A_505, %select_n3A_499, %add3A_504 : vector<16xi1>, vector<16xf32>
      %select_n3A_507 = arith.select %lt3A_505, %add3A_504, %select_n3A_500 : vector<16xi1>, vector<16xf32>
      %select_n3A_508 = arith.select %lt3A_489, %select_n3A_506, %select_n3A_396 : vector<16xi1>, vector<16xf32>
      %select_n3A_509 = arith.select %lt3A_489, %select_n3A_507, %select_n3A_397 : vector<16xi1>, vector<16xf32>
      %select_n3A_510 = arith.select %lt3A_489, %select_n3A_398, %select_n3A_506 : vector<16xi1>, vector<16xf32>
      %select_n3A_511 = arith.select %lt3A_489, %select_n3A_399, %select_n3A_507 : vector<16xi1>, vector<16xf32>
      %select_n3A_512 = arith.select %lt3A_505, %and3A_495, %and3A_498 : vector<16xi1>, vector<16xi32>
      %gather3A_513 = tpu.vector_load_idx %arg11[%select_n3A_428] : memref<1024xi32, #tpu.memory_space<vmem>>[vector<16xi32>], vector<16xi32>,
      %gather3A_514 = tpu.vector_load_idx %arg12[%select_n3A_428] : memref<1024xf32, #tpu.memory_space<vmem>>[vector<16xi32>], vector<16xf32>,
      %lt3A_515 = arith.constant 1048576 : i32
      %lt3A_516 = vector.broadcast %lt3A_515 : i32 to vector<16xi32>
      %lt3A_517 = arith.cmpi slt, %gather3A_513, %lt3A_516 : vector<16xi32>
      %shift_right_arithmetic3A_518 = arith.constant 10 : i32
      %shift_right_arithmetic3A_519 = vector.broadcast %shift_right_arithmetic3A_518 : i32 to vector<16xi32>
      %shift_right_arithmetic3A_520 = arith.shrsi %gather3A_513, %shift_right_arithmetic3A_519 : vector<16xi32>
      %and3A_521 = arith.constant 1023 : i32
      %and3A_522 = vector.broadcast %and3A_521 : i32 to vector<16xi32>
      %and3A_523 = arith.andi %shift_right_arithmetic3A_520, %and3A_522 : vector<16xi32>
      %and3A_524 = arith.constant 1023 : i32
      %and3A_525 = vector.broadcast %and3A_524 : i32 to vector<16xi32>
      %and3A_526 = arith.andi %gather3A_513, %and3A_525 : vector<16xi32>
      %select_n3A_527 = arith.select %lt3A_517, %select_n3A_424, %select_n3A_426 : vector<16xi1>, vector<16xf32>
      %select_n3A_528 = arith.select %lt3A_517, %select_n3A_425, %select_n3A_427 : vector<16xi1>, vector<16xf32>
      %select_n3A_529 = arith.select %lt3A_517, %get3A_28, %get3A_30 : vector<16xi1>, vector<16xf32>
      %sub3A_530 = arith.subf %select_n3A_528, %select_n3A_527 : vector<16xf32>
      %mul3A_531 = arith.mulf %gather3A_514, %sub3A_530 : vector<16xf32>
      %add3A_532 = arith.addf %select_n3A_527, %mul3A_531 : vector<16xf32>
      %lt3A_533 = arith.cmpf olt, %select_n3A_529, %add3A_532 : vector<16xf32>
      %select_n3A_534 = arith.select %lt3A_533, %select_n3A_527, %add3A_532 : vector<16xi1>, vector<16xf32>
      %select_n3A_535 = arith.select %lt3A_533, %add3A_532, %select_n3A_528 : vector<16xi1>, vector<16xf32>
      %select_n3A_536 = arith.select %lt3A_517, %select_n3A_534, %select_n3A_424 : vector<16xi1>, vector<16xf32>
      %select_n3A_537 = arith.select %lt3A_517, %select_n3A_535, %select_n3A_425 : vector<16xi1>, vector<16xf32>
      %select_n3A_538 = arith.select %lt3A_517, %select_n3A_426, %select_n3A_534 : vector<16xi1>, vector<16xf32>
      %select_n3A_539 = arith.select %lt3A_517, %select_n3A_427, %select_n3A_535 : vector<16xi1>, vector<16xf32>
      %select_n3A_540 = arith.select %lt3A_533, %and3A_523, %and3A_526 : vector<16xi1>, vector<16xi32>
      %gather3A_541 = tpu.vector_load_idx %arg11[%select_n3A_456] : memref<1024xi32, #tpu.memory_space<vmem>>[vector<16xi32>], vector<16xi32>,
      %gather3A_542 = tpu.vector_load_idx %arg12[%select_n3A_456] : memref<1024xf32, #tpu.memory_space<vmem>>[vector<16xi32>], vector<16xf32>,
      %lt3A_543 = arith.constant 1048576 : i32
      %lt3A_544 = vector.broadcast %lt3A_543 : i32 to vector<16xi32>
      %lt3A_545 = arith.cmpi slt, %gather3A_541, %lt3A_544 : vector<16xi32>
      %shift_right_arithmetic3A_546 = arith.constant 10 : i32
      %shift_right_arithmetic3A_547 = vector.broadcast %shift_right_arithmetic3A_546 : i32 to vector<16xi32>
      %shift_right_arithmetic3A_548 = arith.shrsi %gather3A_541, %shift_right_arithmetic3A_547 : vector<16xi32>
      %and3A_549 = arith.constant 1023 : i32
      %and3A_550 = vector.broadcast %and3A_549 : i32 to vector<16xi32>
      %and3A_551 = arith.andi %shift_right_arithmetic3A_548, %and3A_550 : vector<16xi32>
      %and3A_552 = arith.constant 1023 : i32
      %and3A_553 = vector.broadcast %and3A_552 : i32 to vector<16xi32>
      %and3A_554 = arith.andi %gather3A_541, %and3A_553 : vector<16xi32>
      %select_n3A_555 = arith.select %lt3A_545, %select_n3A_452, %select_n3A_454 : vector<16xi1>, vector<16xf32>
      %select_n3A_556 = arith.select %lt3A_545, %select_n3A_453, %select_n3A_455 : vector<16xi1>, vector<16xf32>
      %select_n3A_557 = arith.select %lt3A_545, %get3A_34, %get3A_36 : vector<16xi1>, vector<16xf32>
      %sub3A_558 = arith.subf %select_n3A_556, %select_n3A_555 : vector<16xf32>
      %mul3A_559 = arith.mulf %gather3A_542, %sub3A_558 : vector<16xf32>
      %add3A_560 = arith.addf %select_n3A_555, %mul3A_559 : vector<16xf32>
      %lt3A_561 = arith.cmpf olt, %select_n3A_557, %add3A_560 : vector<16xf32>
      %select_n3A_562 = arith.select %lt3A_561, %select_n3A_555, %add3A_560 : vector<16xi1>, vector<16xf32>
      %select_n3A_563 = arith.select %lt3A_561, %add3A_560, %select_n3A_556 : vector<16xi1>, vector<16xf32>
      %select_n3A_564 = arith.select %lt3A_545, %select_n3A_562, %select_n3A_452 : vector<16xi1>, vector<16xf32>
      %select_n3A_565 = arith.select %lt3A_545, %select_n3A_563, %select_n3A_453 : vector<16xi1>, vector<16xf32>
      %select_n3A_566 = arith.select %lt3A_545, %select_n3A_454, %select_n3A_562 : vector<16xi1>, vector<16xf32>
      %select_n3A_567 = arith.select %lt3A_545, %select_n3A_455, %select_n3A_563 : vector<16xi1>, vector<16xf32>
      %select_n3A_568 = arith.select %lt3A_561, %and3A_551, %and3A_554 : vector<16xi1>, vector<16xi32>
      %gather3A_569 = tpu.vector_load_idx %arg11[%select_n3A_484] : memref<1024xi32, #tpu.memory_space<vmem>>[vector<16xi32>], vector<16xi32>,
      %gather3A_570 = tpu.vector_load_idx %arg12[%select_n3A_484] : memref<1024xf32, #tpu.memory_space<vmem>>[vector<16xi32>], vector<16xf32>,
      %lt3A_571 = arith.constant 1048576 : i32
      %lt3A_572 = vector.broadcast %lt3A_571 : i32 to vector<16xi32>
      %lt3A_573 = arith.cmpi slt, %gather3A_569, %lt3A_572 : vector<16xi32>
      %shift_right_arithmetic3A_574 = arith.constant 10 : i32
      %shift_right_arithmetic3A_575 = vector.broadcast %shift_right_arithmetic3A_574 : i32 to vector<16xi32>
      %shift_right_arithmetic3A_576 = arith.shrsi %gather3A_569, %shift_right_arithmetic3A_575 : vector<16xi32>
      %and3A_577 = arith.constant 1023 : i32
      %and3A_578 = vector.broadcast %and3A_577 : i32 to vector<16xi32>
      %and3A_579 = arith.andi %shift_right_arithmetic3A_576, %and3A_578 : vector<16xi32>
      %and3A_580 = arith.constant 1023 : i32
      %and3A_581 = vector.broadcast %and3A_580 : i32 to vector<16xi32>
      %and3A_582 = arith.andi %gather3A_569, %and3A_581 : vector<16xi32>
      %select_n3A_583 = arith.select %lt3A_573, %select_n3A_480, %select_n3A_482 : vector<16xi1>, vector<16xf32>
      %select_n3A_584 = arith.select %lt3A_573, %select_n3A_481, %select_n3A_483 : vector<16xi1>, vector<16xf32>
      %select_n3A_585 = arith.select %lt3A_573, %get3A_40, %get3A_42 : vector<16xi1>, vector<16xf32>
      %sub3A_586 = arith.subf %select_n3A_584, %select_n3A_583 : vector<16xf32>
      %mul3A_587 = arith.mulf %gather3A_570, %sub3A_586 : vector<16xf32>
      %add3A_588 = arith.addf %select_n3A_583, %mul3A_587 : vector<16xf32>
      %lt3A_589 = arith.cmpf olt, %select_n3A_585, %add3A_588 : vector<16xf32>
      %select_n3A_590 = arith.select %lt3A_589, %select_n3A_583, %add3A_588 : vector<16xi1>, vector<16xf32>
      %select_n3A_591 = arith.select %lt3A_589, %add3A_588, %select_n3A_584 : vector<16xi1>, vector<16xf32>
      %select_n3A_592 = arith.select %lt3A_573, %select_n3A_590, %select_n3A_480 : vector<16xi1>, vector<16xf32>
      %select_n3A_593 = arith.select %lt3A_573, %select_n3A_591, %select_n3A_481 : vector<16xi1>, vector<16xf32>
      %select_n3A_594 = arith.select %lt3A_573, %select_n3A_482, %select_n3A_590 : vector<16xi1>, vector<16xf32>
      %select_n3A_595 = arith.select %lt3A_573, %select_n3A_483, %select_n3A_591 : vector<16xi1>, vector<16xf32>
      %select_n3A_596 = arith.select %lt3A_589, %and3A_579, %and3A_582 : vector<16xi1>, vector<16xi32>
      %gather3A_597 = tpu.vector_load_idx %arg11[%select_n3A_512] : memref<1024xi32, #tpu.memory_space<vmem>>[vector<16xi32>], vector<16xi32>,
      %gather3A_598 = tpu.vector_load_idx %arg12[%select_n3A_512] : memref<1024xf32, #tpu.memory_space<vmem>>[vector<16xi32>], vector<16xf32>,
      %lt3A_599 = arith.constant 1048576 : i32
      %lt3A_600 = vector.broadcast %lt3A_599 : i32 to vector<16xi32>
      %lt3A_601 = arith.cmpi slt, %gather3A_597, %lt3A_600 : vector<16xi32>
      %shift_right_arithmetic3A_602 = arith.constant 10 : i32
      %shift_right_arithmetic3A_603 = vector.broadcast %shift_right_arithmetic3A_602 : i32 to vector<16xi32>
      %shift_right_arithmetic3A_604 = arith.shrsi %gather3A_597, %shift_right_arithmetic3A_603 : vector<16xi32>
      %and3A_605 = arith.constant 1023 : i32
      %and3A_606 = vector.broadcast %and3A_605 : i32 to vector<16xi32>
      %and3A_607 = arith.andi %shift_right_arithmetic3A_604, %and3A_606 : vector<16xi32>
      %and3A_608 = arith.constant 1023 : i32
      %and3A_609 = vector.broadcast %and3A_608 : i32 to vector<16xi32>
      %and3A_610 = arith.andi %gather3A_597, %and3A_609 : vector<16xi32>
      %select_n3A_611 = arith.select %lt3A_601, %select_n3A_508, %select_n3A_510 : vector<16xi1>, vector<16xf32>
      %select_n3A_612 = arith.select %lt3A_601, %select_n3A_509, %select_n3A_511 : vector<16xi1>, vector<16xf32>
      %select_n3A_613 = arith.select %lt3A_601, %get3A_22, %get3A_24 : vector<16xi1>, vector<16xf32>
      %sub3A_614 = arith.subf %select_n3A_612, %select_n3A_611 : vector<16xf32>
      %mul3A_615 = arith.mulf %gather3A_598, %sub3A_614 : vector<16xf32>
      %add3A_616 = arith.addf %select_n3A_611, %mul3A_615 : vector<16xf32>
      %lt3A_617 = arith.cmpf olt, %select_n3A_613, %add3A_616 : vector<16xf32>
      %select_n3A_618 = arith.select %lt3A_617, %select_n3A_611, %add3A_616 : vector<16xi1>, vector<16xf32>
      %select_n3A_619 = arith.select %lt3A_617, %add3A_616, %select_n3A_612 : vector<16xi1>, vector<16xf32>
      %select_n3A_620 = arith.select %lt3A_601, %select_n3A_618, %select_n3A_508 : vector<16xi1>, vector<16xf32>
      %select_n3A_621 = arith.select %lt3A_601, %select_n3A_619, %select_n3A_509 : vector<16xi1>, vector<16xf32>
      %select_n3A_622 = arith.select %lt3A_601, %select_n3A_510, %select_n3A_618 : vector<16xi1>, vector<16xf32>
      %select_n3A_623 = arith.select %lt3A_601, %select_n3A_511, %select_n3A_619 : vector<16xi1>, vector<16xf32>
      %select_n3A_624 = arith.select %lt3A_617, %and3A_607, %and3A_610 : vector<16xi1>, vector<16xi32>
      %gather3A_625 = tpu.vector_load_idx %arg11[%select_n3A_540] : memref<1024xi32, #tpu.memory_space<vmem>>[vector<16xi32>], vector<16xi32>,
      %gather3A_626 = tpu.vector_load_idx %arg12[%select_n3A_540] : memref<1024xf32, #tpu.memory_space<vmem>>[vector<16xi32>], vector<16xf32>,
      %lt3A_627 = arith.constant 1048576 : i32
      %lt3A_628 = vector.broadcast %lt3A_627 : i32 to vector<16xi32>
      %lt3A_629 = arith.cmpi slt, %gather3A_625, %lt3A_628 : vector<16xi32>
      %shift_right_arithmetic3A_630 = arith.constant 10 : i32
      %shift_right_arithmetic3A_631 = vector.broadcast %shift_right_arithmetic3A_630 : i32 to vector<16xi32>
      %shift_right_arithmetic3A_632 = arith.shrsi %gather3A_625, %shift_right_arithmetic3A_631 : vector<16xi32>
      %and3A_633 = arith.constant 1023 : i32
      %and3A_634 = vector.broadcast %and3A_633 : i32 to vector<16xi32>
      %and3A_635 = arith.andi %shift_right_arithmetic3A_632, %and3A_634 : vector<16xi32>
      %and3A_636 = arith.constant 1023 : i32
      %and3A_637 = vector.broadcast %and3A_636 : i32 to vector<16xi32>
      %and3A_638 = arith.andi %gather3A_625, %and3A_637 : vector<16xi32>
      %select_n3A_639 = arith.select %lt3A_629, %select_n3A_536, %select_n3A_538 : vector<16xi1>, vector<16xf32>
      %select_n3A_640 = arith.select %lt3A_629, %select_n3A_537, %select_n3A_539 : vector<16xi1>, vector<16xf32>
      %select_n3A_641 = arith.select %lt3A_629, %get3A_28, %get3A_30 : vector<16xi1>, vector<16xf32>
      %sub3A_642 = arith.subf %select_n3A_640, %select_n3A_639 : vector<16xf32>
      %mul3A_643 = arith.mulf %gather3A_626, %sub3A_642 : vector<16xf32>
      %add3A_644 = arith.addf %select_n3A_639, %mul3A_643 : vector<16xf32>
      %lt3A_645 = arith.cmpf olt, %select_n3A_641, %add3A_644 : vector<16xf32>
      %select_n3A_646 = arith.select %lt3A_645, %select_n3A_639, %add3A_644 : vector<16xi1>, vector<16xf32>
      %select_n3A_647 = arith.select %lt3A_645, %add3A_644, %select_n3A_640 : vector<16xi1>, vector<16xf32>
      %select_n3A_648 = arith.select %lt3A_629, %select_n3A_646, %select_n3A_536 : vector<16xi1>, vector<16xf32>
      %select_n3A_649 = arith.select %lt3A_629, %select_n3A_647, %select_n3A_537 : vector<16xi1>, vector<16xf32>
      %select_n3A_650 = arith.select %lt3A_629, %select_n3A_538, %select_n3A_646 : vector<16xi1>, vector<16xf32>
      %select_n3A_651 = arith.select %lt3A_629, %select_n3A_539, %select_n3A_647 : vector<16xi1>, vector<16xf32>
      %select_n3A_652 = arith.select %lt3A_645, %and3A_635, %and3A_638 : vector<16xi1>, vector<16xi32>
      %gather3A_653 = tpu.vector_load_idx %arg11[%select_n3A_568] : memref<1024xi32, #tpu.memory_space<vmem>>[vector<16xi32>], vector<16xi32>,
      %gather3A_654 = tpu.vector_load_idx %arg12[%select_n3A_568] : memref<1024xf32, #tpu.memory_space<vmem>>[vector<16xi32>], vector<16xf32>,
      %lt3A_655 = arith.constant 1048576 : i32
      %lt3A_656 = vector.broadcast %lt3A_655 : i32 to vector<16xi32>
      %lt3A_657 = arith.cmpi slt, %gather3A_653, %lt3A_656 : vector<16xi32>
      %shift_right_arithmetic3A_658 = arith.constant 10 : i32
      %shift_right_arithmetic3A_659 = vector.broadcast %shift_right_arithmetic3A_658 : i32 to vector<16xi32>
      %shift_right_arithmetic3A_660 = arith.shrsi %gather3A_653, %shift_right_arithmetic3A_659 : vector<16xi32>
      %and3A_661 = arith.constant 1023 : i32
      %and3A_662 = vector.broadcast %and3A_661 : i32 to vector<16xi32>
      %and3A_663 = arith.andi %shift_right_arithmetic3A_660, %and3A_662 : vector<16xi32>
      %and3A_664 = arith.constant 1023 : i32
      %and3A_665 = vector.broadcast %and3A_664 : i32 to vector<16xi32>
      %and3A_666 = arith.andi %gather3A_653, %and3A_665 : vector<16xi32>
      %select_n3A_667 = arith.select %lt3A_657, %select_n3A_564, %select_n3A_566 : vector<16xi1>, vector<16xf32>
      %select_n3A_668 = arith.select %lt3A_657, %select_n3A_565, %select_n3A_567 : vector<16xi1>, vector<16xf32>
      %select_n3A_669 = arith.select %lt3A_657, %get3A_34, %get3A_36 : vector<16xi1>, vector<16xf32>
      %sub3A_670 = arith.subf %select_n3A_668, %select_n3A_667 : vector<16xf32>
      %mul3A_671 = arith.mulf %gather3A_654, %sub3A_670 : vector<16xf32>
      %add3A_672 = arith.addf %select_n3A_667, %mul3A_671 : vector<16xf32>
      %lt3A_673 = arith.cmpf olt, %select_n3A_669, %add3A_672 : vector<16xf32>
      %select_n3A_674 = arith.select %lt3A_673, %select_n3A_667, %add3A_672 : vector<16xi1>, vector<16xf32>
      %select_n3A_675 = arith.select %lt3A_673, %add3A_672, %select_n3A_668 : vector<16xi1>, vector<16xf32>
      %select_n3A_676 = arith.select %lt3A_657, %select_n3A_674, %select_n3A_564 : vector<16xi1>, vector<16xf32>
      %select_n3A_677 = arith.select %lt3A_657, %select_n3A_675, %select_n3A_565 : vector<16xi1>, vector<16xf32>
      %select_n3A_678 = arith.select %lt3A_657, %select_n3A_566, %select_n3A_674 : vector<16xi1>, vector<16xf32>
      %select_n3A_679 = arith.select %lt3A_657, %select_n3A_567, %select_n3A_675 : vector<16xi1>, vector<16xf32>
      %select_n3A_680 = arith.select %lt3A_673, %and3A_663, %and3A_666 : vector<16xi1>, vector<16xi32>
      %gather3A_681 = tpu.vector_load_idx %arg11[%select_n3A_596] : memref<1024xi32, #tpu.memory_space<vmem>>[vector<16xi32>], vector<16xi32>,
      %gather3A_682 = tpu.vector_load_idx %arg12[%select_n3A_596] : memref<1024xf32, #tpu.memory_space<vmem>>[vector<16xi32>], vector<16xf32>,
      %lt3A_683 = arith.constant 1048576 : i32
      %lt3A_684 = vector.broadcast %lt3A_683 : i32 to vector<16xi32>
      %lt3A_685 = arith.cmpi slt, %gather3A_681, %lt3A_684 : vector<16xi32>
      %shift_right_arithmetic3A_686 = arith.constant 10 : i32
      %shift_right_arithmetic3A_687 = vector.broadcast %shift_right_arithmetic3A_686 : i32 to vector<16xi32>
      %shift_right_arithmetic3A_688 = arith.shrsi %gather3A_681, %shift_right_arithmetic3A_687 : vector<16xi32>
      %and3A_689 = arith.constant 1023 : i32
      %and3A_690 = vector.broadcast %and3A_689 : i32 to vector<16xi32>
      %and3A_691 = arith.andi %shift_right_arithmetic3A_688, %and3A_690 : vector<16xi32>
      %and3A_692 = arith.constant 1023 : i32
      %and3A_693 = vector.broadcast %and3A_692 : i32 to vector<16xi32>
      %and3A_694 = arith.andi %gather3A_681, %and3A_693 : vector<16xi32>
      %select_n3A_695 = arith.select %lt3A_685, %select_n3A_592, %select_n3A_594 : vector<16xi1>, vector<16xf32>
      %select_n3A_696 = arith.select %lt3A_685, %select_n3A_593, %select_n3A_595 : vector<16xi1>, vector<16xf32>
      %select_n3A_697 = arith.select %lt3A_685, %get3A_40, %get3A_42 : vector<16xi1>, vector<16xf32>
      %sub3A_698 = arith.subf %select_n3A_696, %select_n3A_695 : vector<16xf32>
      %mul3A_699 = arith.mulf %gather3A_682, %sub3A_698 : vector<16xf32>
      %add3A_700 = arith.addf %select_n3A_695, %mul3A_699 : vector<16xf32>
      %lt3A_701 = arith.cmpf olt, %select_n3A_697, %add3A_700 : vector<16xf32>
      %select_n3A_702 = arith.select %lt3A_701, %select_n3A_695, %add3A_700 : vector<16xi1>, vector<16xf32>
      %select_n3A_703 = arith.select %lt3A_701, %add3A_700, %select_n3A_696 : vector<16xi1>, vector<16xf32>
      %select_n3A_704 = arith.select %lt3A_685, %select_n3A_702, %select_n3A_592 : vector<16xi1>, vector<16xf32>
      %select_n3A_705 = arith.select %lt3A_685, %select_n3A_703, %select_n3A_593 : vector<16xi1>, vector<16xf32>
      %select_n3A_706 = arith.select %lt3A_685, %select_n3A_594, %select_n3A_702 : vector<16xi1>, vector<16xf32>
      %select_n3A_707 = arith.select %lt3A_685, %select_n3A_595, %select_n3A_703 : vector<16xi1>, vector<16xf32>
      %select_n3A_708 = arith.select %lt3A_701, %and3A_691, %and3A_694 : vector<16xi1>, vector<16xi32>
      %gather3A_709 = tpu.vector_load_idx %arg11[%select_n3A_624] : memref<1024xi32, #tpu.memory_space<vmem>>[vector<16xi32>], vector<16xi32>,
      %gather3A_710 = tpu.vector_load_idx %arg12[%select_n3A_624] : memref<1024xf32, #tpu.memory_space<vmem>>[vector<16xi32>], vector<16xf32>,
      %lt3A_711 = arith.constant 1048576 : i32
      %lt3A_712 = vector.broadcast %lt3A_711 : i32 to vector<16xi32>
      %lt3A_713 = arith.cmpi slt, %gather3A_709, %lt3A_712 : vector<16xi32>
      %shift_right_arithmetic3A_714 = arith.constant 10 : i32
      %shift_right_arithmetic3A_715 = vector.broadcast %shift_right_arithmetic3A_714 : i32 to vector<16xi32>
      %shift_right_arithmetic3A_716 = arith.shrsi %gather3A_709, %shift_right_arithmetic3A_715 : vector<16xi32>
      %and3A_717 = arith.constant 1023 : i32
      %and3A_718 = vector.broadcast %and3A_717 : i32 to vector<16xi32>
      %and3A_719 = arith.andi %shift_right_arithmetic3A_716, %and3A_718 : vector<16xi32>
      %and3A_720 = arith.constant 1023 : i32
      %and3A_721 = vector.broadcast %and3A_720 : i32 to vector<16xi32>
      %and3A_722 = arith.andi %gather3A_709, %and3A_721 : vector<16xi32>
      %select_n3A_723 = arith.select %lt3A_713, %select_n3A_620, %select_n3A_622 : vector<16xi1>, vector<16xf32>
      %select_n3A_724 = arith.select %lt3A_713, %select_n3A_621, %select_n3A_623 : vector<16xi1>, vector<16xf32>
      %select_n3A_725 = arith.select %lt3A_713, %get3A_22, %get3A_24 : vector<16xi1>, vector<16xf32>
      %sub3A_726 = arith.subf %select_n3A_724, %select_n3A_723 : vector<16xf32>
      %mul3A_727 = arith.mulf %gather3A_710, %sub3A_726 : vector<16xf32>
      %add3A_728 = arith.addf %select_n3A_723, %mul3A_727 : vector<16xf32>
      %lt3A_729 = arith.cmpf olt, %select_n3A_725, %add3A_728 : vector<16xf32>
      %select_n3A_730 = arith.select %lt3A_729, %select_n3A_723, %add3A_728 : vector<16xi1>, vector<16xf32>
      %select_n3A_731 = arith.select %lt3A_729, %add3A_728, %select_n3A_724 : vector<16xi1>, vector<16xf32>
      %select_n3A_732 = arith.select %lt3A_713, %select_n3A_730, %select_n3A_620 : vector<16xi1>, vector<16xf32>
      %select_n3A_733 = arith.select %lt3A_713, %select_n3A_731, %select_n3A_621 : vector<16xi1>, vector<16xf32>
      %select_n3A_734 = arith.select %lt3A_713, %select_n3A_622, %select_n3A_730 : vector<16xi1>, vector<16xf32>
      %select_n3A_735 = arith.select %lt3A_713, %select_n3A_623, %select_n3A_731 : vector<16xi1>, vector<16xf32>
      %select_n3A_736 = arith.select %lt3A_729, %and3A_719, %and3A_722 : vector<16xi1>, vector<16xi32>
      %gather3A_737 = tpu.vector_load_idx %arg11[%select_n3A_652] : memref<1024xi32, #tpu.memory_space<vmem>>[vector<16xi32>], vector<16xi32>,
      %gather3A_738 = tpu.vector_load_idx %arg12[%select_n3A_652] : memref<1024xf32, #tpu.memory_space<vmem>>[vector<16xi32>], vector<16xf32>,
      %lt3A_739 = arith.constant 1048576 : i32
      %lt3A_740 = vector.broadcast %lt3A_739 : i32 to vector<16xi32>
      %lt3A_741 = arith.cmpi slt, %gather3A_737, %lt3A_740 : vector<16xi32>
      %shift_right_arithmetic3A_742 = arith.constant 10 : i32
      %shift_right_arithmetic3A_743 = vector.broadcast %shift_right_arithmetic3A_742 : i32 to vector<16xi32>
      %shift_right_arithmetic3A_744 = arith.shrsi %gather3A_737, %shift_right_arithmetic3A_743 : vector<16xi32>
      %and3A_745 = arith.constant 1023 : i32
      %and3A_746 = vector.broadcast %and3A_745 : i32 to vector<16xi32>
      %and3A_747 = arith.andi %shift_right_arithmetic3A_744, %and3A_746 : vector<16xi32>
      %and3A_748 = arith.constant 1023 : i32
      %and3A_749 = vector.broadcast %and3A_748 : i32 to vector<16xi32>
      %and3A_750 = arith.andi %gather3A_737, %and3A_749 : vector<16xi32>
      %select_n3A_751 = arith.select %lt3A_741, %select_n3A_648, %select_n3A_650 : vector<16xi1>, vector<16xf32>
      %select_n3A_752 = arith.select %lt3A_741, %select_n3A_649, %select_n3A_651 : vector<16xi1>, vector<16xf32>
      %select_n3A_753 = arith.select %lt3A_741, %get3A_28, %get3A_30 : vector<16xi1>, vector<16xf32>
      %sub3A_754 = arith.subf %select_n3A_752, %select_n3A_751 : vector<16xf32>
      %mul3A_755 = arith.mulf %gather3A_738, %sub3A_754 : vector<16xf32>
      %add3A_756 = arith.addf %select_n3A_751, %mul3A_755 : vector<16xf32>
      %lt3A_757 = arith.cmpf olt, %select_n3A_753, %add3A_756 : vector<16xf32>
      %select_n3A_758 = arith.select %lt3A_757, %select_n3A_751, %add3A_756 : vector<16xi1>, vector<16xf32>
      %select_n3A_759 = arith.select %lt3A_757, %add3A_756, %select_n3A_752 : vector<16xi1>, vector<16xf32>
      %select_n3A_760 = arith.select %lt3A_741, %select_n3A_758, %select_n3A_648 : vector<16xi1>, vector<16xf32>
      %select_n3A_761 = arith.select %lt3A_741, %select_n3A_759, %select_n3A_649 : vector<16xi1>, vector<16xf32>
      %select_n3A_762 = arith.select %lt3A_741, %select_n3A_650, %select_n3A_758 : vector<16xi1>, vector<16xf32>
      %select_n3A_763 = arith.select %lt3A_741, %select_n3A_651, %select_n3A_759 : vector<16xi1>, vector<16xf32>
      %select_n3A_764 = arith.select %lt3A_757, %and3A_747, %and3A_750 : vector<16xi1>, vector<16xi32>
      %gather3A_765 = tpu.vector_load_idx %arg11[%select_n3A_680] : memref<1024xi32, #tpu.memory_space<vmem>>[vector<16xi32>], vector<16xi32>,
      %gather3A_766 = tpu.vector_load_idx %arg12[%select_n3A_680] : memref<1024xf32, #tpu.memory_space<vmem>>[vector<16xi32>], vector<16xf32>,
      %lt3A_767 = arith.constant 1048576 : i32
      %lt3A_768 = vector.broadcast %lt3A_767 : i32 to vector<16xi32>
      %lt3A_769 = arith.cmpi slt, %gather3A_765, %lt3A_768 : vector<16xi32>
      %shift_right_arithmetic3A_770 = arith.constant 10 : i32
      %shift_right_arithmetic3A_771 = vector.broadcast %shift_right_arithmetic3A_770 : i32 to vector<16xi32>
      %shift_right_arithmetic3A_772 = arith.shrsi %gather3A_765, %shift_right_arithmetic3A_771 : vector<16xi32>
      %and3A_773 = arith.constant 1023 : i32
      %and3A_774 = vector.broadcast %and3A_773 : i32 to vector<16xi32>
      %and3A_775 = arith.andi %shift_right_arithmetic3A_772, %and3A_774 : vector<16xi32>
      %and3A_776 = arith.constant 1023 : i32
      %and3A_777 = vector.broadcast %and3A_776 : i32 to vector<16xi32>
      %and3A_778 = arith.andi %gather3A_765, %and3A_777 : vector<16xi32>
      %select_n3A_779 = arith.select %lt3A_769, %select_n3A_676, %select_n3A_678 : vector<16xi1>, vector<16xf32>
      %select_n3A_780 = arith.select %lt3A_769, %select_n3A_677, %select_n3A_679 : vector<16xi1>, vector<16xf32>
      %select_n3A_781 = arith.select %lt3A_769, %get3A_34, %get3A_36 : vector<16xi1>, vector<16xf32>
      %sub3A_782 = arith.subf %select_n3A_780, %select_n3A_779 : vector<16xf32>
      %mul3A_783 = arith.mulf %gather3A_766, %sub3A_782 : vector<16xf32>
      %add3A_784 = arith.addf %select_n3A_779, %mul3A_783 : vector<16xf32>
      %lt3A_785 = arith.cmpf olt, %select_n3A_781, %add3A_784 : vector<16xf32>
      %select_n3A_786 = arith.select %lt3A_785, %select_n3A_779, %add3A_784 : vector<16xi1>, vector<16xf32>
      %select_n3A_787 = arith.select %lt3A_785, %add3A_784, %select_n3A_780 : vector<16xi1>, vector<16xf32>
      %select_n3A_788 = arith.select %lt3A_769, %select_n3A_786, %select_n3A_676 : vector<16xi1>, vector<16xf32>
      %select_n3A_789 = arith.select %lt3A_769, %select_n3A_787, %select_n3A_677 : vector<16xi1>, vector<16xf32>
      %select_n3A_790 = arith.select %lt3A_769, %select_n3A_678, %select_n3A_786 : vector<16xi1>, vector<16xf32>
      %select_n3A_791 = arith.select %lt3A_769, %select_n3A_679, %select_n3A_787 : vector<16xi1>, vector<16xf32>
      %select_n3A_792 = arith.select %lt3A_785, %and3A_775, %and3A_778 : vector<16xi1>, vector<16xi32>
      %gather3A_793 = tpu.vector_load_idx %arg11[%select_n3A_708] : memref<1024xi32, #tpu.memory_space<vmem>>[vector<16xi32>], vector<16xi32>,
      %gather3A_794 = tpu.vector_load_idx %arg12[%select_n3A_708] : memref<1024xf32, #tpu.memory_space<vmem>>[vector<16xi32>], vector<16xf32>,
      %lt3A_795 = arith.constant 1048576 : i32
      %lt3A_796 = vector.broadcast %lt3A_795 : i32 to vector<16xi32>
      %lt3A_797 = arith.cmpi slt, %gather3A_793, %lt3A_796 : vector<16xi32>
      %shift_right_arithmetic3A_798 = arith.constant 10 : i32
      %shift_right_arithmetic3A_799 = vector.broadcast %shift_right_arithmetic3A_798 : i32 to vector<16xi32>
      %shift_right_arithmetic3A_800 = arith.shrsi %gather3A_793, %shift_right_arithmetic3A_799 : vector<16xi32>
      %and3A_801 = arith.constant 1023 : i32
      %and3A_802 = vector.broadcast %and3A_801 : i32 to vector<16xi32>
      %and3A_803 = arith.andi %shift_right_arithmetic3A_800, %and3A_802 : vector<16xi32>
      %and3A_804 = arith.constant 1023 : i32
      %and3A_805 = vector.broadcast %and3A_804 : i32 to vector<16xi32>
      %and3A_806 = arith.andi %gather3A_793, %and3A_805 : vector<16xi32>
      %select_n3A_807 = arith.select %lt3A_797, %select_n3A_704, %select_n3A_706 : vector<16xi1>, vector<16xf32>
      %select_n3A_808 = arith.select %lt3A_797, %select_n3A_705, %select_n3A_707 : vector<16xi1>, vector<16xf32>
      %select_n3A_809 = arith.select %lt3A_797, %get3A_40, %get3A_42 : vector<16xi1>, vector<16xf32>
      %sub3A_810 = arith.subf %select_n3A_808, %select_n3A_807 : vector<16xf32>
      %mul3A_811 = arith.mulf %gather3A_794, %sub3A_810 : vector<16xf32>
      %add3A_812 = arith.addf %select_n3A_807, %mul3A_811 : vector<16xf32>
      %lt3A_813 = arith.cmpf olt, %select_n3A_809, %add3A_812 : vector<16xf32>
      %select_n3A_814 = arith.select %lt3A_813, %select_n3A_807, %add3A_812 : vector<16xi1>, vector<16xf32>
      %select_n3A_815 = arith.select %lt3A_813, %add3A_812, %select_n3A_808 : vector<16xi1>, vector<16xf32>
      %select_n3A_816 = arith.select %lt3A_797, %select_n3A_814, %select_n3A_704 : vector<16xi1>, vector<16xf32>
      %select_n3A_817 = arith.select %lt3A_797, %select_n3A_815, %select_n3A_705 : vector<16xi1>, vector<16xf32>
      %select_n3A_818 = arith.select %lt3A_797, %select_n3A_706, %select_n3A_814 : vector<16xi1>, vector<16xf32>
      %select_n3A_819 = arith.select %lt3A_797, %select_n3A_707, %select_n3A_815 : vector<16xi1>, vector<16xf32>
      %select_n3A_820 = arith.select %lt3A_813, %and3A_803, %and3A_806 : vector<16xi1>, vector<16xi32>
      %gather3A_821 = tpu.vector_load_idx %arg11[%select_n3A_736] : memref<1024xi32, #tpu.memory_space<vmem>>[vector<16xi32>], vector<16xi32>,
      %gather3A_822 = tpu.vector_load_idx %arg12[%select_n3A_736] : memref<1024xf32, #tpu.memory_space<vmem>>[vector<16xi32>], vector<16xf32>,
      %lt3A_823 = arith.constant 1048576 : i32
      %lt3A_824 = vector.broadcast %lt3A_823 : i32 to vector<16xi32>
      %lt3A_825 = arith.cmpi slt, %gather3A_821, %lt3A_824 : vector<16xi32>
      %shift_right_arithmetic3A_826 = arith.constant 10 : i32
      %shift_right_arithmetic3A_827 = vector.broadcast %shift_right_arithmetic3A_826 : i32 to vector<16xi32>
      %shift_right_arithmetic3A_828 = arith.shrsi %gather3A_821, %shift_right_arithmetic3A_827 : vector<16xi32>
      %and3A_829 = arith.constant 1023 : i32
      %and3A_830 = vector.broadcast %and3A_829 : i32 to vector<16xi32>
      %and3A_831 = arith.andi %shift_right_arithmetic3A_828, %and3A_830 : vector<16xi32>
      %and3A_832 = arith.constant 1023 : i32
      %and3A_833 = vector.broadcast %and3A_832 : i32 to vector<16xi32>
      %and3A_834 = arith.andi %gather3A_821, %and3A_833 : vector<16xi32>
      %select_n3A_835 = arith.select %lt3A_825, %select_n3A_732, %select_n3A_734 : vector<16xi1>, vector<16xf32>
      %select_n3A_836 = arith.select %lt3A_825, %select_n3A_733, %select_n3A_735 : vector<16xi1>, vector<16xf32>
      %select_n3A_837 = arith.select %lt3A_825, %get3A_22, %get3A_24 : vector<16xi1>, vector<16xf32>
      %sub3A_838 = arith.subf %select_n3A_836, %select_n3A_835 : vector<16xf32>
      %mul3A_839 = arith.mulf %gather3A_822, %sub3A_838 : vector<16xf32>
      %add3A_840 = arith.addf %select_n3A_835, %mul3A_839 : vector<16xf32>
      %lt3A_841 = arith.cmpf olt, %select_n3A_837, %add3A_840 : vector<16xf32>
      %select_n3A_842 = arith.select %lt3A_841, %select_n3A_835, %add3A_840 : vector<16xi1>, vector<16xf32>
      %select_n3A_843 = arith.select %lt3A_841, %add3A_840, %select_n3A_836 : vector<16xi1>, vector<16xf32>
      %select_n3A_844 = arith.select %lt3A_825, %select_n3A_842, %select_n3A_732 : vector<16xi1>, vector<16xf32>
      %select_n3A_845 = arith.select %lt3A_825, %select_n3A_843, %select_n3A_733 : vector<16xi1>, vector<16xf32>
      %select_n3A_846 = arith.select %lt3A_825, %select_n3A_734, %select_n3A_842 : vector<16xi1>, vector<16xf32>
      %select_n3A_847 = arith.select %lt3A_825, %select_n3A_735, %select_n3A_843 : vector<16xi1>, vector<16xf32>
      %select_n3A_848 = arith.select %lt3A_841, %and3A_831, %and3A_834 : vector<16xi1>, vector<16xi32>
      %gather3A_849 = tpu.vector_load_idx %arg11[%select_n3A_764] : memref<1024xi32, #tpu.memory_space<vmem>>[vector<16xi32>], vector<16xi32>,
      %gather3A_850 = tpu.vector_load_idx %arg12[%select_n3A_764] : memref<1024xf32, #tpu.memory_space<vmem>>[vector<16xi32>], vector<16xf32>,
      %lt3A_851 = arith.constant 1048576 : i32
      %lt3A_852 = vector.broadcast %lt3A_851 : i32 to vector<16xi32>
      %lt3A_853 = arith.cmpi slt, %gather3A_849, %lt3A_852 : vector<16xi32>
      %shift_right_arithmetic3A_854 = arith.constant 10 : i32
      %shift_right_arithmetic3A_855 = vector.broadcast %shift_right_arithmetic3A_854 : i32 to vector<16xi32>
      %shift_right_arithmetic3A_856 = arith.shrsi %gather3A_849, %shift_right_arithmetic3A_855 : vector<16xi32>
      %and3A_857 = arith.constant 1023 : i32
      %and3A_858 = vector.broadcast %and3A_857 : i32 to vector<16xi32>
      %and3A_859 = arith.andi %shift_right_arithmetic3A_856, %and3A_858 : vector<16xi32>
      %and3A_860 = arith.constant 1023 : i32
      %and3A_861 = vector.broadcast %and3A_860 : i32 to vector<16xi32>
      %and3A_862 = arith.andi %gather3A_849, %and3A_861 : vector<16xi32>
      %select_n3A_863 = arith.select %lt3A_853, %select_n3A_760, %select_n3A_762 : vector<16xi1>, vector<16xf32>
      %select_n3A_864 = arith.select %lt3A_853, %select_n3A_761, %select_n3A_763 : vector<16xi1>, vector<16xf32>
      %select_n3A_865 = arith.select %lt3A_853, %get3A_28, %get3A_30 : vector<16xi1>, vector<16xf32>
      %sub3A_866 = arith.subf %select_n3A_864, %select_n3A_863 : vector<16xf32>
      %mul3A_867 = arith.mulf %gather3A_850, %sub3A_866 : vector<16xf32>
      %add3A_868 = arith.addf %select_n3A_863, %mul3A_867 : vector<16xf32>
      %lt3A_869 = arith.cmpf olt, %select_n3A_865, %add3A_868 : vector<16xf32>
      %select_n3A_870 = arith.select %lt3A_869, %select_n3A_863, %add3A_868 : vector<16xi1>, vector<16xf32>
      %select_n3A_871 = arith.select %lt3A_869, %add3A_868, %select_n3A_864 : vector<16xi1>, vector<16xf32>
      %select_n3A_872 = arith.select %lt3A_853, %select_n3A_870, %select_n3A_760 : vector<16xi1>, vector<16xf32>
      %select_n3A_873 = arith.select %lt3A_853, %select_n3A_871, %select_n3A_761 : vector<16xi1>, vector<16xf32>
      %select_n3A_874 = arith.select %lt3A_853, %select_n3A_762, %select_n3A_870 : vector<16xi1>, vector<16xf32>
      %select_n3A_875 = arith.select %lt3A_853, %select_n3A_763, %select_n3A_871 : vector<16xi1>, vector<16xf32>
      %select_n3A_876 = arith.select %lt3A_869, %and3A_859, %and3A_862 : vector<16xi1>, vector<16xi32>
      %gather3A_877 = tpu.vector_load_idx %arg11[%select_n3A_792] : memref<1024xi32, #tpu.memory_space<vmem>>[vector<16xi32>], vector<16xi32>,
      %gather3A_878 = tpu.vector_load_idx %arg12[%select_n3A_792] : memref<1024xf32, #tpu.memory_space<vmem>>[vector<16xi32>], vector<16xf32>,
      %lt3A_879 = arith.constant 1048576 : i32
      %lt3A_880 = vector.broadcast %lt3A_879 : i32 to vector<16xi32>
      %lt3A_881 = arith.cmpi slt, %gather3A_877, %lt3A_880 : vector<16xi32>
      %shift_right_arithmetic3A_882 = arith.constant 10 : i32
      %shift_right_arithmetic3A_883 = vector.broadcast %shift_right_arithmetic3A_882 : i32 to vector<16xi32>
      %shift_right_arithmetic3A_884 = arith.shrsi %gather3A_877, %shift_right_arithmetic3A_883 : vector<16xi32>
      %and3A_885 = arith.constant 1023 : i32
      %and3A_886 = vector.broadcast %and3A_885 : i32 to vector<16xi32>
      %and3A_887 = arith.andi %shift_right_arithmetic3A_884, %and3A_886 : vector<16xi32>
      %and3A_888 = arith.constant 1023 : i32
      %and3A_889 = vector.broadcast %and3A_888 : i32 to vector<16xi32>
      %and3A_890 = arith.andi %gather3A_877, %and3A_889 : vector<16xi32>
      %select_n3A_891 = arith.select %lt3A_881, %select_n3A_788, %select_n3A_790 : vector<16xi1>, vector<16xf32>
      %select_n3A_892 = arith.select %lt3A_881, %select_n3A_789, %select_n3A_791 : vector<16xi1>, vector<16xf32>
      %select_n3A_893 = arith.select %lt3A_881, %get3A_34, %get3A_36 : vector<16xi1>, vector<16xf32>
      %sub3A_894 = arith.subf %select_n3A_892, %select_n3A_891 : vector<16xf32>
      %mul3A_895 = arith.mulf %gather3A_878, %sub3A_894 : vector<16xf32>
      %add3A_896 = arith.addf %select_n3A_891, %mul3A_895 : vector<16xf32>
      %lt3A_897 = arith.cmpf olt, %select_n3A_893, %add3A_896 : vector<16xf32>
      %select_n3A_898 = arith.select %lt3A_897, %select_n3A_891, %add3A_896 : vector<16xi1>, vector<16xf32>
      %select_n3A_899 = arith.select %lt3A_897, %add3A_896, %select_n3A_892 : vector<16xi1>, vector<16xf32>
      %select_n3A_900 = arith.select %lt3A_881, %select_n3A_898, %select_n3A_788 : vector<16xi1>, vector<16xf32>
      %select_n3A_901 = arith.select %lt3A_881, %select_n3A_899, %select_n3A_789 : vector<16xi1>, vector<16xf32>
      %select_n3A_902 = arith.select %lt3A_881, %select_n3A_790, %select_n3A_898 : vector<16xi1>, vector<16xf32>
      %select_n3A_903 = arith.select %lt3A_881, %select_n3A_791, %select_n3A_899 : vector<16xi1>, vector<16xf32>
      %select_n3A_904 = arith.select %lt3A_897, %and3A_887, %and3A_890 : vector<16xi1>, vector<16xi32>
      %gather3A_905 = tpu.vector_load_idx %arg11[%select_n3A_820] : memref<1024xi32, #tpu.memory_space<vmem>>[vector<16xi32>], vector<16xi32>,
      %gather3A_906 = tpu.vector_load_idx %arg12[%select_n3A_820] : memref<1024xf32, #tpu.memory_space<vmem>>[vector<16xi32>], vector<16xf32>,
      %lt3A_907 = arith.constant 1048576 : i32
      %lt3A_908 = vector.broadcast %lt3A_907 : i32 to vector<16xi32>
      %lt3A_909 = arith.cmpi slt, %gather3A_905, %lt3A_908 : vector<16xi32>
      %shift_right_arithmetic3A_910 = arith.constant 10 : i32
      %shift_right_arithmetic3A_911 = vector.broadcast %shift_right_arithmetic3A_910 : i32 to vector<16xi32>
      %shift_right_arithmetic3A_912 = arith.shrsi %gather3A_905, %shift_right_arithmetic3A_911 : vector<16xi32>
      %and3A_913 = arith.constant 1023 : i32
      %and3A_914 = vector.broadcast %and3A_913 : i32 to vector<16xi32>
      %and3A_915 = arith.andi %shift_right_arithmetic3A_912, %and3A_914 : vector<16xi32>
      %and3A_916 = arith.constant 1023 : i32
      %and3A_917 = vector.broadcast %and3A_916 : i32 to vector<16xi32>
      %and3A_918 = arith.andi %gather3A_905, %and3A_917 : vector<16xi32>
      %select_n3A_919 = arith.select %lt3A_909, %select_n3A_816, %select_n3A_818 : vector<16xi1>, vector<16xf32>
      %select_n3A_920 = arith.select %lt3A_909, %select_n3A_817, %select_n3A_819 : vector<16xi1>, vector<16xf32>
      %select_n3A_921 = arith.select %lt3A_909, %get3A_40, %get3A_42 : vector<16xi1>, vector<16xf32>
      %sub3A_922 = arith.subf %select_n3A_920, %select_n3A_919 : vector<16xf32>
      %mul3A_923 = arith.mulf %gather3A_906, %sub3A_922 : vector<16xf32>
      %add3A_924 = arith.addf %select_n3A_919, %mul3A_923 : vector<16xf32>
      %lt3A_925 = arith.cmpf olt, %select_n3A_921, %add3A_924 : vector<16xf32>
      %select_n3A_926 = arith.select %lt3A_925, %select_n3A_919, %add3A_924 : vector<16xi1>, vector<16xf32>
      %select_n3A_927 = arith.select %lt3A_925, %add3A_924, %select_n3A_920 : vector<16xi1>, vector<16xf32>
      %select_n3A_928 = arith.select %lt3A_909, %select_n3A_926, %select_n3A_816 : vector<16xi1>, vector<16xf32>
      %select_n3A_929 = arith.select %lt3A_909, %select_n3A_927, %select_n3A_817 : vector<16xi1>, vector<16xf32>
      %select_n3A_930 = arith.select %lt3A_909, %select_n3A_818, %select_n3A_926 : vector<16xi1>, vector<16xf32>
      %select_n3A_931 = arith.select %lt3A_909, %select_n3A_819, %select_n3A_927 : vector<16xi1>, vector<16xf32>
      %select_n3A_932 = arith.select %lt3A_925, %and3A_915, %and3A_918 : vector<16xi1>, vector<16xi32>
      %gather3A_933 = tpu.vector_load_idx %arg11[%select_n3A_848] : memref<1024xi32, #tpu.memory_space<vmem>>[vector<16xi32>], vector<16xi32>,
      %gather3A_934 = tpu.vector_load_idx %arg12[%select_n3A_848] : memref<1024xf32, #tpu.memory_space<vmem>>[vector<16xi32>], vector<16xf32>,
      %lt3A_935 = arith.constant 1048576 : i32
      %lt3A_936 = vector.broadcast %lt3A_935 : i32 to vector<16xi32>
      %lt3A_937 = arith.cmpi slt, %gather3A_933, %lt3A_936 : vector<16xi32>
      %shift_right_arithmetic3A_938 = arith.constant 10 : i32
      %shift_right_arithmetic3A_939 = vector.broadcast %shift_right_arithmetic3A_938 : i32 to vector<16xi32>
      %shift_right_arithmetic3A_940 = arith.shrsi %gather3A_933, %shift_right_arithmetic3A_939 : vector<16xi32>
      %and3A_941 = arith.constant 1023 : i32
      %and3A_942 = vector.broadcast %and3A_941 : i32 to vector<16xi32>
      %and3A_943 = arith.andi %shift_right_arithmetic3A_940, %and3A_942 : vector<16xi32>
      %and3A_944 = arith.constant 1023 : i32
      %and3A_945 = vector.broadcast %and3A_944 : i32 to vector<16xi32>
      %and3A_946 = arith.andi %gather3A_933, %and3A_945 : vector<16xi32>
      %select_n3A_947 = arith.select %lt3A_937, %select_n3A_844, %select_n3A_846 : vector<16xi1>, vector<16xf32>
      %select_n3A_948 = arith.select %lt3A_937, %select_n3A_845, %select_n3A_847 : vector<16xi1>, vector<16xf32>
      %select_n3A_949 = arith.select %lt3A_937, %get3A_22, %get3A_24 : vector<16xi1>, vector<16xf32>
      %sub3A_950 = arith.subf %select_n3A_948, %select_n3A_947 : vector<16xf32>
      %mul3A_951 = arith.mulf %gather3A_934, %sub3A_950 : vector<16xf32>
      %add3A_952 = arith.addf %select_n3A_947, %mul3A_951 : vector<16xf32>
      %lt3A_953 = arith.cmpf olt, %select_n3A_949, %add3A_952 : vector<16xf32>
      %select_n3A_954 = arith.select %lt3A_953, %select_n3A_947, %add3A_952 : vector<16xi1>, vector<16xf32>
      %select_n3A_955 = arith.select %lt3A_953, %add3A_952, %select_n3A_948 : vector<16xi1>, vector<16xf32>
      %select_n3A_956 = arith.select %lt3A_937, %select_n3A_954, %select_n3A_844 : vector<16xi1>, vector<16xf32>
      %select_n3A_957 = arith.select %lt3A_937, %select_n3A_955, %select_n3A_845 : vector<16xi1>, vector<16xf32>
      %select_n3A_958 = arith.select %lt3A_937, %select_n3A_846, %select_n3A_954 : vector<16xi1>, vector<16xf32>
      %select_n3A_959 = arith.select %lt3A_937, %select_n3A_847, %select_n3A_955 : vector<16xi1>, vector<16xf32>
      %select_n3A_960 = arith.select %lt3A_953, %and3A_943, %and3A_946 : vector<16xi1>, vector<16xi32>
      %gather3A_961 = tpu.vector_load_idx %arg11[%select_n3A_876] : memref<1024xi32, #tpu.memory_space<vmem>>[vector<16xi32>], vector<16xi32>,
      %gather3A_962 = tpu.vector_load_idx %arg12[%select_n3A_876] : memref<1024xf32, #tpu.memory_space<vmem>>[vector<16xi32>], vector<16xf32>,
      %lt3A_963 = arith.constant 1048576 : i32
      %lt3A_964 = vector.broadcast %lt3A_963 : i32 to vector<16xi32>
      %lt3A_965 = arith.cmpi slt, %gather3A_961, %lt3A_964 : vector<16xi32>
      %shift_right_arithmetic3A_966 = arith.constant 10 : i32
      %shift_right_arithmetic3A_967 = vector.broadcast %shift_right_arithmetic3A_966 : i32 to vector<16xi32>
      %shift_right_arithmetic3A_968 = arith.shrsi %gather3A_961, %shift_right_arithmetic3A_967 : vector<16xi32>
      %and3A_969 = arith.constant 1023 : i32
      %and3A_970 = vector.broadcast %and3A_969 : i32 to vector<16xi32>
      %and3A_971 = arith.andi %shift_right_arithmetic3A_968, %and3A_970 : vector<16xi32>
      %and3A_972 = arith.constant 1023 : i32
      %and3A_973 = vector.broadcast %and3A_972 : i32 to vector<16xi32>
      %and3A_974 = arith.andi %gather3A_961, %and3A_973 : vector<16xi32>
      %select_n3A_975 = arith.select %lt3A_965, %select_n3A_872, %select_n3A_874 : vector<16xi1>, vector<16xf32>
      %select_n3A_976 = arith.select %lt3A_965, %select_n3A_873, %select_n3A_875 : vector<16xi1>, vector<16xf32>
      %select_n3A_977 = arith.select %lt3A_965, %get3A_28, %get3A_30 : vector<16xi1>, vector<16xf32>
      %sub3A_978 = arith.subf %select_n3A_976, %select_n3A_975 : vector<16xf32>
      %mul3A_979 = arith.mulf %gather3A_962, %sub3A_978 : vector<16xf32>
      %add3A_980 = arith.addf %select_n3A_975, %mul3A_979 : vector<16xf32>
      %lt3A_981 = arith.cmpf olt, %select_n3A_977, %add3A_980 : vector<16xf32>
      %select_n3A_982 = arith.select %lt3A_981, %select_n3A_975, %add3A_980 : vector<16xi1>, vector<16xf32>
      %select_n3A_983 = arith.select %lt3A_981, %add3A_980, %select_n3A_976 : vector<16xi1>, vector<16xf32>
      %select_n3A_984 = arith.select %lt3A_965, %select_n3A_982, %select_n3A_872 : vector<16xi1>, vector<16xf32>
      %select_n3A_985 = arith.select %lt3A_965, %select_n3A_983, %select_n3A_873 : vector<16xi1>, vector<16xf32>
      %select_n3A_986 = arith.select %lt3A_965, %select_n3A_874, %select_n3A_982 : vector<16xi1>, vector<16xf32>
      %select_n3A_987 = arith.select %lt3A_965, %select_n3A_875, %select_n3A_983 : vector<16xi1>, vector<16xf32>
      %select_n3A_988 = arith.select %lt3A_981, %and3A_971, %and3A_974 : vector<16xi1>, vector<16xi32>
      %gather3A_989 = tpu.vector_load_idx %arg11[%select_n3A_904] : memref<1024xi32, #tpu.memory_space<vmem>>[vector<16xi32>], vector<16xi32>,
      %gather3A_990 = tpu.vector_load_idx %arg12[%select_n3A_904] : memref<1024xf32, #tpu.memory_space<vmem>>[vector<16xi32>], vector<16xf32>,
      %lt3A_991 = arith.constant 1048576 : i32
      %lt3A_992 = vector.broadcast %lt3A_991 : i32 to vector<16xi32>
      %lt3A_993 = arith.cmpi slt, %gather3A_989, %lt3A_992 : vector<16xi32>
      %shift_right_arithmetic3A_994 = arith.constant 10 : i32
      %shift_right_arithmetic3A_995 = vector.broadcast %shift_right_arithmetic3A_994 : i32 to vector<16xi32>
      %shift_right_arithmetic3A_996 = arith.shrsi %gather3A_989, %shift_right_arithmetic3A_995 : vector<16xi32>
      %and3A_997 = arith.constant 1023 : i32
      %and3A_998 = vector.broadcast %and3A_997 : i32 to vector<16xi32>
      %and3A_999 = arith.andi %shift_right_arithmetic3A_996, %and3A_998 : vector<16xi32>
      %and3A_1000 = arith.constant 1023 : i32
      %and3A_1001 = vector.broadcast %and3A_1000 : i32 to vector<16xi32>
      %and3A_1002 = arith.andi %gather3A_989, %and3A_1001 : vector<16xi32>
      %select_n3A_1003 = arith.select %lt3A_993, %select_n3A_900, %select_n3A_902 : vector<16xi1>, vector<16xf32>
      %select_n3A_1004 = arith.select %lt3A_993, %select_n3A_901, %select_n3A_903 : vector<16xi1>, vector<16xf32>
      %select_n3A_1005 = arith.select %lt3A_993, %get3A_34, %get3A_36 : vector<16xi1>, vector<16xf32>
      %sub3A_1006 = arith.subf %select_n3A_1004, %select_n3A_1003 : vector<16xf32>
      %mul3A_1007 = arith.mulf %gather3A_990, %sub3A_1006 : vector<16xf32>
      %add3A_1008 = arith.addf %select_n3A_1003, %mul3A_1007 : vector<16xf32>
      %lt3A_1009 = arith.cmpf olt, %select_n3A_1005, %add3A_1008 : vector<16xf32>
      %select_n3A_1010 = arith.select %lt3A_1009, %select_n3A_1003, %add3A_1008 : vector<16xi1>, vector<16xf32>
      %select_n3A_1011 = arith.select %lt3A_1009, %add3A_1008, %select_n3A_1004 : vector<16xi1>, vector<16xf32>
      %select_n3A_1012 = arith.select %lt3A_993, %select_n3A_1010, %select_n3A_900 : vector<16xi1>, vector<16xf32>
      %select_n3A_1013 = arith.select %lt3A_993, %select_n3A_1011, %select_n3A_901 : vector<16xi1>, vector<16xf32>
      %select_n3A_1014 = arith.select %lt3A_993, %select_n3A_902, %select_n3A_1010 : vector<16xi1>, vector<16xf32>
      %select_n3A_1015 = arith.select %lt3A_993, %select_n3A_903, %select_n3A_1011 : vector<16xi1>, vector<16xf32>
      %select_n3A_1016 = arith.select %lt3A_1009, %and3A_999, %and3A_1002 : vector<16xi1>, vector<16xi32>
      %gather3A_1017 = tpu.vector_load_idx %arg11[%select_n3A_932] : memref<1024xi32, #tpu.memory_space<vmem>>[vector<16xi32>], vector<16xi32>,
      %gather3A_1018 = tpu.vector_load_idx %arg12[%select_n3A_932] : memref<1024xf32, #tpu.memory_space<vmem>>[vector<16xi32>], vector<16xf32>,
      %lt3A_1019 = arith.constant 1048576 : i32
      %lt3A_1020 = vector.broadcast %lt3A_1019 : i32 to vector<16xi32>
      %lt3A_1021 = arith.cmpi slt, %gather3A_1017, %lt3A_1020 : vector<16xi32>
      %shift_right_arithmetic3A_1022 = arith.constant 10 : i32
      %shift_right_arithmetic3A_1023 = vector.broadcast %shift_right_arithmetic3A_1022 : i32 to vector<16xi32>
      %shift_right_arithmetic3A_1024 = arith.shrsi %gather3A_1017, %shift_right_arithmetic3A_1023 : vector<16xi32>
      %and3A_1025 = arith.constant 1023 : i32
      %and3A_1026 = vector.broadcast %and3A_1025 : i32 to vector<16xi32>
      %and3A_1027 = arith.andi %shift_right_arithmetic3A_1024, %and3A_1026 : vector<16xi32>
      %and3A_1028 = arith.constant 1023 : i32
      %and3A_1029 = vector.broadcast %and3A_1028 : i32 to vector<16xi32>
      %and3A_1030 = arith.andi %gather3A_1017, %and3A_1029 : vector<16xi32>
      %select_n3A_1031 = arith.select %lt3A_1021, %select_n3A_928, %select_n3A_930 : vector<16xi1>, vector<16xf32>
      %select_n3A_1032 = arith.select %lt3A_1021, %select_n3A_929, %select_n3A_931 : vector<16xi1>, vector<16xf32>
      %select_n3A_1033 = arith.select %lt3A_1021, %get3A_40, %get3A_42 : vector<16xi1>, vector<16xf32>
      %sub3A_1034 = arith.subf %select_n3A_1032, %select_n3A_1031 : vector<16xf32>
      %mul3A_1035 = arith.mulf %gather3A_1018, %sub3A_1034 : vector<16xf32>
      %add3A_1036 = arith.addf %select_n3A_1031, %mul3A_1035 : vector<16xf32>
      %lt3A_1037 = arith.cmpf olt, %select_n3A_1033, %add3A_1036 : vector<16xf32>
      %select_n3A_1038 = arith.select %lt3A_1037, %select_n3A_1031, %add3A_1036 : vector<16xi1>, vector<16xf32>
      %select_n3A_1039 = arith.select %lt3A_1037, %add3A_1036, %select_n3A_1032 : vector<16xi1>, vector<16xf32>
      %select_n3A_1040 = arith.select %lt3A_1021, %select_n3A_1038, %select_n3A_928 : vector<16xi1>, vector<16xf32>
      %select_n3A_1041 = arith.select %lt3A_1021, %select_n3A_1039, %select_n3A_929 : vector<16xi1>, vector<16xf32>
      %select_n3A_1042 = arith.select %lt3A_1021, %select_n3A_930, %select_n3A_1038 : vector<16xi1>, vector<16xf32>
      %select_n3A_1043 = arith.select %lt3A_1021, %select_n3A_931, %select_n3A_1039 : vector<16xi1>, vector<16xf32>
      %select_n3A_1044 = arith.select %lt3A_1037, %and3A_1027, %and3A_1030 : vector<16xi1>, vector<16xi32>
      %gather3A_1045 = tpu.vector_load_idx %arg11[%select_n3A_960] : memref<1024xi32, #tpu.memory_space<vmem>>[vector<16xi32>], vector<16xi32>,
      %gather3A_1046 = tpu.vector_load_idx %arg12[%select_n3A_960] : memref<1024xf32, #tpu.memory_space<vmem>>[vector<16xi32>], vector<16xf32>,
      %lt3A_1047 = arith.constant 1048576 : i32
      %lt3A_1048 = vector.broadcast %lt3A_1047 : i32 to vector<16xi32>
      %lt3A_1049 = arith.cmpi slt, %gather3A_1045, %lt3A_1048 : vector<16xi32>
      %shift_right_arithmetic3A_1050 = arith.constant 10 : i32
      %shift_right_arithmetic3A_1051 = vector.broadcast %shift_right_arithmetic3A_1050 : i32 to vector<16xi32>
      %shift_right_arithmetic3A_1052 = arith.shrsi %gather3A_1045, %shift_right_arithmetic3A_1051 : vector<16xi32>
      %and3A_1053 = arith.constant 1023 : i32
      %and3A_1054 = vector.broadcast %and3A_1053 : i32 to vector<16xi32>
      %and3A_1055 = arith.andi %shift_right_arithmetic3A_1052, %and3A_1054 : vector<16xi32>
      %and3A_1056 = arith.constant 1023 : i32
      %and3A_1057 = vector.broadcast %and3A_1056 : i32 to vector<16xi32>
      %and3A_1058 = arith.andi %gather3A_1045, %and3A_1057 : vector<16xi32>
      %select_n3A_1059 = arith.select %lt3A_1049, %select_n3A_956, %select_n3A_958 : vector<16xi1>, vector<16xf32>
      %select_n3A_1060 = arith.select %lt3A_1049, %select_n3A_957, %select_n3A_959 : vector<16xi1>, vector<16xf32>
      %select_n3A_1061 = arith.select %lt3A_1049, %get3A_22, %get3A_24 : vector<16xi1>, vector<16xf32>
      %sub3A_1062 = arith.subf %select_n3A_1060, %select_n3A_1059 : vector<16xf32>
      %mul3A_1063 = arith.mulf %gather3A_1046, %sub3A_1062 : vector<16xf32>
      %add3A_1064 = arith.addf %select_n3A_1059, %mul3A_1063 : vector<16xf32>
      %lt3A_1065 = arith.cmpf olt, %select_n3A_1061, %add3A_1064 : vector<16xf32>
      %select_n3A_1066 = arith.select %lt3A_1065, %select_n3A_1059, %add3A_1064 : vector<16xi1>, vector<16xf32>
      %select_n3A_1067 = arith.select %lt3A_1065, %add3A_1064, %select_n3A_1060 : vector<16xi1>, vector<16xf32>
      %select_n3A_1068 = arith.select %lt3A_1049, %select_n3A_1066, %select_n3A_956 : vector<16xi1>, vector<16xf32>
      %select_n3A_1069 = arith.select %lt3A_1049, %select_n3A_1067, %select_n3A_957 : vector<16xi1>, vector<16xf32>
      %select_n3A_1070 = arith.select %lt3A_1049, %select_n3A_958, %select_n3A_1066 : vector<16xi1>, vector<16xf32>
      %select_n3A_1071 = arith.select %lt3A_1049, %select_n3A_959, %select_n3A_1067 : vector<16xi1>, vector<16xf32>
      %select_n3A_1072 = arith.select %lt3A_1065, %and3A_1055, %and3A_1058 : vector<16xi1>, vector<16xi32>
      %gather3A_1073 = tpu.vector_load_idx %arg11[%select_n3A_988] : memref<1024xi32, #tpu.memory_space<vmem>>[vector<16xi32>], vector<16xi32>,
      %gather3A_1074 = tpu.vector_load_idx %arg12[%select_n3A_988] : memref<1024xf32, #tpu.memory_space<vmem>>[vector<16xi32>], vector<16xf32>,
      %lt3A_1075 = arith.constant 1048576 : i32
      %lt3A_1076 = vector.broadcast %lt3A_1075 : i32 to vector<16xi32>
      %lt3A_1077 = arith.cmpi slt, %gather3A_1073, %lt3A_1076 : vector<16xi32>
      %shift_right_arithmetic3A_1078 = arith.constant 10 : i32
      %shift_right_arithmetic3A_1079 = vector.broadcast %shift_right_arithmetic3A_1078 : i32 to vector<16xi32>
      %shift_right_arithmetic3A_1080 = arith.shrsi %gather3A_1073, %shift_right_arithmetic3A_1079 : vector<16xi32>
      %and3A_1081 = arith.constant 1023 : i32
      %and3A_1082 = vector.broadcast %and3A_1081 : i32 to vector<16xi32>
      %and3A_1083 = arith.andi %shift_right_arithmetic3A_1080, %and3A_1082 : vector<16xi32>
      %and3A_1084 = arith.constant 1023 : i32
      %and3A_1085 = vector.broadcast %and3A_1084 : i32 to vector<16xi32>
      %and3A_1086 = arith.andi %gather3A_1073, %and3A_1085 : vector<16xi32>
      %select_n3A_1087 = arith.select %lt3A_1077, %select_n3A_984, %select_n3A_986 : vector<16xi1>, vector<16xf32>
      %select_n3A_1088 = arith.select %lt3A_1077, %select_n3A_985, %select_n3A_987 : vector<16xi1>, vector<16xf32>
      %select_n3A_1089 = arith.select %lt3A_1077, %get3A_28, %get3A_30 : vector<16xi1>, vector<16xf32>
      %sub3A_1090 = arith.subf %select_n3A_1088, %select_n3A_1087 : vector<16xf32>
      %mul3A_1091 = arith.mulf %gather3A_1074, %sub3A_1090 : vector<16xf32>
      %add3A_1092 = arith.addf %select_n3A_1087, %mul3A_1091 : vector<16xf32>
      %lt3A_1093 = arith.cmpf olt, %select_n3A_1089, %add3A_1092 : vector<16xf32>
      %select_n3A_1094 = arith.select %lt3A_1093, %select_n3A_1087, %add3A_1092 : vector<16xi1>, vector<16xf32>
      %select_n3A_1095 = arith.select %lt3A_1093, %add3A_1092, %select_n3A_1088 : vector<16xi1>, vector<16xf32>
      %select_n3A_1096 = arith.select %lt3A_1077, %select_n3A_1094, %select_n3A_984 : vector<16xi1>, vector<16xf32>
      %select_n3A_1097 = arith.select %lt3A_1077, %select_n3A_1095, %select_n3A_985 : vector<16xi1>, vector<16xf32>
      %select_n3A_1098 = arith.select %lt3A_1077, %select_n3A_986, %select_n3A_1094 : vector<16xi1>, vector<16xf32>
      %select_n3A_1099 = arith.select %lt3A_1077, %select_n3A_987, %select_n3A_1095 : vector<16xi1>, vector<16xf32>
      %select_n3A_1100 = arith.select %lt3A_1093, %and3A_1083, %and3A_1086 : vector<16xi1>, vector<16xi32>
      %gather3A_1101 = tpu.vector_load_idx %arg11[%select_n3A_1016] : memref<1024xi32, #tpu.memory_space<vmem>>[vector<16xi32>], vector<16xi32>,
      %gather3A_1102 = tpu.vector_load_idx %arg12[%select_n3A_1016] : memref<1024xf32, #tpu.memory_space<vmem>>[vector<16xi32>], vector<16xf32>,
      %lt3A_1103 = arith.constant 1048576 : i32
      %lt3A_1104 = vector.broadcast %lt3A_1103 : i32 to vector<16xi32>
      %lt3A_1105 = arith.cmpi slt, %gather3A_1101, %lt3A_1104 : vector<16xi32>
      %shift_right_arithmetic3A_1106 = arith.constant 10 : i32
      %shift_right_arithmetic3A_1107 = vector.broadcast %shift_right_arithmetic3A_1106 : i32 to vector<16xi32>
      %shift_right_arithmetic3A_1108 = arith.shrsi %gather3A_1101, %shift_right_arithmetic3A_1107 : vector<16xi32>
      %and3A_1109 = arith.constant 1023 : i32
      %and3A_1110 = vector.broadcast %and3A_1109 : i32 to vector<16xi32>
      %and3A_1111 = arith.andi %shift_right_arithmetic3A_1108, %and3A_1110 : vector<16xi32>
      %and3A_1112 = arith.constant 1023 : i32
      %and3A_1113 = vector.broadcast %and3A_1112 : i32 to vector<16xi32>
      %and3A_1114 = arith.andi %gather3A_1101, %and3A_1113 : vector<16xi32>
      %select_n3A_1115 = arith.select %lt3A_1105, %select_n3A_1012, %select_n3A_1014 : vector<16xi1>, vector<16xf32>
      %select_n3A_1116 = arith.select %lt3A_1105, %select_n3A_1013, %select_n3A_1015 : vector<16xi1>, vector<16xf32>
      %select_n3A_1117 = arith.select %lt3A_1105, %get3A_34, %get3A_36 : vector<16xi1>, vector<16xf32>
      %sub3A_1118 = arith.subf %select_n3A_1116, %select_n3A_1115 : vector<16xf32>
      %mul3A_1119 = arith.mulf %gather3A_1102, %sub3A_1118 : vector<16xf32>
      %add3A_1120 = arith.addf %select_n3A_1115, %mul3A_1119 : vector<16xf32>
      %lt3A_1121 = arith.cmpf olt, %select_n3A_1117, %add3A_1120 : vector<16xf32>
      %select_n3A_1122 = arith.select %lt3A_1121, %select_n3A_1115, %add3A_1120 : vector<16xi1>, vector<16xf32>
      %select_n3A_1123 = arith.select %lt3A_1121, %add3A_1120, %select_n3A_1116 : vector<16xi1>, vector<16xf32>
      %select_n3A_1124 = arith.select %lt3A_1105, %select_n3A_1122, %select_n3A_1012 : vector<16xi1>, vector<16xf32>
      %select_n3A_1125 = arith.select %lt3A_1105, %select_n3A_1123, %select_n3A_1013 : vector<16xi1>, vector<16xf32>
      %select_n3A_1126 = arith.select %lt3A_1105, %select_n3A_1014, %select_n3A_1122 : vector<16xi1>, vector<16xf32>
      %select_n3A_1127 = arith.select %lt3A_1105, %select_n3A_1015, %select_n3A_1123 : vector<16xi1>, vector<16xf32>
      %select_n3A_1128 = arith.select %lt3A_1121, %and3A_1111, %and3A_1114 : vector<16xi1>, vector<16xi32>
      %gather3A_1129 = tpu.vector_load_idx %arg11[%select_n3A_1044] : memref<1024xi32, #tpu.memory_space<vmem>>[vector<16xi32>], vector<16xi32>,
      %gather3A_1130 = tpu.vector_load_idx %arg12[%select_n3A_1044] : memref<1024xf32, #tpu.memory_space<vmem>>[vector<16xi32>], vector<16xf32>,
      %lt3A_1131 = arith.constant 1048576 : i32
      %lt3A_1132 = vector.broadcast %lt3A_1131 : i32 to vector<16xi32>
      %lt3A_1133 = arith.cmpi slt, %gather3A_1129, %lt3A_1132 : vector<16xi32>
      %shift_right_arithmetic3A_1134 = arith.constant 10 : i32
      %shift_right_arithmetic3A_1135 = vector.broadcast %shift_right_arithmetic3A_1134 : i32 to vector<16xi32>
      %shift_right_arithmetic3A_1136 = arith.shrsi %gather3A_1129, %shift_right_arithmetic3A_1135 : vector<16xi32>
      %and3A_1137 = arith.constant 1023 : i32
      %and3A_1138 = vector.broadcast %and3A_1137 : i32 to vector<16xi32>
      %and3A_1139 = arith.andi %shift_right_arithmetic3A_1136, %and3A_1138 : vector<16xi32>
      %and3A_1140 = arith.constant 1023 : i32
      %and3A_1141 = vector.broadcast %and3A_1140 : i32 to vector<16xi32>
      %and3A_1142 = arith.andi %gather3A_1129, %and3A_1141 : vector<16xi32>
      %select_n3A_1143 = arith.select %lt3A_1133, %select_n3A_1040, %select_n3A_1042 : vector<16xi1>, vector<16xf32>
      %select_n3A_1144 = arith.select %lt3A_1133, %select_n3A_1041, %select_n3A_1043 : vector<16xi1>, vector<16xf32>
      %select_n3A_1145 = arith.select %lt3A_1133, %get3A_40, %get3A_42 : vector<16xi1>, vector<16xf32>
      %sub3A_1146 = arith.subf %select_n3A_1144, %select_n3A_1143 : vector<16xf32>
      %mul3A_1147 = arith.mulf %gather3A_1130, %sub3A_1146 : vector<16xf32>
      %add3A_1148 = arith.addf %select_n3A_1143, %mul3A_1147 : vector<16xf32>
      %lt3A_1149 = arith.cmpf olt, %select_n3A_1145, %add3A_1148 : vector<16xf32>
      %select_n3A_1150 = arith.select %lt3A_1149, %select_n3A_1143, %add3A_1148 : vector<16xi1>, vector<16xf32>
      %select_n3A_1151 = arith.select %lt3A_1149, %add3A_1148, %select_n3A_1144 : vector<16xi1>, vector<16xf32>
      %select_n3A_1152 = arith.select %lt3A_1133, %select_n3A_1150, %select_n3A_1040 : vector<16xi1>, vector<16xf32>
      %select_n3A_1153 = arith.select %lt3A_1133, %select_n3A_1151, %select_n3A_1041 : vector<16xi1>, vector<16xf32>
      %select_n3A_1154 = arith.select %lt3A_1133, %select_n3A_1042, %select_n3A_1150 : vector<16xi1>, vector<16xf32>
      %select_n3A_1155 = arith.select %lt3A_1133, %select_n3A_1043, %select_n3A_1151 : vector<16xi1>, vector<16xf32>
      %select_n3A_1156 = arith.select %lt3A_1149, %and3A_1139, %and3A_1142 : vector<16xi1>, vector<16xi32>
      %gather3A_1157 = tpu.vector_load_idx %arg11[%select_n3A_1072] : memref<1024xi32, #tpu.memory_space<vmem>>[vector<16xi32>], vector<16xi32>,
      %gather3A_1158 = tpu.vector_load_idx %arg12[%select_n3A_1072] : memref<1024xf32, #tpu.memory_space<vmem>>[vector<16xi32>], vector<16xf32>,
      %lt3A_1159 = arith.constant 1048576 : i32
      %lt3A_1160 = vector.broadcast %lt3A_1159 : i32 to vector<16xi32>
      %lt3A_1161 = arith.cmpi slt, %gather3A_1157, %lt3A_1160 : vector<16xi32>
      %shift_right_arithmetic3A_1162 = arith.constant 10 : i32
      %shift_right_arithmetic3A_1163 = vector.broadcast %shift_right_arithmetic3A_1162 : i32 to vector<16xi32>
      %shift_right_arithmetic3A_1164 = arith.shrsi %gather3A_1157, %shift_right_arithmetic3A_1163 : vector<16xi32>
      %and3A_1165 = arith.constant 1023 : i32
      %and3A_1166 = vector.broadcast %and3A_1165 : i32 to vector<16xi32>
      %and3A_1167 = arith.andi %shift_right_arithmetic3A_1164, %and3A_1166 : vector<16xi32>
      %and3A_1168 = arith.constant 1023 : i32
      %and3A_1169 = vector.broadcast %and3A_1168 : i32 to vector<16xi32>
      %and3A_1170 = arith.andi %gather3A_1157, %and3A_1169 : vector<16xi32>
      %select_n3A_1171 = arith.select %lt3A_1161, %select_n3A_1068, %select_n3A_1070 : vector<16xi1>, vector<16xf32>
      %select_n3A_1172 = arith.select %lt3A_1161, %select_n3A_1069, %select_n3A_1071 : vector<16xi1>, vector<16xf32>
      %select_n3A_1173 = arith.select %lt3A_1161, %get3A_22, %get3A_24 : vector<16xi1>, vector<16xf32>
      %sub3A_1174 = arith.subf %select_n3A_1172, %select_n3A_1171 : vector<16xf32>
      %mul3A_1175 = arith.mulf %gather3A_1158, %sub3A_1174 : vector<16xf32>
      %add3A_1176 = arith.addf %select_n3A_1171, %mul3A_1175 : vector<16xf32>
      %lt3A_1177 = arith.cmpf olt, %select_n3A_1173, %add3A_1176 : vector<16xf32>
      %select_n3A_1178 = arith.select %lt3A_1177, %select_n3A_1171, %add3A_1176 : vector<16xi1>, vector<16xf32>
      %select_n3A_1179 = arith.select %lt3A_1177, %add3A_1176, %select_n3A_1172 : vector<16xi1>, vector<16xf32>
      %select_n3A_1180 = arith.select %lt3A_1161, %select_n3A_1178, %select_n3A_1068 : vector<16xi1>, vector<16xf32>
      %select_n3A_1181 = arith.select %lt3A_1161, %select_n3A_1179, %select_n3A_1069 : vector<16xi1>, vector<16xf32>
      %select_n3A_1182 = arith.select %lt3A_1161, %select_n3A_1070, %select_n3A_1178 : vector<16xi1>, vector<16xf32>
      %select_n3A_1183 = arith.select %lt3A_1161, %select_n3A_1071, %select_n3A_1179 : vector<16xi1>, vector<16xf32>
      %select_n3A_1184 = arith.select %lt3A_1177, %and3A_1167, %and3A_1170 : vector<16xi1>, vector<16xi32>
      %gather3A_1185 = tpu.vector_load_idx %arg11[%select_n3A_1100] : memref<1024xi32, #tpu.memory_space<vmem>>[vector<16xi32>], vector<16xi32>,
      %gather3A_1186 = tpu.vector_load_idx %arg12[%select_n3A_1100] : memref<1024xf32, #tpu.memory_space<vmem>>[vector<16xi32>], vector<16xf32>,
      %lt3A_1187 = arith.constant 1048576 : i32
      %lt3A_1188 = vector.broadcast %lt3A_1187 : i32 to vector<16xi32>
      %lt3A_1189 = arith.cmpi slt, %gather3A_1185, %lt3A_1188 : vector<16xi32>
      %shift_right_arithmetic3A_1190 = arith.constant 10 : i32
      %shift_right_arithmetic3A_1191 = vector.broadcast %shift_right_arithmetic3A_1190 : i32 to vector<16xi32>
      %shift_right_arithmetic3A_1192 = arith.shrsi %gather3A_1185, %shift_right_arithmetic3A_1191 : vector<16xi32>
      %and3A_1193 = arith.constant 1023 : i32
      %and3A_1194 = vector.broadcast %and3A_1193 : i32 to vector<16xi32>
      %and3A_1195 = arith.andi %shift_right_arithmetic3A_1192, %and3A_1194 : vector<16xi32>
      %and3A_1196 = arith.constant 1023 : i32
      %and3A_1197 = vector.broadcast %and3A_1196 : i32 to vector<16xi32>
      %and3A_1198 = arith.andi %gather3A_1185, %and3A_1197 : vector<16xi32>
      %select_n3A_1199 = arith.select %lt3A_1189, %select_n3A_1096, %select_n3A_1098 : vector<16xi1>, vector<16xf32>
      %select_n3A_1200 = arith.select %lt3A_1189, %select_n3A_1097, %select_n3A_1099 : vector<16xi1>, vector<16xf32>
      %select_n3A_1201 = arith.select %lt3A_1189, %get3A_28, %get3A_30 : vector<16xi1>, vector<16xf32>
      %sub3A_1202 = arith.subf %select_n3A_1200, %select_n3A_1199 : vector<16xf32>
      %mul3A_1203 = arith.mulf %gather3A_1186, %sub3A_1202 : vector<16xf32>
      %add3A_1204 = arith.addf %select_n3A_1199, %mul3A_1203 : vector<16xf32>
      %lt3A_1205 = arith.cmpf olt, %select_n3A_1201, %add3A_1204 : vector<16xf32>
      %select_n3A_1206 = arith.select %lt3A_1205, %select_n3A_1199, %add3A_1204 : vector<16xi1>, vector<16xf32>
      %select_n3A_1207 = arith.select %lt3A_1205, %add3A_1204, %select_n3A_1200 : vector<16xi1>, vector<16xf32>
      %select_n3A_1208 = arith.select %lt3A_1189, %select_n3A_1206, %select_n3A_1096 : vector<16xi1>, vector<16xf32>
      %select_n3A_1209 = arith.select %lt3A_1189, %select_n3A_1207, %select_n3A_1097 : vector<16xi1>, vector<16xf32>
      %select_n3A_1210 = arith.select %lt3A_1189, %select_n3A_1098, %select_n3A_1206 : vector<16xi1>, vector<16xf32>
      %select_n3A_1211 = arith.select %lt3A_1189, %select_n3A_1099, %select_n3A_1207 : vector<16xi1>, vector<16xf32>
      %select_n3A_1212 = arith.select %lt3A_1205, %and3A_1195, %and3A_1198 : vector<16xi1>, vector<16xi32>
      %gather3A_1213 = tpu.vector_load_idx %arg11[%select_n3A_1128] : memref<1024xi32, #tpu.memory_space<vmem>>[vector<16xi32>], vector<16xi32>,
      %gather3A_1214 = tpu.vector_load_idx %arg12[%select_n3A_1128] : memref<1024xf32, #tpu.memory_space<vmem>>[vector<16xi32>], vector<16xf32>,
      %lt3A_1215 = arith.constant 1048576 : i32
      %lt3A_1216 = vector.broadcast %lt3A_1215 : i32 to vector<16xi32>
      %lt3A_1217 = arith.cmpi slt, %gather3A_1213, %lt3A_1216 : vector<16xi32>
      %shift_right_arithmetic3A_1218 = arith.constant 10 : i32
      %shift_right_arithmetic3A_1219 = vector.broadcast %shift_right_arithmetic3A_1218 : i32 to vector<16xi32>
      %shift_right_arithmetic3A_1220 = arith.shrsi %gather3A_1213, %shift_right_arithmetic3A_1219 : vector<16xi32>
      %and3A_1221 = arith.constant 1023 : i32
      %and3A_1222 = vector.broadcast %and3A_1221 : i32 to vector<16xi32>
      %and3A_1223 = arith.andi %shift_right_arithmetic3A_1220, %and3A_1222 : vector<16xi32>
      %and3A_1224 = arith.constant 1023 : i32
      %and3A_1225 = vector.broadcast %and3A_1224 : i32 to vector<16xi32>
      %and3A_1226 = arith.andi %gather3A_1213, %and3A_1225 : vector<16xi32>
      %select_n3A_1227 = arith.select %lt3A_1217, %select_n3A_1124, %select_n3A_1126 : vector<16xi1>, vector<16xf32>
      %select_n3A_1228 = arith.select %lt3A_1217, %select_n3A_1125, %select_n3A_1127 : vector<16xi1>, vector<16xf32>
      %select_n3A_1229 = arith.select %lt3A_1217, %get3A_34, %get3A_36 : vector<16xi1>, vector<16xf32>
      %sub3A_1230 = arith.subf %select_n3A_1228, %select_n3A_1227 : vector<16xf32>
      %mul3A_1231 = arith.mulf %gather3A_1214, %sub3A_1230 : vector<16xf32>
      %add3A_1232 = arith.addf %select_n3A_1227, %mul3A_1231 : vector<16xf32>
      %lt3A_1233 = arith.cmpf olt, %select_n3A_1229, %add3A_1232 : vector<16xf32>
      %select_n3A_1234 = arith.select %lt3A_1233, %select_n3A_1227, %add3A_1232 : vector<16xi1>, vector<16xf32>
      %select_n3A_1235 = arith.select %lt3A_1233, %add3A_1232, %select_n3A_1228 : vector<16xi1>, vector<16xf32>
      %select_n3A_1236 = arith.select %lt3A_1217, %select_n3A_1234, %select_n3A_1124 : vector<16xi1>, vector<16xf32>
      %select_n3A_1237 = arith.select %lt3A_1217, %select_n3A_1235, %select_n3A_1125 : vector<16xi1>, vector<16xf32>
      %select_n3A_1238 = arith.select %lt3A_1217, %select_n3A_1126, %select_n3A_1234 : vector<16xi1>, vector<16xf32>
      %select_n3A_1239 = arith.select %lt3A_1217, %select_n3A_1127, %select_n3A_1235 : vector<16xi1>, vector<16xf32>
      %select_n3A_1240 = arith.select %lt3A_1233, %and3A_1223, %and3A_1226 : vector<16xi1>, vector<16xi32>
      %gather3A_1241 = tpu.vector_load_idx %arg11[%select_n3A_1156] : memref<1024xi32, #tpu.memory_space<vmem>>[vector<16xi32>], vector<16xi32>,
      %gather3A_1242 = tpu.vector_load_idx %arg12[%select_n3A_1156] : memref<1024xf32, #tpu.memory_space<vmem>>[vector<16xi32>], vector<16xf32>,
      %lt3A_1243 = arith.constant 1048576 : i32
      %lt3A_1244 = vector.broadcast %lt3A_1243 : i32 to vector<16xi32>
      %lt3A_1245 = arith.cmpi slt, %gather3A_1241, %lt3A_1244 : vector<16xi32>
      %shift_right_arithmetic3A_1246 = arith.constant 10 : i32
      %shift_right_arithmetic3A_1247 = vector.broadcast %shift_right_arithmetic3A_1246 : i32 to vector<16xi32>
      %shift_right_arithmetic3A_1248 = arith.shrsi %gather3A_1241, %shift_right_arithmetic3A_1247 : vector<16xi32>
      %and3A_1249 = arith.constant 1023 : i32
      %and3A_1250 = vector.broadcast %and3A_1249 : i32 to vector<16xi32>
      %and3A_1251 = arith.andi %shift_right_arithmetic3A_1248, %and3A_1250 : vector<16xi32>
      %and3A_1252 = arith.constant 1023 : i32
      %and3A_1253 = vector.broadcast %and3A_1252 : i32 to vector<16xi32>
      %and3A_1254 = arith.andi %gather3A_1241, %and3A_1253 : vector<16xi32>
      %select_n3A_1255 = arith.select %lt3A_1245, %select_n3A_1152, %select_n3A_1154 : vector<16xi1>, vector<16xf32>
      %select_n3A_1256 = arith.select %lt3A_1245, %select_n3A_1153, %select_n3A_1155 : vector<16xi1>, vector<16xf32>
      %select_n3A_1257 = arith.select %lt3A_1245, %get3A_40, %get3A_42 : vector<16xi1>, vector<16xf32>
      %sub3A_1258 = arith.subf %select_n3A_1256, %select_n3A_1255 : vector<16xf32>
      %mul3A_1259 = arith.mulf %gather3A_1242, %sub3A_1258 : vector<16xf32>
      %add3A_1260 = arith.addf %select_n3A_1255, %mul3A_1259 : vector<16xf32>
      %lt3A_1261 = arith.cmpf olt, %select_n3A_1257, %add3A_1260 : vector<16xf32>
      %select_n3A_1262 = arith.select %lt3A_1261, %select_n3A_1255, %add3A_1260 : vector<16xi1>, vector<16xf32>
      %select_n3A_1263 = arith.select %lt3A_1261, %add3A_1260, %select_n3A_1256 : vector<16xi1>, vector<16xf32>
      %select_n3A_1264 = arith.select %lt3A_1245, %select_n3A_1262, %select_n3A_1152 : vector<16xi1>, vector<16xf32>
      %select_n3A_1265 = arith.select %lt3A_1245, %select_n3A_1263, %select_n3A_1153 : vector<16xi1>, vector<16xf32>
      %select_n3A_1266 = arith.select %lt3A_1245, %select_n3A_1154, %select_n3A_1262 : vector<16xi1>, vector<16xf32>
      %select_n3A_1267 = arith.select %lt3A_1245, %select_n3A_1155, %select_n3A_1263 : vector<16xi1>, vector<16xf32>
      %select_n3A_1268 = arith.select %lt3A_1261, %and3A_1251, %and3A_1254 : vector<16xi1>, vector<16xi32>
      %gather3A_1269 = tpu.vector_load_idx %arg11[%select_n3A_1184] : memref<1024xi32, #tpu.memory_space<vmem>>[vector<16xi32>], vector<16xi32>,
      %gather3A_1270 = tpu.vector_load_idx %arg12[%select_n3A_1184] : memref<1024xf32, #tpu.memory_space<vmem>>[vector<16xi32>], vector<16xf32>,
      %lt3A_1271 = arith.constant 1048576 : i32
      %lt3A_1272 = vector.broadcast %lt3A_1271 : i32 to vector<16xi32>
      %lt3A_1273 = arith.cmpi slt, %gather3A_1269, %lt3A_1272 : vector<16xi32>
      %shift_right_arithmetic3A_1274 = arith.constant 10 : i32
      %shift_right_arithmetic3A_1275 = vector.broadcast %shift_right_arithmetic3A_1274 : i32 to vector<16xi32>
      %shift_right_arithmetic3A_1276 = arith.shrsi %gather3A_1269, %shift_right_arithmetic3A_1275 : vector<16xi32>
      %and3A_1277 = arith.constant 1023 : i32
      %and3A_1278 = vector.broadcast %and3A_1277 : i32 to vector<16xi32>
      %and3A_1279 = arith.andi %shift_right_arithmetic3A_1276, %and3A_1278 : vector<16xi32>
      %and3A_1280 = arith.constant 1023 : i32
      %and3A_1281 = vector.broadcast %and3A_1280 : i32 to vector<16xi32>
      %and3A_1282 = arith.andi %gather3A_1269, %and3A_1281 : vector<16xi32>
      %select_n3A_1283 = arith.select %lt3A_1273, %select_n3A_1180, %select_n3A_1182 : vector<16xi1>, vector<16xf32>
      %select_n3A_1284 = arith.select %lt3A_1273, %select_n3A_1181, %select_n3A_1183 : vector<16xi1>, vector<16xf32>
      %select_n3A_1285 = arith.select %lt3A_1273, %get3A_22, %get3A_24 : vector<16xi1>, vector<16xf32>
      %sub3A_1286 = arith.subf %select_n3A_1284, %select_n3A_1283 : vector<16xf32>
      %mul3A_1287 = arith.mulf %gather3A_1270, %sub3A_1286 : vector<16xf32>
      %add3A_1288 = arith.addf %select_n3A_1283, %mul3A_1287 : vector<16xf32>
      %lt3A_1289 = arith.cmpf olt, %select_n3A_1285, %add3A_1288 : vector<16xf32>
      %select_n3A_1290 = arith.select %lt3A_1289, %select_n3A_1283, %add3A_1288 : vector<16xi1>, vector<16xf32>
      %select_n3A_1291 = arith.select %lt3A_1289, %add3A_1288, %select_n3A_1284 : vector<16xi1>, vector<16xf32>
      %select_n3A_1292 = arith.select %lt3A_1273, %select_n3A_1290, %select_n3A_1180 : vector<16xi1>, vector<16xf32>
      %select_n3A_1293 = arith.select %lt3A_1273, %select_n3A_1291, %select_n3A_1181 : vector<16xi1>, vector<16xf32>
      %select_n3A_1294 = arith.select %lt3A_1273, %select_n3A_1182, %select_n3A_1290 : vector<16xi1>, vector<16xf32>
      %select_n3A_1295 = arith.select %lt3A_1273, %select_n3A_1183, %select_n3A_1291 : vector<16xi1>, vector<16xf32>
      %select_n3A_1296 = arith.select %lt3A_1289, %and3A_1279, %and3A_1282 : vector<16xi1>, vector<16xi32>
      %gather3A_1297 = tpu.vector_load_idx %arg11[%select_n3A_1212] : memref<1024xi32, #tpu.memory_space<vmem>>[vector<16xi32>], vector<16xi32>,
      %gather3A_1298 = tpu.vector_load_idx %arg12[%select_n3A_1212] : memref<1024xf32, #tpu.memory_space<vmem>>[vector<16xi32>], vector<16xf32>,
      %lt3A_1299 = arith.constant 1048576 : i32
      %lt3A_1300 = vector.broadcast %lt3A_1299 : i32 to vector<16xi32>
      %lt3A_1301 = arith.cmpi slt, %gather3A_1297, %lt3A_1300 : vector<16xi32>
      %shift_right_arithmetic3A_1302 = arith.constant 10 : i32
      %shift_right_arithmetic3A_1303 = vector.broadcast %shift_right_arithmetic3A_1302 : i32 to vector<16xi32>
      %shift_right_arithmetic3A_1304 = arith.shrsi %gather3A_1297, %shift_right_arithmetic3A_1303 : vector<16xi32>
      %and3A_1305 = arith.constant 1023 : i32
      %and3A_1306 = vector.broadcast %and3A_1305 : i32 to vector<16xi32>
      %and3A_1307 = arith.andi %shift_right_arithmetic3A_1304, %and3A_1306 : vector<16xi32>
      %and3A_1308 = arith.constant 1023 : i32
      %and3A_1309 = vector.broadcast %and3A_1308 : i32 to vector<16xi32>
      %and3A_1310 = arith.andi %gather3A_1297, %and3A_1309 : vector<16xi32>
      %select_n3A_1311 = arith.select %lt3A_1301, %select_n3A_1208, %select_n3A_1210 : vector<16xi1>, vector<16xf32>
      %select_n3A_1312 = arith.select %lt3A_1301, %select_n3A_1209, %select_n3A_1211 : vector<16xi1>, vector<16xf32>
      %select_n3A_1313 = arith.select %lt3A_1301, %get3A_28, %get3A_30 : vector<16xi1>, vector<16xf32>
      %sub3A_1314 = arith.subf %select_n3A_1312, %select_n3A_1311 : vector<16xf32>
      %mul3A_1315 = arith.mulf %gather3A_1298, %sub3A_1314 : vector<16xf32>
      %add3A_1316 = arith.addf %select_n3A_1311, %mul3A_1315 : vector<16xf32>
      %lt3A_1317 = arith.cmpf olt, %select_n3A_1313, %add3A_1316 : vector<16xf32>
      %select_n3A_1318 = arith.select %lt3A_1317, %select_n3A_1311, %add3A_1316 : vector<16xi1>, vector<16xf32>
      %select_n3A_1319 = arith.select %lt3A_1317, %add3A_1316, %select_n3A_1312 : vector<16xi1>, vector<16xf32>
      %select_n3A_1320 = arith.select %lt3A_1301, %select_n3A_1318, %select_n3A_1208 : vector<16xi1>, vector<16xf32>
      %select_n3A_1321 = arith.select %lt3A_1301, %select_n3A_1319, %select_n3A_1209 : vector<16xi1>, vector<16xf32>
      %select_n3A_1322 = arith.select %lt3A_1301, %select_n3A_1210, %select_n3A_1318 : vector<16xi1>, vector<16xf32>
      %select_n3A_1323 = arith.select %lt3A_1301, %select_n3A_1211, %select_n3A_1319 : vector<16xi1>, vector<16xf32>
      %select_n3A_1324 = arith.select %lt3A_1317, %and3A_1307, %and3A_1310 : vector<16xi1>, vector<16xi32>
      %gather3A_1325 = tpu.vector_load_idx %arg11[%select_n3A_1240] : memref<1024xi32, #tpu.memory_space<vmem>>[vector<16xi32>], vector<16xi32>,
      %gather3A_1326 = tpu.vector_load_idx %arg12[%select_n3A_1240] : memref<1024xf32, #tpu.memory_space<vmem>>[vector<16xi32>], vector<16xf32>,
      %lt3A_1327 = arith.constant 1048576 : i32
      %lt3A_1328 = vector.broadcast %lt3A_1327 : i32 to vector<16xi32>
      %lt3A_1329 = arith.cmpi slt, %gather3A_1325, %lt3A_1328 : vector<16xi32>
      %shift_right_arithmetic3A_1330 = arith.constant 10 : i32
      %shift_right_arithmetic3A_1331 = vector.broadcast %shift_right_arithmetic3A_1330 : i32 to vector<16xi32>
      %shift_right_arithmetic3A_1332 = arith.shrsi %gather3A_1325, %shift_right_arithmetic3A_1331 : vector<16xi32>
      %and3A_1333 = arith.constant 1023 : i32
      %and3A_1334 = vector.broadcast %and3A_1333 : i32 to vector<16xi32>
      %and3A_1335 = arith.andi %shift_right_arithmetic3A_1332, %and3A_1334 : vector<16xi32>
      %and3A_1336 = arith.constant 1023 : i32
      %and3A_1337 = vector.broadcast %and3A_1336 : i32 to vector<16xi32>
      %and3A_1338 = arith.andi %gather3A_1325, %and3A_1337 : vector<16xi32>
      %select_n3A_1339 = arith.select %lt3A_1329, %select_n3A_1236, %select_n3A_1238 : vector<16xi1>, vector<16xf32>
      %select_n3A_1340 = arith.select %lt3A_1329, %select_n3A_1237, %select_n3A_1239 : vector<16xi1>, vector<16xf32>
      %select_n3A_1341 = arith.select %lt3A_1329, %get3A_34, %get3A_36 : vector<16xi1>, vector<16xf32>
      %sub3A_1342 = arith.subf %select_n3A_1340, %select_n3A_1339 : vector<16xf32>
      %mul3A_1343 = arith.mulf %gather3A_1326, %sub3A_1342 : vector<16xf32>
      %add3A_1344 = arith.addf %select_n3A_1339, %mul3A_1343 : vector<16xf32>
      %lt3A_1345 = arith.cmpf olt, %select_n3A_1341, %add3A_1344 : vector<16xf32>
      %select_n3A_1346 = arith.select %lt3A_1345, %select_n3A_1339, %add3A_1344 : vector<16xi1>, vector<16xf32>
      %select_n3A_1347 = arith.select %lt3A_1345, %add3A_1344, %select_n3A_1340 : vector<16xi1>, vector<16xf32>
      %select_n3A_1348 = arith.select %lt3A_1329, %select_n3A_1346, %select_n3A_1236 : vector<16xi1>, vector<16xf32>
      %select_n3A_1349 = arith.select %lt3A_1329, %select_n3A_1347, %select_n3A_1237 : vector<16xi1>, vector<16xf32>
      %select_n3A_1350 = arith.select %lt3A_1329, %select_n3A_1238, %select_n3A_1346 : vector<16xi1>, vector<16xf32>
      %select_n3A_1351 = arith.select %lt3A_1329, %select_n3A_1239, %select_n3A_1347 : vector<16xi1>, vector<16xf32>
      %select_n3A_1352 = arith.select %lt3A_1345, %and3A_1335, %and3A_1338 : vector<16xi1>, vector<16xi32>
      %gather3A_1353 = tpu.vector_load_idx %arg11[%select_n3A_1268] : memref<1024xi32, #tpu.memory_space<vmem>>[vector<16xi32>], vector<16xi32>,
      %gather3A_1354 = tpu.vector_load_idx %arg12[%select_n3A_1268] : memref<1024xf32, #tpu.memory_space<vmem>>[vector<16xi32>], vector<16xf32>,
      %lt3A_1355 = arith.constant 1048576 : i32
      %lt3A_1356 = vector.broadcast %lt3A_1355 : i32 to vector<16xi32>
      %lt3A_1357 = arith.cmpi slt, %gather3A_1353, %lt3A_1356 : vector<16xi32>
      %shift_right_arithmetic3A_1358 = arith.constant 10 : i32
      %shift_right_arithmetic3A_1359 = vector.broadcast %shift_right_arithmetic3A_1358 : i32 to vector<16xi32>
      %shift_right_arithmetic3A_1360 = arith.shrsi %gather3A_1353, %shift_right_arithmetic3A_1359 : vector<16xi32>
      %and3A_1361 = arith.constant 1023 : i32
      %and3A_1362 = vector.broadcast %and3A_1361 : i32 to vector<16xi32>
      %and3A_1363 = arith.andi %shift_right_arithmetic3A_1360, %and3A_1362 : vector<16xi32>
      %and3A_1364 = arith.constant 1023 : i32
      %and3A_1365 = vector.broadcast %and3A_1364 : i32 to vector<16xi32>
      %and3A_1366 = arith.andi %gather3A_1353, %and3A_1365 : vector<16xi32>
      %select_n3A_1367 = arith.select %lt3A_1357, %select_n3A_1264, %select_n3A_1266 : vector<16xi1>, vector<16xf32>
      %select_n3A_1368 = arith.select %lt3A_1357, %select_n3A_1265, %select_n3A_1267 : vector<16xi1>, vector<16xf32>
      %select_n3A_1369 = arith.select %lt3A_1357, %get3A_40, %get3A_42 : vector<16xi1>, vector<16xf32>
      %sub3A_1370 = arith.subf %select_n3A_1368, %select_n3A_1367 : vector<16xf32>
      %mul3A_1371 = arith.mulf %gather3A_1354, %sub3A_1370 : vector<16xf32>
      %add3A_1372 = arith.addf %select_n3A_1367, %mul3A_1371 : vector<16xf32>
      %lt3A_1373 = arith.cmpf olt, %select_n3A_1369, %add3A_1372 : vector<16xf32>
      %select_n3A_1374 = arith.select %lt3A_1373, %select_n3A_1367, %add3A_1372 : vector<16xi1>, vector<16xf32>
      %select_n3A_1375 = arith.select %lt3A_1373, %add3A_1372, %select_n3A_1368 : vector<16xi1>, vector<16xf32>
      %select_n3A_1376 = arith.select %lt3A_1357, %select_n3A_1374, %select_n3A_1264 : vector<16xi1>, vector<16xf32>
      %select_n3A_1377 = arith.select %lt3A_1357, %select_n3A_1375, %select_n3A_1265 : vector<16xi1>, vector<16xf32>
      %select_n3A_1378 = arith.select %lt3A_1357, %select_n3A_1266, %select_n3A_1374 : vector<16xi1>, vector<16xf32>
      %select_n3A_1379 = arith.select %lt3A_1357, %select_n3A_1267, %select_n3A_1375 : vector<16xi1>, vector<16xf32>
      %select_n3A_1380 = arith.select %lt3A_1373, %and3A_1363, %and3A_1366 : vector<16xi1>, vector<16xi32>
      %gather3A_1381 = tpu.vector_load_idx %arg11[%select_n3A_1296] : memref<1024xi32, #tpu.memory_space<vmem>>[vector<16xi32>], vector<16xi32>,
      %gather3A_1382 = tpu.vector_load_idx %arg12[%select_n3A_1296] : memref<1024xf32, #tpu.memory_space<vmem>>[vector<16xi32>], vector<16xf32>,
      %lt3A_1383 = arith.constant 1048576 : i32
      %lt3A_1384 = vector.broadcast %lt3A_1383 : i32 to vector<16xi32>
      %lt3A_1385 = arith.cmpi slt, %gather3A_1381, %lt3A_1384 : vector<16xi32>
      %shift_right_arithmetic3A_1386 = arith.constant 10 : i32
      %shift_right_arithmetic3A_1387 = vector.broadcast %shift_right_arithmetic3A_1386 : i32 to vector<16xi32>
      %shift_right_arithmetic3A_1388 = arith.shrsi %gather3A_1381, %shift_right_arithmetic3A_1387 : vector<16xi32>
      %and3A_1389 = arith.constant 1023 : i32
      %and3A_1390 = vector.broadcast %and3A_1389 : i32 to vector<16xi32>
      %and3A_1391 = arith.andi %shift_right_arithmetic3A_1388, %and3A_1390 : vector<16xi32>
      %and3A_1392 = arith.constant 1023 : i32
      %and3A_1393 = vector.broadcast %and3A_1392 : i32 to vector<16xi32>
      %and3A_1394 = arith.andi %gather3A_1381, %and3A_1393 : vector<16xi32>
      %select_n3A_1395 = arith.select %lt3A_1385, %select_n3A_1292, %select_n3A_1294 : vector<16xi1>, vector<16xf32>
      %select_n3A_1396 = arith.select %lt3A_1385, %select_n3A_1293, %select_n3A_1295 : vector<16xi1>, vector<16xf32>
      %select_n3A_1397 = arith.select %lt3A_1385, %get3A_22, %get3A_24 : vector<16xi1>, vector<16xf32>
      %sub3A_1398 = arith.subf %select_n3A_1396, %select_n3A_1395 : vector<16xf32>
      %mul3A_1399 = arith.mulf %gather3A_1382, %sub3A_1398 : vector<16xf32>
      %add3A_1400 = arith.addf %select_n3A_1395, %mul3A_1399 : vector<16xf32>
      %lt3A_1401 = arith.cmpf olt, %select_n3A_1397, %add3A_1400 : vector<16xf32>
      %select_n3A_1402 = arith.select %lt3A_1401, %select_n3A_1395, %add3A_1400 : vector<16xi1>, vector<16xf32>
      %select_n3A_1403 = arith.select %lt3A_1401, %add3A_1400, %select_n3A_1396 : vector<16xi1>, vector<16xf32>
      %select_n3A_1404 = arith.select %lt3A_1385, %select_n3A_1402, %select_n3A_1292 : vector<16xi1>, vector<16xf32>
      %select_n3A_1405 = arith.select %lt3A_1385, %select_n3A_1403, %select_n3A_1293 : vector<16xi1>, vector<16xf32>
      %select_n3A_1406 = arith.select %lt3A_1385, %select_n3A_1294, %select_n3A_1402 : vector<16xi1>, vector<16xf32>
      %select_n3A_1407 = arith.select %lt3A_1385, %select_n3A_1295, %select_n3A_1403 : vector<16xi1>, vector<16xf32>
      %select_n3A_1408 = arith.select %lt3A_1401, %and3A_1391, %and3A_1394 : vector<16xi1>, vector<16xi32>
      %gather3A_1409 = tpu.vector_load_idx %arg11[%select_n3A_1324] : memref<1024xi32, #tpu.memory_space<vmem>>[vector<16xi32>], vector<16xi32>,
      %gather3A_1410 = tpu.vector_load_idx %arg12[%select_n3A_1324] : memref<1024xf32, #tpu.memory_space<vmem>>[vector<16xi32>], vector<16xf32>,
      %lt3A_1411 = arith.constant 1048576 : i32
      %lt3A_1412 = vector.broadcast %lt3A_1411 : i32 to vector<16xi32>
      %lt3A_1413 = arith.cmpi slt, %gather3A_1409, %lt3A_1412 : vector<16xi32>
      %shift_right_arithmetic3A_1414 = arith.constant 10 : i32
      %shift_right_arithmetic3A_1415 = vector.broadcast %shift_right_arithmetic3A_1414 : i32 to vector<16xi32>
      %shift_right_arithmetic3A_1416 = arith.shrsi %gather3A_1409, %shift_right_arithmetic3A_1415 : vector<16xi32>
      %and3A_1417 = arith.constant 1023 : i32
      %and3A_1418 = vector.broadcast %and3A_1417 : i32 to vector<16xi32>
      %and3A_1419 = arith.andi %shift_right_arithmetic3A_1416, %and3A_1418 : vector<16xi32>
      %and3A_1420 = arith.constant 1023 : i32
      %and3A_1421 = vector.broadcast %and3A_1420 : i32 to vector<16xi32>
      %and3A_1422 = arith.andi %gather3A_1409, %and3A_1421 : vector<16xi32>
      %select_n3A_1423 = arith.select %lt3A_1413, %select_n3A_1320, %select_n3A_1322 : vector<16xi1>, vector<16xf32>
      %select_n3A_1424 = arith.select %lt3A_1413, %select_n3A_1321, %select_n3A_1323 : vector<16xi1>, vector<16xf32>
      %select_n3A_1425 = arith.select %lt3A_1413, %get3A_28, %get3A_30 : vector<16xi1>, vector<16xf32>
      %sub3A_1426 = arith.subf %select_n3A_1424, %select_n3A_1423 : vector<16xf32>
      %mul3A_1427 = arith.mulf %gather3A_1410, %sub3A_1426 : vector<16xf32>
      %add3A_1428 = arith.addf %select_n3A_1423, %mul3A_1427 : vector<16xf32>
      %lt3A_1429 = arith.cmpf olt, %select_n3A_1425, %add3A_1428 : vector<16xf32>
      %select_n3A_1430 = arith.select %lt3A_1429, %select_n3A_1423, %add3A_1428 : vector<16xi1>, vector<16xf32>
      %select_n3A_1431 = arith.select %lt3A_1429, %add3A_1428, %select_n3A_1424 : vector<16xi1>, vector<16xf32>
      %select_n3A_1432 = arith.select %lt3A_1413, %select_n3A_1430, %select_n3A_1320 : vector<16xi1>, vector<16xf32>
      %select_n3A_1433 = arith.select %lt3A_1413, %select_n3A_1431, %select_n3A_1321 : vector<16xi1>, vector<16xf32>
      %select_n3A_1434 = arith.select %lt3A_1413, %select_n3A_1322, %select_n3A_1430 : vector<16xi1>, vector<16xf32>
      %select_n3A_1435 = arith.select %lt3A_1413, %select_n3A_1323, %select_n3A_1431 : vector<16xi1>, vector<16xf32>
      %select_n3A_1436 = arith.select %lt3A_1429, %and3A_1419, %and3A_1422 : vector<16xi1>, vector<16xi32>
      %gather3A_1437 = tpu.vector_load_idx %arg11[%select_n3A_1352] : memref<1024xi32, #tpu.memory_space<vmem>>[vector<16xi32>], vector<16xi32>,
      %gather3A_1438 = tpu.vector_load_idx %arg12[%select_n3A_1352] : memref<1024xf32, #tpu.memory_space<vmem>>[vector<16xi32>], vector<16xf32>,
      %lt3A_1439 = arith.constant 1048576 : i32
      %lt3A_1440 = vector.broadcast %lt3A_1439 : i32 to vector<16xi32>
      %lt3A_1441 = arith.cmpi slt, %gather3A_1437, %lt3A_1440 : vector<16xi32>
      %shift_right_arithmetic3A_1442 = arith.constant 10 : i32
      %shift_right_arithmetic3A_1443 = vector.broadcast %shift_right_arithmetic3A_1442 : i32 to vector<16xi32>
      %shift_right_arithmetic3A_1444 = arith.shrsi %gather3A_1437, %shift_right_arithmetic3A_1443 : vector<16xi32>
      %and3A_1445 = arith.constant 1023 : i32
      %and3A_1446 = vector.broadcast %and3A_1445 : i32 to vector<16xi32>
      %and3A_1447 = arith.andi %shift_right_arithmetic3A_1444, %and3A_1446 : vector<16xi32>
      %and3A_1448 = arith.constant 1023 : i32
      %and3A_1449 = vector.broadcast %and3A_1448 : i32 to vector<16xi32>
      %and3A_1450 = arith.andi %gather3A_1437, %and3A_1449 : vector<16xi32>
      %select_n3A_1451 = arith.select %lt3A_1441, %select_n3A_1348, %select_n3A_1350 : vector<16xi1>, vector<16xf32>
      %select_n3A_1452 = arith.select %lt3A_1441, %select_n3A_1349, %select_n3A_1351 : vector<16xi1>, vector<16xf32>
      %select_n3A_1453 = arith.select %lt3A_1441, %get3A_34, %get3A_36 : vector<16xi1>, vector<16xf32>
      %sub3A_1454 = arith.subf %select_n3A_1452, %select_n3A_1451 : vector<16xf32>
      %mul3A_1455 = arith.mulf %gather3A_1438, %sub3A_1454 : vector<16xf32>
      %add3A_1456 = arith.addf %select_n3A_1451, %mul3A_1455 : vector<16xf32>
      %lt3A_1457 = arith.cmpf olt, %select_n3A_1453, %add3A_1456 : vector<16xf32>
      %select_n3A_1458 = arith.select %lt3A_1457, %select_n3A_1451, %add3A_1456 : vector<16xi1>, vector<16xf32>
      %select_n3A_1459 = arith.select %lt3A_1457, %add3A_1456, %select_n3A_1452 : vector<16xi1>, vector<16xf32>
      %select_n3A_1460 = arith.select %lt3A_1441, %select_n3A_1458, %select_n3A_1348 : vector<16xi1>, vector<16xf32>
      %select_n3A_1461 = arith.select %lt3A_1441, %select_n3A_1459, %select_n3A_1349 : vector<16xi1>, vector<16xf32>
      %select_n3A_1462 = arith.select %lt3A_1441, %select_n3A_1350, %select_n3A_1458 : vector<16xi1>, vector<16xf32>
      %select_n3A_1463 = arith.select %lt3A_1441, %select_n3A_1351, %select_n3A_1459 : vector<16xi1>, vector<16xf32>
      %select_n3A_1464 = arith.select %lt3A_1457, %and3A_1447, %and3A_1450 : vector<16xi1>, vector<16xi32>
      %gather3A_1465 = tpu.vector_load_idx %arg11[%select_n3A_1380] : memref<1024xi32, #tpu.memory_space<vmem>>[vector<16xi32>], vector<16xi32>,
      %gather3A_1466 = tpu.vector_load_idx %arg12[%select_n3A_1380] : memref<1024xf32, #tpu.memory_space<vmem>>[vector<16xi32>], vector<16xf32>,
      %lt3A_1467 = arith.constant 1048576 : i32
      %lt3A_1468 = vector.broadcast %lt3A_1467 : i32 to vector<16xi32>
      %lt3A_1469 = arith.cmpi slt, %gather3A_1465, %lt3A_1468 : vector<16xi32>
      %shift_right_arithmetic3A_1470 = arith.constant 10 : i32
      %shift_right_arithmetic3A_1471 = vector.broadcast %shift_right_arithmetic3A_1470 : i32 to vector<16xi32>
      %shift_right_arithmetic3A_1472 = arith.shrsi %gather3A_1465, %shift_right_arithmetic3A_1471 : vector<16xi32>
      %and3A_1473 = arith.constant 1023 : i32
      %and3A_1474 = vector.broadcast %and3A_1473 : i32 to vector<16xi32>
      %and3A_1475 = arith.andi %shift_right_arithmetic3A_1472, %and3A_1474 : vector<16xi32>
      %and3A_1476 = arith.constant 1023 : i32
      %and3A_1477 = vector.broadcast %and3A_1476 : i32 to vector<16xi32>
      %and3A_1478 = arith.andi %gather3A_1465, %and3A_1477 : vector<16xi32>
      %select_n3A_1479 = arith.select %lt3A_1469, %select_n3A_1376, %select_n3A_1378 : vector<16xi1>, vector<16xf32>
      %select_n3A_1480 = arith.select %lt3A_1469, %select_n3A_1377, %select_n3A_1379 : vector<16xi1>, vector<16xf32>
      %select_n3A_1481 = arith.select %lt3A_1469, %get3A_40, %get3A_42 : vector<16xi1>, vector<16xf32>
      %sub3A_1482 = arith.subf %select_n3A_1480, %select_n3A_1479 : vector<16xf32>
      %mul3A_1483 = arith.mulf %gather3A_1466, %sub3A_1482 : vector<16xf32>
      %add3A_1484 = arith.addf %select_n3A_1479, %mul3A_1483 : vector<16xf32>
      %lt3A_1485 = arith.cmpf olt, %select_n3A_1481, %add3A_1484 : vector<16xf32>
      %select_n3A_1486 = arith.select %lt3A_1485, %select_n3A_1479, %add3A_1484 : vector<16xi1>, vector<16xf32>
      %select_n3A_1487 = arith.select %lt3A_1485, %add3A_1484, %select_n3A_1480 : vector<16xi1>, vector<16xf32>
      %select_n3A_1488 = arith.select %lt3A_1469, %select_n3A_1486, %select_n3A_1376 : vector<16xi1>, vector<16xf32>
      %select_n3A_1489 = arith.select %lt3A_1469, %select_n3A_1487, %select_n3A_1377 : vector<16xi1>, vector<16xf32>
      %select_n3A_1490 = arith.select %lt3A_1469, %select_n3A_1378, %select_n3A_1486 : vector<16xi1>, vector<16xf32>
      %select_n3A_1491 = arith.select %lt3A_1469, %select_n3A_1379, %select_n3A_1487 : vector<16xi1>, vector<16xf32>
      %select_n3A_1492 = arith.select %lt3A_1485, %and3A_1475, %and3A_1478 : vector<16xi1>, vector<16xi32>
      %gather3A_1493 = tpu.vector_load_idx %arg11[%select_n3A_1408] : memref<1024xi32, #tpu.memory_space<vmem>>[vector<16xi32>], vector<16xi32>,
      %gather3A_1494 = tpu.vector_load_idx %arg12[%select_n3A_1408] : memref<1024xf32, #tpu.memory_space<vmem>>[vector<16xi32>], vector<16xf32>,
      %lt3A_1495 = arith.constant 1048576 : i32
      %lt3A_1496 = vector.broadcast %lt3A_1495 : i32 to vector<16xi32>
      %lt3A_1497 = arith.cmpi slt, %gather3A_1493, %lt3A_1496 : vector<16xi32>
      %shift_right_arithmetic3A_1498 = arith.constant 10 : i32
      %shift_right_arithmetic3A_1499 = vector.broadcast %shift_right_arithmetic3A_1498 : i32 to vector<16xi32>
      %shift_right_arithmetic3A_1500 = arith.shrsi %gather3A_1493, %shift_right_arithmetic3A_1499 : vector<16xi32>
      %and3A_1501 = arith.constant 1023 : i32
      %and3A_1502 = vector.broadcast %and3A_1501 : i32 to vector<16xi32>
      %and3A_1503 = arith.andi %shift_right_arithmetic3A_1500, %and3A_1502 : vector<16xi32>
      %and3A_1504 = arith.constant 1023 : i32
      %and3A_1505 = vector.broadcast %and3A_1504 : i32 to vector<16xi32>
      %and3A_1506 = arith.andi %gather3A_1493, %and3A_1505 : vector<16xi32>
      %select_n3A_1507 = arith.select %lt3A_1497, %select_n3A_1404, %select_n3A_1406 : vector<16xi1>, vector<16xf32>
      %select_n3A_1508 = arith.select %lt3A_1497, %select_n3A_1405, %select_n3A_1407 : vector<16xi1>, vector<16xf32>
      %select_n3A_1509 = arith.select %lt3A_1497, %get3A_22, %get3A_24 : vector<16xi1>, vector<16xf32>
      %sub3A_1510 = arith.subf %select_n3A_1508, %select_n3A_1507 : vector<16xf32>
      %mul3A_1511 = arith.mulf %gather3A_1494, %sub3A_1510 : vector<16xf32>
      %add3A_1512 = arith.addf %select_n3A_1507, %mul3A_1511 : vector<16xf32>
      %lt3A_1513 = arith.cmpf olt, %select_n3A_1509, %add3A_1512 : vector<16xf32>
      %select_n3A_1514 = arith.select %lt3A_1513, %select_n3A_1507, %add3A_1512 : vector<16xi1>, vector<16xf32>
      %select_n3A_1515 = arith.select %lt3A_1513, %add3A_1512, %select_n3A_1508 : vector<16xi1>, vector<16xf32>
      %select_n3A_1516 = arith.select %lt3A_1497, %select_n3A_1514, %select_n3A_1404 : vector<16xi1>, vector<16xf32>
      %select_n3A_1517 = arith.select %lt3A_1497, %select_n3A_1515, %select_n3A_1405 : vector<16xi1>, vector<16xf32>
      %select_n3A_1518 = arith.select %lt3A_1497, %select_n3A_1406, %select_n3A_1514 : vector<16xi1>, vector<16xf32>
      %select_n3A_1519 = arith.select %lt3A_1497, %select_n3A_1407, %select_n3A_1515 : vector<16xi1>, vector<16xf32>
      %select_n3A_1520 = arith.select %lt3A_1513, %and3A_1503, %and3A_1506 : vector<16xi1>, vector<16xi32>
      %gather3A_1521 = tpu.vector_load_idx %arg11[%select_n3A_1436] : memref<1024xi32, #tpu.memory_space<vmem>>[vector<16xi32>], vector<16xi32>,
      %gather3A_1522 = tpu.vector_load_idx %arg12[%select_n3A_1436] : memref<1024xf32, #tpu.memory_space<vmem>>[vector<16xi32>], vector<16xf32>,
      %lt3A_1523 = arith.constant 1048576 : i32
      %lt3A_1524 = vector.broadcast %lt3A_1523 : i32 to vector<16xi32>
      %lt3A_1525 = arith.cmpi slt, %gather3A_1521, %lt3A_1524 : vector<16xi32>
      %shift_right_arithmetic3A_1526 = arith.constant 10 : i32
      %shift_right_arithmetic3A_1527 = vector.broadcast %shift_right_arithmetic3A_1526 : i32 to vector<16xi32>
      %shift_right_arithmetic3A_1528 = arith.shrsi %gather3A_1521, %shift_right_arithmetic3A_1527 : vector<16xi32>
      %and3A_1529 = arith.constant 1023 : i32
      %and3A_1530 = vector.broadcast %and3A_1529 : i32 to vector<16xi32>
      %and3A_1531 = arith.andi %shift_right_arithmetic3A_1528, %and3A_1530 : vector<16xi32>
      %and3A_1532 = arith.constant 1023 : i32
      %and3A_1533 = vector.broadcast %and3A_1532 : i32 to vector<16xi32>
      %and3A_1534 = arith.andi %gather3A_1521, %and3A_1533 : vector<16xi32>
      %select_n3A_1535 = arith.select %lt3A_1525, %select_n3A_1432, %select_n3A_1434 : vector<16xi1>, vector<16xf32>
      %select_n3A_1536 = arith.select %lt3A_1525, %select_n3A_1433, %select_n3A_1435 : vector<16xi1>, vector<16xf32>
      %select_n3A_1537 = arith.select %lt3A_1525, %get3A_28, %get3A_30 : vector<16xi1>, vector<16xf32>
      %sub3A_1538 = arith.subf %select_n3A_1536, %select_n3A_1535 : vector<16xf32>
      %mul3A_1539 = arith.mulf %gather3A_1522, %sub3A_1538 : vector<16xf32>
      %add3A_1540 = arith.addf %select_n3A_1535, %mul3A_1539 : vector<16xf32>
      %lt3A_1541 = arith.cmpf olt, %select_n3A_1537, %add3A_1540 : vector<16xf32>
      %select_n3A_1542 = arith.select %lt3A_1541, %select_n3A_1535, %add3A_1540 : vector<16xi1>, vector<16xf32>
      %select_n3A_1543 = arith.select %lt3A_1541, %add3A_1540, %select_n3A_1536 : vector<16xi1>, vector<16xf32>
      %select_n3A_1544 = arith.select %lt3A_1525, %select_n3A_1542, %select_n3A_1432 : vector<16xi1>, vector<16xf32>
      %select_n3A_1545 = arith.select %lt3A_1525, %select_n3A_1543, %select_n3A_1433 : vector<16xi1>, vector<16xf32>
      %select_n3A_1546 = arith.select %lt3A_1525, %select_n3A_1434, %select_n3A_1542 : vector<16xi1>, vector<16xf32>
      %select_n3A_1547 = arith.select %lt3A_1525, %select_n3A_1435, %select_n3A_1543 : vector<16xi1>, vector<16xf32>
      %select_n3A_1548 = arith.select %lt3A_1541, %and3A_1531, %and3A_1534 : vector<16xi1>, vector<16xi32>
      %gather3A_1549 = tpu.vector_load_idx %arg11[%select_n3A_1464] : memref<1024xi32, #tpu.memory_space<vmem>>[vector<16xi32>], vector<16xi32>,
      %gather3A_1550 = tpu.vector_load_idx %arg12[%select_n3A_1464] : memref<1024xf32, #tpu.memory_space<vmem>>[vector<16xi32>], vector<16xf32>,
      %lt3A_1551 = arith.constant 1048576 : i32
      %lt3A_1552 = vector.broadcast %lt3A_1551 : i32 to vector<16xi32>
      %lt3A_1553 = arith.cmpi slt, %gather3A_1549, %lt3A_1552 : vector<16xi32>
      %shift_right_arithmetic3A_1554 = arith.constant 10 : i32
      %shift_right_arithmetic3A_1555 = vector.broadcast %shift_right_arithmetic3A_1554 : i32 to vector<16xi32>
      %shift_right_arithmetic3A_1556 = arith.shrsi %gather3A_1549, %shift_right_arithmetic3A_1555 : vector<16xi32>
      %and3A_1557 = arith.constant 1023 : i32
      %and3A_1558 = vector.broadcast %and3A_1557 : i32 to vector<16xi32>
      %and3A_1559 = arith.andi %shift_right_arithmetic3A_1556, %and3A_1558 : vector<16xi32>
      %and3A_1560 = arith.constant 1023 : i32
      %and3A_1561 = vector.broadcast %and3A_1560 : i32 to vector<16xi32>
      %and3A_1562 = arith.andi %gather3A_1549, %and3A_1561 : vector<16xi32>
      %select_n3A_1563 = arith.select %lt3A_1553, %select_n3A_1460, %select_n3A_1462 : vector<16xi1>, vector<16xf32>
      %select_n3A_1564 = arith.select %lt3A_1553, %select_n3A_1461, %select_n3A_1463 : vector<16xi1>, vector<16xf32>
      %select_n3A_1565 = arith.select %lt3A_1553, %get3A_34, %get3A_36 : vector<16xi1>, vector<16xf32>
      %sub3A_1566 = arith.subf %select_n3A_1564, %select_n3A_1563 : vector<16xf32>
      %mul3A_1567 = arith.mulf %gather3A_1550, %sub3A_1566 : vector<16xf32>
      %add3A_1568 = arith.addf %select_n3A_1563, %mul3A_1567 : vector<16xf32>
      %lt3A_1569 = arith.cmpf olt, %select_n3A_1565, %add3A_1568 : vector<16xf32>
      %select_n3A_1570 = arith.select %lt3A_1569, %select_n3A_1563, %add3A_1568 : vector<16xi1>, vector<16xf32>
      %select_n3A_1571 = arith.select %lt3A_1569, %add3A_1568, %select_n3A_1564 : vector<16xi1>, vector<16xf32>
      %select_n3A_1572 = arith.select %lt3A_1553, %select_n3A_1570, %select_n3A_1460 : vector<16xi1>, vector<16xf32>
      %select_n3A_1573 = arith.select %lt3A_1553, %select_n3A_1571, %select_n3A_1461 : vector<16xi1>, vector<16xf32>
      %select_n3A_1574 = arith.select %lt3A_1553, %select_n3A_1462, %select_n3A_1570 : vector<16xi1>, vector<16xf32>
      %select_n3A_1575 = arith.select %lt3A_1553, %select_n3A_1463, %select_n3A_1571 : vector<16xi1>, vector<16xf32>
      %select_n3A_1576 = arith.select %lt3A_1569, %and3A_1559, %and3A_1562 : vector<16xi1>, vector<16xi32>
      %gather3A_1577 = tpu.vector_load_idx %arg11[%select_n3A_1492] : memref<1024xi32, #tpu.memory_space<vmem>>[vector<16xi32>], vector<16xi32>,
      %gather3A_1578 = tpu.vector_load_idx %arg12[%select_n3A_1492] : memref<1024xf32, #tpu.memory_space<vmem>>[vector<16xi32>], vector<16xf32>,
      %lt3A_1579 = arith.constant 1048576 : i32
      %lt3A_1580 = vector.broadcast %lt3A_1579 : i32 to vector<16xi32>
      %lt3A_1581 = arith.cmpi slt, %gather3A_1577, %lt3A_1580 : vector<16xi32>
      %shift_right_arithmetic3A_1582 = arith.constant 10 : i32
      %shift_right_arithmetic3A_1583 = vector.broadcast %shift_right_arithmetic3A_1582 : i32 to vector<16xi32>
      %shift_right_arithmetic3A_1584 = arith.shrsi %gather3A_1577, %shift_right_arithmetic3A_1583 : vector<16xi32>
      %and3A_1585 = arith.constant 1023 : i32
      %and3A_1586 = vector.broadcast %and3A_1585 : i32 to vector<16xi32>
      %and3A_1587 = arith.andi %shift_right_arithmetic3A_1584, %and3A_1586 : vector<16xi32>
      %and3A_1588 = arith.constant 1023 : i32
      %and3A_1589 = vector.broadcast %and3A_1588 : i32 to vector<16xi32>
      %and3A_1590 = arith.andi %gather3A_1577, %and3A_1589 : vector<16xi32>
      %select_n3A_1591 = arith.select %lt3A_1581, %select_n3A_1488, %select_n3A_1490 : vector<16xi1>, vector<16xf32>
      %select_n3A_1592 = arith.select %lt3A_1581, %select_n3A_1489, %select_n3A_1491 : vector<16xi1>, vector<16xf32>
      %select_n3A_1593 = arith.select %lt3A_1581, %get3A_40, %get3A_42 : vector<16xi1>, vector<16xf32>
      %sub3A_1594 = arith.subf %select_n3A_1592, %select_n3A_1591 : vector<16xf32>
      %mul3A_1595 = arith.mulf %gather3A_1578, %sub3A_1594 : vector<16xf32>
      %add3A_1596 = arith.addf %select_n3A_1591, %mul3A_1595 : vector<16xf32>
      %lt3A_1597 = arith.cmpf olt, %select_n3A_1593, %add3A_1596 : vector<16xf32>
      %select_n3A_1598 = arith.select %lt3A_1597, %select_n3A_1591, %add3A_1596 : vector<16xi1>, vector<16xf32>
      %select_n3A_1599 = arith.select %lt3A_1597, %add3A_1596, %select_n3A_1592 : vector<16xi1>, vector<16xf32>
      %select_n3A_1600 = arith.select %lt3A_1581, %select_n3A_1598, %select_n3A_1488 : vector<16xi1>, vector<16xf32>
      %select_n3A_1601 = arith.select %lt3A_1581, %select_n3A_1599, %select_n3A_1489 : vector<16xi1>, vector<16xf32>
      %select_n3A_1602 = arith.select %lt3A_1581, %select_n3A_1490, %select_n3A_1598 : vector<16xi1>, vector<16xf32>
      %select_n3A_1603 = arith.select %lt3A_1581, %select_n3A_1491, %select_n3A_1599 : vector<16xi1>, vector<16xf32>
      %select_n3A_1604 = arith.select %lt3A_1597, %and3A_1587, %and3A_1590 : vector<16xi1>, vector<16xi32>
      %gather3A_1605 = tpu.vector_load_idx %arg11[%select_n3A_1520] : memref<1024xi32, #tpu.memory_space<vmem>>[vector<16xi32>], vector<16xi32>,
      %gather3A_1606 = tpu.vector_load_idx %arg12[%select_n3A_1520] : memref<1024xf32, #tpu.memory_space<vmem>>[vector<16xi32>], vector<16xf32>,
      %lt3A_1607 = arith.constant 1048576 : i32
      %lt3A_1608 = vector.broadcast %lt3A_1607 : i32 to vector<16xi32>
      %lt3A_1609 = arith.cmpi slt, %gather3A_1605, %lt3A_1608 : vector<16xi32>
      %shift_right_arithmetic3A_1610 = arith.constant 10 : i32
      %shift_right_arithmetic3A_1611 = vector.broadcast %shift_right_arithmetic3A_1610 : i32 to vector<16xi32>
      %shift_right_arithmetic3A_1612 = arith.shrsi %gather3A_1605, %shift_right_arithmetic3A_1611 : vector<16xi32>
      %and3A_1613 = arith.constant 1023 : i32
      %and3A_1614 = vector.broadcast %and3A_1613 : i32 to vector<16xi32>
      %and3A_1615 = arith.andi %shift_right_arithmetic3A_1612, %and3A_1614 : vector<16xi32>
      %and3A_1616 = arith.constant 1023 : i32
      %and3A_1617 = vector.broadcast %and3A_1616 : i32 to vector<16xi32>
      %and3A_1618 = arith.andi %gather3A_1605, %and3A_1617 : vector<16xi32>
      %select_n3A_1619 = arith.select %lt3A_1609, %select_n3A_1516, %select_n3A_1518 : vector<16xi1>, vector<16xf32>
      %select_n3A_1620 = arith.select %lt3A_1609, %select_n3A_1517, %select_n3A_1519 : vector<16xi1>, vector<16xf32>
      %select_n3A_1621 = arith.select %lt3A_1609, %get3A_22, %get3A_24 : vector<16xi1>, vector<16xf32>
      %sub3A_1622 = arith.subf %select_n3A_1620, %select_n3A_1619 : vector<16xf32>
      %mul3A_1623 = arith.mulf %gather3A_1606, %sub3A_1622 : vector<16xf32>
      %add3A_1624 = arith.addf %select_n3A_1619, %mul3A_1623 : vector<16xf32>
      %lt3A_1625 = arith.cmpf olt, %select_n3A_1621, %add3A_1624 : vector<16xf32>
      %select_n3A_1626 = arith.select %lt3A_1625, %select_n3A_1619, %add3A_1624 : vector<16xi1>, vector<16xf32>
      %select_n3A_1627 = arith.select %lt3A_1625, %add3A_1624, %select_n3A_1620 : vector<16xi1>, vector<16xf32>
      %select_n3A_1628 = arith.select %lt3A_1609, %select_n3A_1626, %select_n3A_1516 : vector<16xi1>, vector<16xf32>
      %select_n3A_1629 = arith.select %lt3A_1609, %select_n3A_1627, %select_n3A_1517 : vector<16xi1>, vector<16xf32>
      %select_n3A_1630 = arith.select %lt3A_1609, %select_n3A_1518, %select_n3A_1626 : vector<16xi1>, vector<16xf32>
      %select_n3A_1631 = arith.select %lt3A_1609, %select_n3A_1519, %select_n3A_1627 : vector<16xi1>, vector<16xf32>
      %select_n3A_1632 = arith.select %lt3A_1625, %and3A_1615, %and3A_1618 : vector<16xi1>, vector<16xi32>
      %gather3A_1633 = tpu.vector_load_idx %arg11[%select_n3A_1548] : memref<1024xi32, #tpu.memory_space<vmem>>[vector<16xi32>], vector<16xi32>,
      %gather3A_1634 = tpu.vector_load_idx %arg12[%select_n3A_1548] : memref<1024xf32, #tpu.memory_space<vmem>>[vector<16xi32>], vector<16xf32>,
      %lt3A_1635 = arith.constant 1048576 : i32
      %lt3A_1636 = vector.broadcast %lt3A_1635 : i32 to vector<16xi32>
      %lt3A_1637 = arith.cmpi slt, %gather3A_1633, %lt3A_1636 : vector<16xi32>
      %shift_right_arithmetic3A_1638 = arith.constant 10 : i32
      %shift_right_arithmetic3A_1639 = vector.broadcast %shift_right_arithmetic3A_1638 : i32 to vector<16xi32>
      %shift_right_arithmetic3A_1640 = arith.shrsi %gather3A_1633, %shift_right_arithmetic3A_1639 : vector<16xi32>
      %and3A_1641 = arith.constant 1023 : i32
      %and3A_1642 = vector.broadcast %and3A_1641 : i32 to vector<16xi32>
      %and3A_1643 = arith.andi %shift_right_arithmetic3A_1640, %and3A_1642 : vector<16xi32>
      %and3A_1644 = arith.constant 1023 : i32
      %and3A_1645 = vector.broadcast %and3A_1644 : i32 to vector<16xi32>
      %and3A_1646 = arith.andi %gather3A_1633, %and3A_1645 : vector<16xi32>
      %select_n3A_1647 = arith.select %lt3A_1637, %select_n3A_1544, %select_n3A_1546 : vector<16xi1>, vector<16xf32>
      %select_n3A_1648 = arith.select %lt3A_1637, %select_n3A_1545, %select_n3A_1547 : vector<16xi1>, vector<16xf32>
      %select_n3A_1649 = arith.select %lt3A_1637, %get3A_28, %get3A_30 : vector<16xi1>, vector<16xf32>
      %sub3A_1650 = arith.subf %select_n3A_1648, %select_n3A_1647 : vector<16xf32>
      %mul3A_1651 = arith.mulf %gather3A_1634, %sub3A_1650 : vector<16xf32>
      %add3A_1652 = arith.addf %select_n3A_1647, %mul3A_1651 : vector<16xf32>
      %lt3A_1653 = arith.cmpf olt, %select_n3A_1649, %add3A_1652 : vector<16xf32>
      %select_n3A_1654 = arith.select %lt3A_1653, %select_n3A_1647, %add3A_1652 : vector<16xi1>, vector<16xf32>
      %select_n3A_1655 = arith.select %lt3A_1653, %add3A_1652, %select_n3A_1648 : vector<16xi1>, vector<16xf32>
      %select_n3A_1656 = arith.select %lt3A_1637, %select_n3A_1654, %select_n3A_1544 : vector<16xi1>, vector<16xf32>
      %select_n3A_1657 = arith.select %lt3A_1637, %select_n3A_1655, %select_n3A_1545 : vector<16xi1>, vector<16xf32>
      %select_n3A_1658 = arith.select %lt3A_1637, %select_n3A_1546, %select_n3A_1654 : vector<16xi1>, vector<16xf32>
      %select_n3A_1659 = arith.select %lt3A_1637, %select_n3A_1547, %select_n3A_1655 : vector<16xi1>, vector<16xf32>
      %select_n3A_1660 = arith.select %lt3A_1653, %and3A_1643, %and3A_1646 : vector<16xi1>, vector<16xi32>
      %gather3A_1661 = tpu.vector_load_idx %arg11[%select_n3A_1576] : memref<1024xi32, #tpu.memory_space<vmem>>[vector<16xi32>], vector<16xi32>,
      %gather3A_1662 = tpu.vector_load_idx %arg12[%select_n3A_1576] : memref<1024xf32, #tpu.memory_space<vmem>>[vector<16xi32>], vector<16xf32>,
      %lt3A_1663 = arith.constant 1048576 : i32
      %lt3A_1664 = vector.broadcast %lt3A_1663 : i32 to vector<16xi32>
      %lt3A_1665 = arith.cmpi slt, %gather3A_1661, %lt3A_1664 : vector<16xi32>
      %shift_right_arithmetic3A_1666 = arith.constant 10 : i32
      %shift_right_arithmetic3A_1667 = vector.broadcast %shift_right_arithmetic3A_1666 : i32 to vector<16xi32>
      %shift_right_arithmetic3A_1668 = arith.shrsi %gather3A_1661, %shift_right_arithmetic3A_1667 : vector<16xi32>
      %and3A_1669 = arith.constant 1023 : i32
      %and3A_1670 = vector.broadcast %and3A_1669 : i32 to vector<16xi32>
      %and3A_1671 = arith.andi %shift_right_arithmetic3A_1668, %and3A_1670 : vector<16xi32>
      %and3A_1672 = arith.constant 1023 : i32
      %and3A_1673 = vector.broadcast %and3A_1672 : i32 to vector<16xi32>
      %and3A_1674 = arith.andi %gather3A_1661, %and3A_1673 : vector<16xi32>
      %select_n3A_1675 = arith.select %lt3A_1665, %select_n3A_1572, %select_n3A_1574 : vector<16xi1>, vector<16xf32>
      %select_n3A_1676 = arith.select %lt3A_1665, %select_n3A_1573, %select_n3A_1575 : vector<16xi1>, vector<16xf32>
      %select_n3A_1677 = arith.select %lt3A_1665, %get3A_34, %get3A_36 : vector<16xi1>, vector<16xf32>
      %sub3A_1678 = arith.subf %select_n3A_1676, %select_n3A_1675 : vector<16xf32>
      %mul3A_1679 = arith.mulf %gather3A_1662, %sub3A_1678 : vector<16xf32>
      %add3A_1680 = arith.addf %select_n3A_1675, %mul3A_1679 : vector<16xf32>
      %lt3A_1681 = arith.cmpf olt, %select_n3A_1677, %add3A_1680 : vector<16xf32>
      %select_n3A_1682 = arith.select %lt3A_1681, %select_n3A_1675, %add3A_1680 : vector<16xi1>, vector<16xf32>
      %select_n3A_1683 = arith.select %lt3A_1681, %add3A_1680, %select_n3A_1676 : vector<16xi1>, vector<16xf32>
      %select_n3A_1684 = arith.select %lt3A_1665, %select_n3A_1682, %select_n3A_1572 : vector<16xi1>, vector<16xf32>
      %select_n3A_1685 = arith.select %lt3A_1665, %select_n3A_1683, %select_n3A_1573 : vector<16xi1>, vector<16xf32>
      %select_n3A_1686 = arith.select %lt3A_1665, %select_n3A_1574, %select_n3A_1682 : vector<16xi1>, vector<16xf32>
      %select_n3A_1687 = arith.select %lt3A_1665, %select_n3A_1575, %select_n3A_1683 : vector<16xi1>, vector<16xf32>
      %select_n3A_1688 = arith.select %lt3A_1681, %and3A_1671, %and3A_1674 : vector<16xi1>, vector<16xi32>
      %gather3A_1689 = tpu.vector_load_idx %arg11[%select_n3A_1604] : memref<1024xi32, #tpu.memory_space<vmem>>[vector<16xi32>], vector<16xi32>,
      %gather3A_1690 = tpu.vector_load_idx %arg12[%select_n3A_1604] : memref<1024xf32, #tpu.memory_space<vmem>>[vector<16xi32>], vector<16xf32>,
      %lt3A_1691 = arith.constant 1048576 : i32
      %lt3A_1692 = vector.broadcast %lt3A_1691 : i32 to vector<16xi32>
      %lt3A_1693 = arith.cmpi slt, %gather3A_1689, %lt3A_1692 : vector<16xi32>
      %shift_right_arithmetic3A_1694 = arith.constant 10 : i32
      %shift_right_arithmetic3A_1695 = vector.broadcast %shift_right_arithmetic3A_1694 : i32 to vector<16xi32>
      %shift_right_arithmetic3A_1696 = arith.shrsi %gather3A_1689, %shift_right_arithmetic3A_1695 : vector<16xi32>
      %and3A_1697 = arith.constant 1023 : i32
      %and3A_1698 = vector.broadcast %and3A_1697 : i32 to vector<16xi32>
      %and3A_1699 = arith.andi %shift_right_arithmetic3A_1696, %and3A_1698 : vector<16xi32>
      %and3A_1700 = arith.constant 1023 : i32
      %and3A_1701 = vector.broadcast %and3A_1700 : i32 to vector<16xi32>
      %and3A_1702 = arith.andi %gather3A_1689, %and3A_1701 : vector<16xi32>
      %select_n3A_1703 = arith.select %lt3A_1693, %select_n3A_1600, %select_n3A_1602 : vector<16xi1>, vector<16xf32>
      %select_n3A_1704 = arith.select %lt3A_1693, %select_n3A_1601, %select_n3A_1603 : vector<16xi1>, vector<16xf32>
      %select_n3A_1705 = arith.select %lt3A_1693, %get3A_40, %get3A_42 : vector<16xi1>, vector<16xf32>
      %sub3A_1706 = arith.subf %select_n3A_1704, %select_n3A_1703 : vector<16xf32>
      %mul3A_1707 = arith.mulf %gather3A_1690, %sub3A_1706 : vector<16xf32>
      %add3A_1708 = arith.addf %select_n3A_1703, %mul3A_1707 : vector<16xf32>
      %lt3A_1709 = arith.cmpf olt, %select_n3A_1705, %add3A_1708 : vector<16xf32>
      %select_n3A_1710 = arith.select %lt3A_1709, %select_n3A_1703, %add3A_1708 : vector<16xi1>, vector<16xf32>
      %select_n3A_1711 = arith.select %lt3A_1709, %add3A_1708, %select_n3A_1704 : vector<16xi1>, vector<16xf32>
      %select_n3A_1712 = arith.select %lt3A_1693, %select_n3A_1710, %select_n3A_1600 : vector<16xi1>, vector<16xf32>
      %select_n3A_1713 = arith.select %lt3A_1693, %select_n3A_1711, %select_n3A_1601 : vector<16xi1>, vector<16xf32>
      %select_n3A_1714 = arith.select %lt3A_1693, %select_n3A_1602, %select_n3A_1710 : vector<16xi1>, vector<16xf32>
      %select_n3A_1715 = arith.select %lt3A_1693, %select_n3A_1603, %select_n3A_1711 : vector<16xi1>, vector<16xf32>
      %select_n3A_1716 = arith.select %lt3A_1709, %and3A_1699, %and3A_1702 : vector<16xi1>, vector<16xi32>
      %gather3A_1717 = tpu.vector_load_idx %arg11[%select_n3A_1632] : memref<1024xi32, #tpu.memory_space<vmem>>[vector<16xi32>], vector<16xi32>,
      %gather3A_1718 = tpu.vector_load_idx %arg12[%select_n3A_1632] : memref<1024xf32, #tpu.memory_space<vmem>>[vector<16xi32>], vector<16xf32>,
      %lt3A_1719 = arith.constant 1048576 : i32
      %lt3A_1720 = vector.broadcast %lt3A_1719 : i32 to vector<16xi32>
      %lt3A_1721 = arith.cmpi slt, %gather3A_1717, %lt3A_1720 : vector<16xi32>
      %shift_right_arithmetic3A_1722 = arith.constant 10 : i32
      %shift_right_arithmetic3A_1723 = vector.broadcast %shift_right_arithmetic3A_1722 : i32 to vector<16xi32>
      %shift_right_arithmetic3A_1724 = arith.shrsi %gather3A_1717, %shift_right_arithmetic3A_1723 : vector<16xi32>
      %and3A_1725 = arith.constant 1023 : i32
      %and3A_1726 = vector.broadcast %and3A_1725 : i32 to vector<16xi32>
      %and3A_1727 = arith.andi %shift_right_arithmetic3A_1724, %and3A_1726 : vector<16xi32>
      %and3A_1728 = arith.constant 1023 : i32
      %and3A_1729 = vector.broadcast %and3A_1728 : i32 to vector<16xi32>
      %and3A_1730 = arith.andi %gather3A_1717, %and3A_1729 : vector<16xi32>
      %select_n3A_1731 = arith.select %lt3A_1721, %select_n3A_1628, %select_n3A_1630 : vector<16xi1>, vector<16xf32>
      %select_n3A_1732 = arith.select %lt3A_1721, %select_n3A_1629, %select_n3A_1631 : vector<16xi1>, vector<16xf32>
      %select_n3A_1733 = arith.select %lt3A_1721, %get3A_22, %get3A_24 : vector<16xi1>, vector<16xf32>
      %sub3A_1734 = arith.subf %select_n3A_1732, %select_n3A_1731 : vector<16xf32>
      %mul3A_1735 = arith.mulf %gather3A_1718, %sub3A_1734 : vector<16xf32>
      %add3A_1736 = arith.addf %select_n3A_1731, %mul3A_1735 : vector<16xf32>
      %lt3A_1737 = arith.cmpf olt, %select_n3A_1733, %add3A_1736 : vector<16xf32>
      %select_n3A_1738 = arith.select %lt3A_1737, %select_n3A_1731, %add3A_1736 : vector<16xi1>, vector<16xf32>
      %select_n3A_1739 = arith.select %lt3A_1737, %add3A_1736, %select_n3A_1732 : vector<16xi1>, vector<16xf32>
      %select_n3A_1740 = arith.select %lt3A_1721, %select_n3A_1738, %select_n3A_1628 : vector<16xi1>, vector<16xf32>
      %select_n3A_1741 = arith.select %lt3A_1721, %select_n3A_1739, %select_n3A_1629 : vector<16xi1>, vector<16xf32>
      %select_n3A_1742 = arith.select %lt3A_1721, %select_n3A_1630, %select_n3A_1738 : vector<16xi1>, vector<16xf32>
      %select_n3A_1743 = arith.select %lt3A_1721, %select_n3A_1631, %select_n3A_1739 : vector<16xi1>, vector<16xf32>
      %select_n3A_1744 = arith.select %lt3A_1737, %and3A_1727, %and3A_1730 : vector<16xi1>, vector<16xi32>
      %gather3A_1745 = tpu.vector_load_idx %arg11[%select_n3A_1660] : memref<1024xi32, #tpu.memory_space<vmem>>[vector<16xi32>], vector<16xi32>,
      %gather3A_1746 = tpu.vector_load_idx %arg12[%select_n3A_1660] : memref<1024xf32, #tpu.memory_space<vmem>>[vector<16xi32>], vector<16xf32>,
      %lt3A_1747 = arith.constant 1048576 : i32
      %lt3A_1748 = vector.broadcast %lt3A_1747 : i32 to vector<16xi32>
      %lt3A_1749 = arith.cmpi slt, %gather3A_1745, %lt3A_1748 : vector<16xi32>
      %shift_right_arithmetic3A_1750 = arith.constant 10 : i32
      %shift_right_arithmetic3A_1751 = vector.broadcast %shift_right_arithmetic3A_1750 : i32 to vector<16xi32>
      %shift_right_arithmetic3A_1752 = arith.shrsi %gather3A_1745, %shift_right_arithmetic3A_1751 : vector<16xi32>
      %and3A_1753 = arith.constant 1023 : i32
      %and3A_1754 = vector.broadcast %and3A_1753 : i32 to vector<16xi32>
      %and3A_1755 = arith.andi %shift_right_arithmetic3A_1752, %and3A_1754 : vector<16xi32>
      %and3A_1756 = arith.constant 1023 : i32
      %and3A_1757 = vector.broadcast %and3A_1756 : i32 to vector<16xi32>
      %and3A_1758 = arith.andi %gather3A_1745, %and3A_1757 : vector<16xi32>
      %select_n3A_1759 = arith.select %lt3A_1749, %select_n3A_1656, %select_n3A_1658 : vector<16xi1>, vector<16xf32>
      %select_n3A_1760 = arith.select %lt3A_1749, %select_n3A_1657, %select_n3A_1659 : vector<16xi1>, vector<16xf32>
      %select_n3A_1761 = arith.select %lt3A_1749, %get3A_28, %get3A_30 : vector<16xi1>, vector<16xf32>
      %sub3A_1762 = arith.subf %select_n3A_1760, %select_n3A_1759 : vector<16xf32>
      %mul3A_1763 = arith.mulf %gather3A_1746, %sub3A_1762 : vector<16xf32>
      %add3A_1764 = arith.addf %select_n3A_1759, %mul3A_1763 : vector<16xf32>
      %lt3A_1765 = arith.cmpf olt, %select_n3A_1761, %add3A_1764 : vector<16xf32>
      %select_n3A_1766 = arith.select %lt3A_1765, %select_n3A_1759, %add3A_1764 : vector<16xi1>, vector<16xf32>
      %select_n3A_1767 = arith.select %lt3A_1765, %add3A_1764, %select_n3A_1760 : vector<16xi1>, vector<16xf32>
      %select_n3A_1768 = arith.select %lt3A_1749, %select_n3A_1766, %select_n3A_1656 : vector<16xi1>, vector<16xf32>
      %select_n3A_1769 = arith.select %lt3A_1749, %select_n3A_1767, %select_n3A_1657 : vector<16xi1>, vector<16xf32>
      %select_n3A_1770 = arith.select %lt3A_1749, %select_n3A_1658, %select_n3A_1766 : vector<16xi1>, vector<16xf32>
      %select_n3A_1771 = arith.select %lt3A_1749, %select_n3A_1659, %select_n3A_1767 : vector<16xi1>, vector<16xf32>
      %select_n3A_1772 = arith.select %lt3A_1765, %and3A_1755, %and3A_1758 : vector<16xi1>, vector<16xi32>
      %gather3A_1773 = tpu.vector_load_idx %arg11[%select_n3A_1688] : memref<1024xi32, #tpu.memory_space<vmem>>[vector<16xi32>], vector<16xi32>,
      %gather3A_1774 = tpu.vector_load_idx %arg12[%select_n3A_1688] : memref<1024xf32, #tpu.memory_space<vmem>>[vector<16xi32>], vector<16xf32>,
      %lt3A_1775 = arith.constant 1048576 : i32
      %lt3A_1776 = vector.broadcast %lt3A_1775 : i32 to vector<16xi32>
      %lt3A_1777 = arith.cmpi slt, %gather3A_1773, %lt3A_1776 : vector<16xi32>
      %shift_right_arithmetic3A_1778 = arith.constant 10 : i32
      %shift_right_arithmetic3A_1779 = vector.broadcast %shift_right_arithmetic3A_1778 : i32 to vector<16xi32>
      %shift_right_arithmetic3A_1780 = arith.shrsi %gather3A_1773, %shift_right_arithmetic3A_1779 : vector<16xi32>
      %and3A_1781 = arith.constant 1023 : i32
      %and3A_1782 = vector.broadcast %and3A_1781 : i32 to vector<16xi32>
      %and3A_1783 = arith.andi %shift_right_arithmetic3A_1780, %and3A_1782 : vector<16xi32>
      %and3A_1784 = arith.constant 1023 : i32
      %and3A_1785 = vector.broadcast %and3A_1784 : i32 to vector<16xi32>
      %and3A_1786 = arith.andi %gather3A_1773, %and3A_1785 : vector<16xi32>
      %select_n3A_1787 = arith.select %lt3A_1777, %select_n3A_1684, %select_n3A_1686 : vector<16xi1>, vector<16xf32>
      %select_n3A_1788 = arith.select %lt3A_1777, %select_n3A_1685, %select_n3A_1687 : vector<16xi1>, vector<16xf32>
      %select_n3A_1789 = arith.select %lt3A_1777, %get3A_34, %get3A_36 : vector<16xi1>, vector<16xf32>
      %sub3A_1790 = arith.subf %select_n3A_1788, %select_n3A_1787 : vector<16xf32>
      %mul3A_1791 = arith.mulf %gather3A_1774, %sub3A_1790 : vector<16xf32>
      %add3A_1792 = arith.addf %select_n3A_1787, %mul3A_1791 : vector<16xf32>
      %lt3A_1793 = arith.cmpf olt, %select_n3A_1789, %add3A_1792 : vector<16xf32>
      %select_n3A_1794 = arith.select %lt3A_1793, %select_n3A_1787, %add3A_1792 : vector<16xi1>, vector<16xf32>
      %select_n3A_1795 = arith.select %lt3A_1793, %add3A_1792, %select_n3A_1788 : vector<16xi1>, vector<16xf32>
      %select_n3A_1796 = arith.select %lt3A_1777, %select_n3A_1794, %select_n3A_1684 : vector<16xi1>, vector<16xf32>
      %select_n3A_1797 = arith.select %lt3A_1777, %select_n3A_1795, %select_n3A_1685 : vector<16xi1>, vector<16xf32>
      %select_n3A_1798 = arith.select %lt3A_1777, %select_n3A_1686, %select_n3A_1794 : vector<16xi1>, vector<16xf32>
      %select_n3A_1799 = arith.select %lt3A_1777, %select_n3A_1687, %select_n3A_1795 : vector<16xi1>, vector<16xf32>
      %select_n3A_1800 = arith.select %lt3A_1793, %and3A_1783, %and3A_1786 : vector<16xi1>, vector<16xi32>
      %gather3A_1801 = tpu.vector_load_idx %arg11[%select_n3A_1716] : memref<1024xi32, #tpu.memory_space<vmem>>[vector<16xi32>], vector<16xi32>,
      %gather3A_1802 = tpu.vector_load_idx %arg12[%select_n3A_1716] : memref<1024xf32, #tpu.memory_space<vmem>>[vector<16xi32>], vector<16xf32>,
      %lt3A_1803 = arith.constant 1048576 : i32
      %lt3A_1804 = vector.broadcast %lt3A_1803 : i32 to vector<16xi32>
      %lt3A_1805 = arith.cmpi slt, %gather3A_1801, %lt3A_1804 : vector<16xi32>
      %shift_right_arithmetic3A_1806 = arith.constant 10 : i32
      %shift_right_arithmetic3A_1807 = vector.broadcast %shift_right_arithmetic3A_1806 : i32 to vector<16xi32>
      %shift_right_arithmetic3A_1808 = arith.shrsi %gather3A_1801, %shift_right_arithmetic3A_1807 : vector<16xi32>
      %and3A_1809 = arith.constant 1023 : i32
      %and3A_1810 = vector.broadcast %and3A_1809 : i32 to vector<16xi32>
      %and3A_1811 = arith.andi %shift_right_arithmetic3A_1808, %and3A_1810 : vector<16xi32>
      %and3A_1812 = arith.constant 1023 : i32
      %and3A_1813 = vector.broadcast %and3A_1812 : i32 to vector<16xi32>
      %and3A_1814 = arith.andi %gather3A_1801, %and3A_1813 : vector<16xi32>
      %select_n3A_1815 = arith.select %lt3A_1805, %select_n3A_1712, %select_n3A_1714 : vector<16xi1>, vector<16xf32>
      %select_n3A_1816 = arith.select %lt3A_1805, %select_n3A_1713, %select_n3A_1715 : vector<16xi1>, vector<16xf32>
      %select_n3A_1817 = arith.select %lt3A_1805, %get3A_40, %get3A_42 : vector<16xi1>, vector<16xf32>
      %sub3A_1818 = arith.subf %select_n3A_1816, %select_n3A_1815 : vector<16xf32>
      %mul3A_1819 = arith.mulf %gather3A_1802, %sub3A_1818 : vector<16xf32>
      %add3A_1820 = arith.addf %select_n3A_1815, %mul3A_1819 : vector<16xf32>
      %lt3A_1821 = arith.cmpf olt, %select_n3A_1817, %add3A_1820 : vector<16xf32>
      %select_n3A_1822 = arith.select %lt3A_1821, %select_n3A_1815, %add3A_1820 : vector<16xi1>, vector<16xf32>
      %select_n3A_1823 = arith.select %lt3A_1821, %add3A_1820, %select_n3A_1816 : vector<16xi1>, vector<16xf32>
      %select_n3A_1824 = arith.select %lt3A_1805, %select_n3A_1822, %select_n3A_1712 : vector<16xi1>, vector<16xf32>
      %select_n3A_1825 = arith.select %lt3A_1805, %select_n3A_1823, %select_n3A_1713 : vector<16xi1>, vector<16xf32>
      %select_n3A_1826 = arith.select %lt3A_1805, %select_n3A_1714, %select_n3A_1822 : vector<16xi1>, vector<16xf32>
      %select_n3A_1827 = arith.select %lt3A_1805, %select_n3A_1715, %select_n3A_1823 : vector<16xi1>, vector<16xf32>
      %select_n3A_1828 = arith.select %lt3A_1821, %and3A_1811, %and3A_1814 : vector<16xi1>, vector<16xi32>
      %gather3A_1829 = tpu.vector_load_idx %arg13[%select_n3A_1744] : memref<1024xf32, #tpu.memory_space<vmem>>[vector<16xi32>], vector<16xf32>,
      %add3A_1830 = arith.constant 0 : i32
      %add3A_1831 = arith.addi %mul3A_11, %add3A_1830 : i32
      %swap3A = arith.index_cast %add3A_1831 : i32 to index
      %swap3A_1832 = tpu.vector_load %arg14[%swap3A] {strides = array<i32>} : memref<32768xf32, #tpu.memory_space<vmem>>, vector<16xf32>,
      tpu.vector_store %arg14[%swap3A], %gather3A_1829 {strides = array<i32>} : memref<32768xf32, #tpu.memory_space<vmem>>, vector<16xf32>,
      %gather3A_1833 = tpu.vector_load_idx %arg13[%select_n3A_1772] : memref<1024xf32, #tpu.memory_space<vmem>>[vector<16xi32>], vector<16xf32>,
      %add3A_1834 = arith.constant 16 : i32
      %add3A_1835 = arith.addi %mul3A_11, %add3A_1834 : i32
      %swap3A_1836 = arith.index_cast %add3A_1835 : i32 to index
      %swap3A_1837 = tpu.vector_load %arg14[%swap3A_1836] {strides = array<i32>} : memref<32768xf32, #tpu.memory_space<vmem>>, vector<16xf32>,
      tpu.vector_store %arg14[%swap3A_1836], %gather3A_1833 {strides = array<i32>} : memref<32768xf32, #tpu.memory_space<vmem>>, vector<16xf32>,
      %gather3A_1838 = tpu.vector_load_idx %arg13[%select_n3A_1800] : memref<1024xf32, #tpu.memory_space<vmem>>[vector<16xi32>], vector<16xf32>,
      %add3A_1839 = arith.constant 32 : i32
      %add3A_1840 = arith.addi %mul3A_11, %add3A_1839 : i32
      %swap3A_1841 = arith.index_cast %add3A_1840 : i32 to index
      %swap3A_1842 = tpu.vector_load %arg14[%swap3A_1841] {strides = array<i32>} : memref<32768xf32, #tpu.memory_space<vmem>>, vector<16xf32>,
      tpu.vector_store %arg14[%swap3A_1841], %gather3A_1838 {strides = array<i32>} : memref<32768xf32, #tpu.memory_space<vmem>>, vector<16xf32>,
      %gather3A_1843 = tpu.vector_load_idx %arg13[%select_n3A_1828] : memref<1024xf32, #tpu.memory_space<vmem>>[vector<16xi32>], vector<16xf32>,
      %add3A_1844 = arith.constant 48 : i32
      %add3A_1845 = arith.addi %mul3A_11, %add3A_1844 : i32
      %swap3A_1846 = arith.index_cast %add3A_1845 : i32 to index
      %swap3A_1847 = tpu.vector_load %arg14[%swap3A_1846] {strides = array<i32>} : memref<32768xf32, #tpu.memory_space<vmem>>, vector<16xf32>,
      tpu.vector_store %arg14[%swap3A_1846], %gather3A_1843 {strides = array<i32>} : memref<32768xf32, #tpu.memory_space<vmem>>, vector<16xf32>,
    }
    %scan3A_8 = arith.constant 512 : i32
    "tpu.region"() ({
      %run_scoped3A = tpu.sem_alloc : memref<!tpu.dma_semaphore, #tpu.memory_space<semaphore_mem>>
      %dma_start3A = tpu.memref_slice %arg8[%mul3A_2] : memref<1048576xf32, #tpu.memory_space<hbm>> -> memref<32768xf32, #tpu.memory_space<hbm>>
      %dma_start3A_9 = tpu.memref_slice %arg8[%mul3A_2] : memref<1048576xf32, #tpu.memory_space<hbm>> -> memref<32768xf32, #tpu.memory_space<hbm>>
      tpu.enqueue_dma source(%arg14 : memref<32768xf32, #tpu.memory_space<vmem>>) target(%dma_start3A_9 : memref<32768xf32, #tpu.memory_space<hbm>>) target_semaphore(%run_scoped3A : memref<!tpu.dma_semaphore, #tpu.memory_space<semaphore_mem>>)
      %dma_wait3A = tpu.memref_slice %arg8[%mul3A_2] : memref<1048576xf32, #tpu.memory_space<hbm>> -> memref<32768xf32, #tpu.memory_space<hbm>>
      %dma_wait3A_10 = tpu.memref_slice %arg8[%mul3A_2] : memref<1048576xf32, #tpu.memory_space<hbm>> -> memref<32768xf32, #tpu.memory_space<hbm>>
      tpu.wait_dma2 semaphore(%run_scoped3A : memref<!tpu.dma_semaphore, #tpu.memory_space<semaphore_mem>>) src(%arg14 : memref<32768xf32, #tpu.memory_space<vmem>>) dst(%dma_wait3A_10 : memref<32768xf32, #tpu.memory_space<hbm>>)
      tpu.yield
    }) : () -> ()
    return
  }
}

module attributes {stable_mosaic.version = 14 : i64} {
  func.func @_prep_body(%arg0: memref<1024x1024xf32, #tpu.memory_space<vmem>>, %arg1: memref<1024x1024xf32, #tpu.memory_space<vmem>>, %arg2: memref<1024x1xf32, #tpu.memory_space<vmem>>, %arg3: memref<1024x1xi32, #tpu.memory_space<vmem>>) attributes {dimension_semantics = [], scalar_prefetch = 0 : i64, scratch_operands = 0 : i64, tpu.core_type = #tpu.core_type<tc>} {
    %iota3A = tpu.iota {dimensions = array<i32: 1>} : vector<1024x1024xi32>
    %convert_element_type3A = arith.sitofp %iota3A : vector<1024x1024xi32> to vector<1024x1024xf32>
    %get3A = arith.constant 0 : index
    %get3A_0 = arith.constant 0 : index
    %get3A_1 = vector.load %arg0[%get3A, %get3A_0] : memref<1024x1024xf32, #tpu.memory_space<vmem>>, vector<1024x1024xf32>
    %mul3A = arith.mulf %get3A_1, %convert_element_type3A : vector<1024x1024xf32>
    %reduce_sum3A = arith.constant dense<0.000000e+00> : vector<1024xf32>
    %reduce_sum3A_2 = vector.multi_reduction <add>, %mul3A, %reduce_sum3A [1] : vector<1024x1024xf32> to vector<1024xf32>
    %broadcast_in_dim3A = vector.shape_cast %reduce_sum3A_2 : vector<1024xf32> to vector<1024x1xf32>
    %convert_element_type3A_3 = arith.fptosi %broadcast_in_dim3A : vector<1024x1xf32> to vector<1024x1xi32>
    %get3A_4 = arith.constant 0 : index
    %get3A_5 = arith.constant 0 : index
    %get3A_6 = vector.load %arg1[%get3A_4, %get3A_5] : memref<1024x1024xf32, #tpu.memory_space<vmem>>, vector<1024x1024xf32>
    %mul3A_7 = arith.mulf %get3A_6, %convert_element_type3A : vector<1024x1024xf32>
    %reduce_sum3A_8 = arith.constant dense<0.000000e+00> : vector<1024xf32>
    %reduce_sum3A_9 = vector.multi_reduction <add>, %mul3A_7, %reduce_sum3A_8 [1] : vector<1024x1024xf32> to vector<1024xf32>
    %broadcast_in_dim3A_10 = vector.shape_cast %reduce_sum3A_9 : vector<1024xf32> to vector<1024x1xf32>
    %convert_element_type3A_11 = arith.fptosi %broadcast_in_dim3A_10 : vector<1024x1xf32> to vector<1024x1xi32>
    %get3A_12 = arith.constant 0 : index
    %get3A_13 = arith.constant 0 : index
    %get3A_14 = vector.load %arg2[%get3A_12, %get3A_13] : memref<1024x1xf32, #tpu.memory_space<vmem>>, vector<1024x1xf32>
    %ne3A = arith.constant 0.000000e+00 : f32
    %ne3A_15 = vector.broadcast %ne3A : f32 to vector<1024x1xf32>
    %ne3A_16 = arith.cmpf one, %get3A_14, %ne3A_15 : vector<1024x1xf32>
    %convert_element_type3A_17 = arith.extui %ne3A_16 : vector<1024x1xi1> to vector<1024x1xi32>
    %shift_left3A = arith.constant 20 : i32
    %shift_left3A_18 = vector.broadcast %shift_left3A : i32 to vector<1024x1xi32>
    %shift_left3A_19 = arith.shli %convert_element_type3A_17, %shift_left3A_18 : vector<1024x1xi32>
    %shift_left3A_20 = arith.constant 10 : i32
    %shift_left3A_21 = vector.broadcast %shift_left3A_20 : i32 to vector<1024x1xi32>
    %shift_left3A_22 = arith.shli %convert_element_type3A_3, %shift_left3A_21 : vector<1024x1xi32>
    %or3A = arith.ori %shift_left3A_19, %shift_left3A_22 : vector<1024x1xi32>
    %or3A_23 = arith.ori %or3A, %convert_element_type3A_11 : vector<1024x1xi32>
    %swap3A = arith.constant 0 : index
    %swap3A_24 = arith.constant 0 : index
    %swap3A_25 = vector.load %arg3[%swap3A, %swap3A_24] : memref<1024x1xi32, #tpu.memory_space<vmem>>, vector<1024x1xi32>
    tpu.vector_store %arg3[%swap3A, %swap3A_24], %or3A_23 {strides = array<i32>} : memref<1024x1xi32, #tpu.memory_space<vmem>>, vector<1024x1xi32>,
    return
  }
}

</mosaic_0001>

<sc_bundles>
// kernel: kernel.4.cloned.1.call-start
scs
__scs_entry_jumppad:
0x0: {  	(pc) =	sbr.rel $0x88, $3  }
0x1: {  	(tag) =	ssettag $0x0;
	lr =	simm.s32 $0x1  }
0x2: {  	[smem:$0x3F9B] =	sst lr;
	_ =	strace $0xD0000000  }
0x3: {  	_ = 	snop  }
0x4: {  	_ = 	snop  }
0x5: {  	_ = 	snop  }
0x6: {  	_ = 	snop  }
0x7: {  	_ = 	snop  }
__scs_overlays_trampoline_lowered:
0x8: {  	[smem:$0x3FAA] =	sst s0  }
0x9: {  	[smem:$0x3FAB] =	sst s1  }
0xa: {  	[smem:$0x3FAC] =	sst s2  }
0xb: {  	[smem:$0x3FAD] =	sst s3  }
0xc: {  	[smem:$0x3FAE] =	sst s4  }
0xd: {  	[smem:$0x3FAF] =	sst s5  }
0xe: {  	[smem:$0x3FB0] =	sst s6  }
0xf: {  	[smem:$0x3FB1] =	sst s7  }
0x10: {  	[smem:$0x3FB2] =	sst s8  }
0x11: {  	[smem:$0x3FB3] =	sst s9;
	s0 =	simm.s32 @!p0 $0x0  }
0x12: {  	s1 =	sld [smem:$0x3F99];
	s0 =	simm.s32 @p0 $0x1  }
0x13: {  	[smem:$0x3FB4] =	sst s0;
	s0 =	simm.s32 @!p1 $0x0  }
0x14: {  	s2 =	sld [smem:$0x3F98];
	s0 =	simm.s32 @p1 $0x1  }
0x15: {  	[smem:$0x3FB5] =	sst s0;
	s0 =	simm.s32 @!p2 $0x0  }
0x16: {  	s3 =	sld [smem:$0x3FDB];
	s0 =	simm.s32 @p2 $0x1  }
0x17: {  	s4 =	simm.s32 $0x1BF5;
	[smem:$0x3FB7] =	sst s0  }
0x18: {  	s0 =	sld [smem:$0x3F9A];
	_ =	swait.ge [sflag:s4], $0x0  }
0x19: {  	s7 =	sld [smem:$0x3F9B]  }
0x1a: {  	s8 =	sadd.s32 $0xFFFFE003, lr  }
0x1b: {  	s9 =	sadd.s32 $0xFFFFFEF7, lr;
	s5 =	simm.s32 $0xFFFFFFFF;
	p2 =	slt.u32 s8, $0xFFFFF086  }
0x1c: {  	p1 =	slt.u32 s9, $0xF7A;
	s5 =	simm.s32 @!p2 $0x0  }
0x1d: {  	s5 =	simm.s32 @p1 $0x1;
	p0 =	seq.s32 s7, s2  }
0x1e: {  	s7 =	smul.u32 @!p0 $0xF7A, s2;
	p2 =	seq.s32 @!p0 s5, $0x0  }
0x1f: {  	s9 =	smul.u32 $0xF7A, s1;
	s8 =	simm.s32 @!p0 $0x1BF5;
	p2 =	por !p2, p0  }
0x20: {  	[sflag:s8] =	ssyncset.s32 @!p0 $0xFFFFF086;
	s6 =	sadd.s32 @!p0 s3, s7;
	s7 =	simm.s32 @!p0 $0x108  }
0x21: {  	s3 =	sadd.s32 s3, s9;
	s6 =	sadd.s32 @!p0 $0x88, s6;
	s7 =	simm.s32 @p2 $0x1082  }
0x22: {  	[simem:s7], [sflag:s8] =	dma.local @!p0 [hbm:s6], $0xF7A  }
0x23: {  	s9 =	sor.u32 $0xD0000000, s2;
	s6 =	simm.s32 $0x108;
	_ =	swait.ge @!p0 [sflag:s8], $0x0  }
0x24: {  	s3 =	sadd.s32 $0x88, s3;
	s6 =	simm.s32 @!p1 $0x1082;
	[sflag:s4] =	ssyncset.s32 $0xFFFFF086  }
0x25: {  	[simem:s6], [sflag:s4] =	dma.local [hbm:s3], $0xF7A  }
0x26: {  	[smem:$0x3F9B] =	sst s1;
	(tag) =	ssettag s2;
	_ =	strace s9  }
0x27: {  	s1 =	sld [smem:$0x3FAB]  }
0x28: {  	s2 =	sld [smem:$0x3FAC]  }
0x29: {  	s4 =	sld [smem:$0x3FAE]  }
0x2a: {  	p0 =	seq.s32 s5, $0x0;
	s5 =	sld [smem:$0x3FAF]  }
0x2b: {  	s6 =	sld [smem:$0x3FB0]  }
0x2c: {  	s7 =	sld [smem:$0x3FB1]  }
0x2d: {  	s3 =	simm.s32 $0x108;
	s8 =	sld [smem:$0x3FB2]  }
0x2e: {  	s3 =	simm.s32 @!p0 $0x1082;
	s9 =	sld [smem:$0x3FB3]  }
0x2f: {  	lr =	sadd.s32 s0, s3;
	s0 =	sld [smem:$0x3FAA]  }
0x30: {  	s3 =	sld [smem:$0x3FAD]  }
0x31: {  	[smem:$0x3FB6] =	sst s10  }
0x32: {  	s10 =	sld [smem:$0x3FB4];
	_ =	sdelay $0x3  }
0x33: {  	p0 =	seq.s32 s10, $0x1;
	s10 =	sld [smem:$0x3FB6];
	_ =	sdelay $0x3  }
0x34: {  	[smem:$0x3FB6] =	sst s10  }
0x35: {  	s10 =	sld [smem:$0x3FB5];
	_ =	sdelay $0x3  }
0x36: {  	p1 =	seq.s32 s10, $0x1;
	s10 =	sld [smem:$0x3FB6];
	_ =	sdelay $0x3  }
0x37: {  	[smem:$0x3FB6] =	sst s10  }
0x38: {  	s10 =	sld [smem:$0x3FB7]  }
0x39: {  	_ = 	snop;
	(pc) =	sbr.ind lr, $3  }
0x3a: {  	_ = 	snop  }
0x3b: {  	_ = 	snop  }
0x3c: {  	p2 =	seq.s32 s10, $0x1;
	s10 =	sld [smem:$0x3FB6]  }
0x3d: {  	_ =	shalt  }
0x3e: {  	_ =	shalt  }
0x3f: {  	_ =	shalt  }
0x40: {  	_ =	shalt  }
0x41: {  	_ =	shalt  }
0x42: {  	_ =	shalt  }
0x43: {  	_ =	shalt  }
0x44: {  	_ =	shalt  }
0x45: {  	_ =	shalt  }
0x46: {  	_ =	shalt  }
0x47: {  	_ =	shalt  }
0x48: {  	_ =	shalt  }
0x49: {  	_ =	shalt  }
0x4a: {  	_ =	shalt  }
0x4b: {  	_ =	shalt  }
0x4c: {  	_ =	shalt  }
0x4d: {  	_ =	shalt  }
0x4e: {  	_ =	shalt  }
0x4f: {  	_ =	shalt  }
0x50: {  	_ =	shalt  }
0x51: {  	_ =	shalt  }
0x52: {  	_ =	shalt  }
0x53: {  	_ =	shalt  }
0x54: {  	_ =	shalt  }
0x55: {  	_ =	shalt  }
0x56: {  	_ =	shalt  }
0x57: {  	_ =	shalt  }
0x58: {  	_ =	shalt  }
0x59: {  	_ =	shalt  }
0x5a: {  	_ =	shalt  }
0x5b: {  	_ =	shalt  }
0x5c: {  	_ =	shalt  }
0x5d: {  	_ =	shalt  }
0x5e: {  	_ =	shalt  }
0x5f: {  	_ =	shalt  }
0x60: {  	_ =	shalt  }
0x61: {  	_ =	shalt  }
0x62: {  	_ =	shalt  }
0x63: {  	_ =	shalt  }
0x64: {  	_ =	shalt  }
0x65: {  	_ =	shalt  }
0x66: {  	_ =	shalt  }
0x67: {  	_ =	shalt  }
0x68: {  	_ =	shalt  }
0x69: {  	_ =	shalt  }
0x6a: {  	_ =	shalt  }
0x6b: {  	_ =	shalt  }
0x6c: {  	_ =	shalt  }
0x6d: {  	_ =	shalt  }
0x6e: {  	_ =	shalt  }
0x6f: {  	_ =	shalt  }
0x70: {  	_ =	shalt  }
0x71: {  	_ =	shalt  }
0x72: {  	_ =	shalt  }
0x73: {  	_ =	shalt  }
0x74: {  	_ =	shalt  }
0x75: {  	_ =	shalt  }
0x76: {  	_ =	shalt  }
0x77: {  	_ =	shalt  }
0x78: {  	_ =	shalt  }
0x79: {  	_ =	shalt  }
0x7a: {  	_ =	shalt  }
0x7b: {  	_ =	shalt  }
0x7c: {  	_ =	shalt  }
0x7d: {  	_ =	shalt  }
0x7e: {  	_ =	shalt  }
0x7f: {  	_ =	shalt  }
0x80: {  	_ =	shalt  }
0x81: {  	_ =	shalt  }
0x82: {  	_ =	shalt  }
0x83: {  	_ =	shalt  }
0x84: {  	_ =	shalt  }
0x85: {  	_ =	shalt  }
0x86: {  	_ =	shalt  }
0x87: {  	_ =	shalt  }
.Lfunc_end0:
.L_simem_size_0:
called_computation_lowered:
.L_overlay_start_0:
0x88: {  	s2 =	sld [smem:$0x3FD9]  }
0x89: {  	s3 =	sld [smem:$0x3FFE];
	_ =	sdelay $0x1  }
0x8a: {  	s1 =	srdreg.scid  }
0x8b: {  	s0 =	sand.u32 $0x1, s1  }
0x8c: {  	s17 =	sshll.u32 s0, $0xA;
	s2 =	sadd.s32 s3, s2  }
0x8d: {  	s2 =	sadd.s32 s2, s17  }
0x8e: {  	[smem:$0x3FC2] =	sst s2  }
0x8f: {  	_ = 	snop  }
0x90: {  	s2 =	sld [smem:$0x3FC8]  }
0x91: {  	s18 =	sld [smem:$0x3FC6]  }
0x92: {  	s4 =	sld [smem:$0x3FD0];
	(tm) =	ssettm $0x1  }
0x93: {  	s5 =	sld [smem:$0x3FFB];
	_ =	sdelay $0x3  }
0x94: {  	_ =	strace s5  }
0x95: {  	s5 =	sld [smem:$0x3FFC];
	_ =	sdelay $0x3  }
0x96: {  	_ =	strace s5  }
0x97: {  	s5 =	sld [smem:$0x3FFD];
	_ =	sdelay $0x3  }
0x98: {  	_ =	strace s5  }
0x99: {  	_ =	strace $0x8FFFFFFF  }
0x9a: {  	s19 =	sld [smem:$0x3FDB];
	_ =	sdelay $0x1  }
0x9b: {  	s6 =	simm.s32 $_scs_section_size  }
0x9c: {  	s7 =	simm.s32 $_size__tile_overlayer_lowered;
	s8 =	simm.s32 $_tile_overlayer_lowered  }
0x9d: {  	s22 =	simm.s32 $0x1BFF;
	s21 =	sshll.u32 s8, $0x1;
	s5 =	sadd.s32 s6, s19  }
0x9e: {  	s9 =	simm.s32 $0x0;
	s20 =	sshll.u32 s7, $0x1;
	s7 =	sadd.s32 s21, s5  }
0x9f: {  	[timem:s9], [sflag:s22] =	dma.local [hbm:s7], s20  }
0xa0: {  	_ =	swait.ge [sflag:s22], s20  }
0xa1: {  	s6 =	ssub.s32 $0x0, s20;
	[sflag:s22] =	ssyncset.done $0x0  }
0xa2: {  	[sflag:s22] =	ssyncadd.s32 s6;
	_ =	sdelay $0x1  }
0xa3: {  	s23 =	simm.s32 $0x1B8B  }
0xa4: {  	_ =	swait.ge [sflag:s23], $0x1  }
0xa5: {  	[sflag:s23] =	ssyncset.done $0x0  }
0xa6: {  	s25 =	simm.s32 $0x1B8E;
	s24 =	sld [smem:$0x3FFE];
	[sflag:s23] =	ssyncadd.s32 $0xFFFFFFFF  }
0xa7: {  	s26 =	simm.s32 $execute0_lowered;
	[smem:$0x3FD2] =	sst s25  }
0xa8: {  	s7 =	sshll.u32 s26, $0x1;
	_ =	strace $0x80000046;
	[dreg:$0x1] =	wrdreg $0xFFFFFFFF  }
0xa9: {  	s28 =	simm.s32 $_size_execute0_lowered;
	s5 =	sadd.s32 s5, s7;
	[dreg:$0x0] =	wrdreg $0x0  }
0xaa: {  	s7 =	sshll.u32 s28, $0x1;
	[dreg:$0x2] =	wrdreg s5  }
0xab: {  	[dreg:$0x3] =	wrdreg s7  }
0xac: {  	[dreg:$0x4] =	wrdreg $0xC0  }
0xad: {  	_ =	task [dreg:s9], $0x5FFFF  }
0xae: {  	[dreg:$0x1] =	wrdreg $0xFFFFFFFF  }
0xaf: {  	[dreg:$0x0] =	wrdreg $0x60  }
0xb0: {  	[dreg:$0x2] =	wrdreg s24  }
0xb1: {  	[dreg:$0x3] =	wrdreg s4  }
0xb2: {  	[dreg:$0x4] =	wrdreg s2  }
0xb3: {  	[dreg:$0x5] =	wrdreg s18  }
0xb4: {  	[dreg:$0x6] =	wrdreg $0x9  }
0xb5: {  	_ =	task.clear_ibuf [dreg:s9], $0x7FFFF;
	_ =	strace $0x90000046  }
0xb6: {  	s29 =	simm.s32 $0x9;
	_ =	strace $0x80000048  }
0xb7: {  	_ =	swait.ge [sflag:s29], $0x1  }
0xb8: {  	[sflag:s29] =	ssyncadd.s32 $0xFFFFFFFF  }
0xb9: {  	_ =	strace $0x90000048  }
0xba: {  	_ =	sfence  }
0xbb: {  	s30 =	sld [smem:$0x0];
	_ =	sdelay $0x2  }
0xbc: {  	s31 =	sshll.u32 s1, $0xD;
	s1 =	sshrl.u32 s1, $0x2  }
0xbd: {  	s3 =	sand.u32 $0x4000, s31;
	s1 =	sadd.s32 s1, s30  }
0xbe: {  	s0 =	sor.u32 s3, s0;
	s1 =	sshll.u32 s1, $0x11  }
0xbf: {  	s0 =	sor.u32 s1, s0  }
0xc0: {  	s0 =	sadd.s32 $0x8F2B, s0  }
0xc1: {  	[sflag:s0] =	ssyncadd.remote.s32 $0x1  }
0xc2: {  	_ =	sfence.sel $0xFFFF  }
0xc3: {  	[dreg:$0x0] =	wrdreg $0xFFFFFFFF;
	(pc) =	sbr.abs _section_cstart, $3  }
0xc4: {  	[dreg:$0x1] =	wrdreg $0xFFFFFFFF  }
0xc5: {  	_ =	task.clear_ibuf [dreg:s9], $0x2FFFF;
	_ =	strace $0x9FFFFFFF  }
0xc6: {  	(tm) =	ssettm $0x7FFFFFFF  }
0xc7: {  	_ =	shalt  }
tec
execute0_lowered:
.L_overlay_start_1:
0x0: {  	(tag) =	ssettag $0x1  }
0x1: {  	s7 =	rddreg [dreg:$0x0]  }
0x2: {  	s8 =	rddreg [dreg:$0x1]  }
0x3: {  	s1 =	rddreg [dreg:$0x2]  }
0x4: {  	s2 =	rddreg [dreg:$0x3]  }
0x5: {  	s0 =	rddreg [dreg:$0x4]  }
0x6: {  	s4 =	simm.s32 $0x0;
	s5 =	srdreg.scid;
	s3 =	stileid.u32  }
0x7: {  	s13 =	simm.s32 $0x10000;
	s14 =	simm.s32 $0x10400;
	s15 =	simm.s32 $0x10800  }
0x8: {  	s16 =	simm.s32 $0x18C00;
	s17 =	simm.s32 $0x10C00;
	s18 =	simm.s32 $0x0  }
0x9: {  	[smem:$0x7FF] =	sst s4;
	s5 =	sand.u32 $0x1, s5;
	s6 =	sshll.u32 s3, $0xD  }
0xa: {  	_ =	strace $0x80000047;
	s9 =	sshll.u32 s5, $0xC;
	s10 =	ssub.s32 $0x2, s5  }
0xb: {  	s5 =	sadd.s32 $0x20600, s7;
	s9 =	sor.u32 s9, s6;
	s11 =	sshrl.u32 s10, $0x1  }
0xc: {  	s6 =	sadd.s32 $0x20800, s7;
	s12 =	sadd.s32 s9, s7;
	s10 =	ssub.s32 s10, s11  }
0xd: {  	s8 =	sadd.s32 s8, s9;
	s11 =	simm.s32 $0x1;
	s7 =	sadd.s32 $0x600, s12  }
0xe: {  	s9 =	sadd.s32 $0x20A00, s12;
	s10 =	smax.u32 s10, $0x1;
	s12 =	simm.s32 $0x8000  }
.LBB2_1:
0xf: {  	[tilespmem:s4], [sflag:$0x1] =	stream.linear.gather [hbm4b:s7+s4], $0x8000, $0x38;
	[tilespmem:$0x18C80] =	vst v63  }
0x10: {  	_ =	swait.ge [sflag:s11], $0x8000  }
0x11: {  	[sflag:s11] =	ssyncset.done $0x0  }
0x12: {  	[sflag:s11] =	ssyncadd.s32 $0xFFFF8000  }
0x13: {  	[tilespmem:s12], [sflag:$0x1] =	stream.linear.gather [hbm4b:s8+s4], $0x8000, $0x38;
	[tilespmem:$0x18C80] =	vst v63  }
0x14: {  	_ =	swait.ge [sflag:s11], $0x8000  }
0x15: {  	[sflag:s11] =	ssyncset.done $0x0  }
0x16: {  	[sflag:s11] =	ssyncadd.s32 $0xFFFF8000  }
0x17: {  	[tilespmem:s13], [sflag:$0x1] =	stream.linear.gather [hbm4b:s5+s4], $0x400, $0x38;
	[tilespmem:$0x18C80] =	vst v63  }
0x18: {  	_ =	swait.ge [sflag:s11], $0x400  }
0x19: {  	[sflag:s11] =	ssyncset.done $0x0  }
0x1a: {  	[sflag:s11] =	ssyncadd.s32 $0xFFFFFC00  }
0x1b: {  	[tilespmem:s14], [sflag:$0x1] =	stream.linear.gather [hbm4b:s1+s4], $0x400, $0x38;
	[tilespmem:$0x18C80] =	vst v63  }
0x1c: {  	_ =	swait.ge [sflag:s11], $0x400  }
0x1d: {  	[sflag:s11] =	ssyncset.done $0x0  }
0x1e: {  	[sflag:s11] =	ssyncadd.s32 $0xFFFFFC00  }
0x1f: {  	[tilespmem:s15], [sflag:$0x1] =	stream.linear.gather [hbm4b:s2+s4], $0x400, $0x38;
	[tilespmem:$0x18C80] =	vst v63  }
0x20: {  	_ =	swait.ge [sflag:s11], $0x400  }
0x21: {  	[sflag:s11] =	ssyncset.done $0x0  }
0x22: {  	[sflag:s11] =	ssyncadd.s32 $0xFFFFFC00  }
0x23: {  	[tilespmem:s16], [sflag:$0x1] =	stream.linear.gather [hbm4b:s6+s4], $0x80, $0x38;
	[tilespmem:$0x18C80] =	vst v63  }
0x24: {  	_ =	swait.ge [sflag:s11], $0x80  }
0x25: {  	[sflag:s11] =	ssyncset.done $0x0  }
0x26: {  	[sflag:s11] =	ssyncadd.s32 $0xFFFFFF80  }
0x27: {  	v0 =	vld [tilespmem:$0x18C00];
	_ =	sdelay $0x6  }
0x28: {  	s19 =	simm.s32 $0x0  }
.LBB2_2:
0x29: {  	v1 =	vld.idx.msk [tilespmem:v0+s13+$0x0], $0xffff  }
0x2a: {  	s20 =	sshra.s32 s19, $0x2;
	v9 =	vld.idx.msk [tilespmem:v0+s14+$0x0], $0xffff  }
0x2b: {  	v7 =	vld [tilespmem:s20+$0x0]  }
0x2c: {  	v8 =	vld [tilespmem:s20+$0x8000]  }
0x2d: {  	v5 =	vld [tilespmem:s20+$0x10]  }
0x2e: {  	v6 =	vld [tilespmem:s20+$0x8010];
	_ =	sdelay $0x2  }
0x2f: {  	v4 =	vld [tilespmem:s20+$0x8020];
	vm0 =	vlt.s32 v1, $0x100000;
	v2 =	vshrl.u32 v1, $0xA  }
0x30: {  	v11 =	vand.u32 $0x3FF, v1;
	v3 =	vsel vm0, v7, v8;
	v10 =	vand.u32 $0x3FF, v2;
	v2 =	vld [tilespmem:s20+$0x20]  }
0x31: {  	v13 =	vadd.f32 $0.0e+00, v9;
	v1 =	vsel vm0, v5, v6;
	vm1 =	vlt.f32 v3, v9  }
0x32: {  	vm7 =	vlt.f32 v1, v9;
	v12 =	vsel vm1, v10, v11  }
0x33: {  	v1 =	vld [tilespmem:s20+$0x30];
	v3 =	vsel vm1, $0x0, v13;
	v14 =	vnsel vm1, $0x3F800000, v13;
	v19 =	vsel vm7, v10, v11  }
0x34: {  	v20 =	vsel vm7, $0x0, v13;
	v15 =	vnsel vm0, $0x0, v3;
	v18 =	vsel vm0, $0x0, v3;
	v3 =	vld [tilespmem:s20+$0x8030]  }
0x35: {  	v21 =	vnsel vm7, $0x3F800000, v13;
	v17 =	vnsel vm0, $0x3F800000, v14;
	v24 =	vsel vm0, v2, v4  }
0x36: {  	v14 =	vsel vm0, $0x3F800000, v14;
	v22 =	vnsel vm0, $0x0, v20;
	vm2 =	vlt.f32 v24, v9  }
0x37: {  	v23 =	vnsel vm0, $0x3F800000, v21;
	v20 =	vsel vm0, $0x0, v20;
	v16 =	vld.idx.msk [tilespmem:v12+s13+$0x0], $0xffff;
	v30 =	vsel vm2, v10, v11  }
0x38: {  	v21 =	vsel vm0, $0x3F800000, v21;
	v24 =	vsel vm2, $0x0, v13;
	v25 =	vnsel vm2, $0x3F800000, v13  }
0x39: {  	v29 =	vld.idx.msk [tilespmem:v19+s13+$0x0], $0xffff;
	v26 =	vnsel vm0, $0x0, v24;
	v31 =	vsel vm0, v1, v3;
	v33 =	vnsel vm0, $0x3F800000, v25  }
0x3a: {  	v24 =	vsel vm0, $0x0, v24;
	v25 =	vsel vm0, $0x3F800000, v25;
	vm9 =	vlt.f32 v31, v9  }
0x3b: {  	v12 =	vld.idx.msk [tilespmem:v12+s14+$0x0], $0xffff;
	v9 =	vsel vm9, $0x0, v13;
	v13 =	vnsel vm9, $0x3F800000, v13;
	v10 =	vsel vm9, v10, v11  }
0x3c: {  	v50 =	vnsel vm0, $0x0, v9;
	v51 =	vnsel vm0, $0x3F800000, v13;
	vm8 =	vlt.s32 v16, $0x100000;
	v36 =	vld.idx.msk [tilespmem:v30+s13+$0x0], $0xffff  }
0x3d: {  	v19 =	vld.idx.msk [tilespmem:v19+s14+$0x0], $0xffff;
	v9 =	vsel vm0, $0x0, v9;
	v27 =	vsel vm8, v15, v18;
	v28 =	vsel vm8, v17, v14  }
0x3e: {  	v13 =	vsel vm0, $0x3F800000, v13;
	vm10 =	vlt.s32 v29, $0x100000;
	v32 =	vsub.f32 v28, v27  }
0x3f: {  	v37 =	vshrl.u32 v16, $0xA;
	v34 =	vsel vm10, v22, v20;
	v35 =	vsel vm10, v23, v21  }
0x40: {  	v61 =	vshrl.u32 v29, $0xA;
	v54 =	vsub.f32 v35, v34;
	v57 =	vld.idx.msk [tilespmem:v10+s13+$0x0], $0xffff;
	v12 =	vmul.f32 v32, v12  }
0x41: {  	v53 =	vsel vm8, v7, v8;
	v56 =	vsel vm10, v5, v6;
	vm11 =	vlt.s32 v36, $0x100000  }
0x42: {  	v43 =	vshrl.u32 v36, $0xA;
	v52 =	vadd.f32 v12, v27;
	v12 =	vmul.f32 v54, v19  }
0x43: {  	v55 =	vld.idx.msk [tilespmem:v30+s14+$0x0], $0xffff;
	v58 =	vsel vm11, v26, v24;
	v59 =	vsel vm11, v33, v25;
	v42 =	vsel vm11, v2, v4  }
0x44: {  	v60 =	vsub.f32 v59, v58;
	vm3 =	vlt.f32 v53, v52;
	v12 =	vadd.f32 v12, v34  }
0x45: {  	vm13 =	vlt.s32 v57, $0x100000;
	v49 =	vshrl.u32 v57, $0xA;
	v27 =	vsel vm3, v27, v52  }
0x46: {  	v10 =	vld.idx.msk [tilespmem:v10+s14+$0x0], $0xffff;
	v11 =	vsel vm3, v52, v28;
	v16 =	vsel vm3, v37, v16;
	v63 =	vsel vm13, v50, v9  }
0x47: {  	v40 =	vsel vm13, v51, v13;
	v17 =	vsel vm8, v11, v17;
	v16 =	vand.u32 $0x3FF, v16  }
0x48: {  	v11 =	vsel vm8, v14, v11;
	vm12 =	vlt.f32 v56, v12;
	v14 =	vmul.f32 v60, v55  }
0x49: {  	v38 =	vsub.f32 v40, v63;
	v34 =	vsel vm12, v34, v12;
	v62 =	vsel vm12, v61, v29  }
0x4a: {  	v19 =	vsel vm10, v20, v34;
	v14 =	vadd.f32 v14, v58;
	v20 =	vand.u32 $0x3FF, v62  }
0x4b: {  	v44 =	vsel vm13, v1, v3;
	v12 =	vsel vm12, v12, v35;
	v10 =	vmul.f32 v38, v10  }
0x4c: {  	v15 =	vsel vm8, v27, v15;
	v23 =	vsel vm10, v12, v23;
	vm14 =	vlt.f32 v42, v14  }
0x4d: {  	v12 =	vsel vm10, v21, v12;
	v10 =	vadd.f32 v10, v63;
	v41 =	vld.idx.msk [tilespmem:v16+s13+$0x0], $0xffff;
	v21 =	vsel vm14, v43, v36  }
0x4e: {  	v18 =	vsel vm8, v18, v27;
	v22 =	vsel vm10, v34, v22;
	v21 =	vand.u32 $0x3FF, v21  }
0x4f: {  	v30 =	vsel vm14, v58, v14;
	v14 =	vsel vm14, v14, v59;
	vm6 =	vlt.f32 v44, v10;
	v47 =	vld.idx.msk [tilespmem:v20+s13+$0x0], $0xffff  }
0x50: {  	v33 =	vsel vm11, v14, v33;
	v14 =	vsel vm11, v25, v14;
	v25 =	vsel vm6, v49, v57  }
0x51: {  	v16 =	vld.idx.msk [tilespmem:v16+s14+$0x0], $0xffff;
	v26 =	vsel vm11, v30, v26;
	v24 =	vsel vm11, v24, v30;
	v25 =	vand.u32 $0x3FF, v25  }
0x52: {  	v27 =	vsel vm6, v63, v10;
	v10 =	vsel vm6, v10, v40;
	v20 =	vld.idx.msk [tilespmem:v20+s14+$0x0], $0xffff;
	vm15 =	vlt.s32 v41, $0x100000  }
0x53: {  	v30 =	vsel vm13, v10, v51;
	v45 =	vsel vm15, v15, v18;
	v46 =	vsel vm15, v17, v11;
	v51 =	vld.idx.msk [tilespmem:v21+s13+$0x0], $0xffff  }
0x54: {  	v29 =	vsel vm13, v27, v50;
	v48 =	vsub.f32 v46, v45;
	vm7 =	vlt.s32 v47, $0x100000  }
0x55: {  	v9 =	vsel vm13, v9, v27;
	v52 =	vsel vm7, v22, v19;
	v53 =	vsel vm7, v23, v12  }
0x56: {  	v10 =	vsel vm13, v13, v10;
	v61 =	vld.idx.msk [tilespmem:v25+s13+$0x0], $0xffff;
	v16 =	vmul.f32 v48, v16;
	v54 =	vsub.f32 v53, v52  }
0x57: {  	v55 =	vshrl.u32 v41, $0xA;
	v50 =	vsel vm15, v7, v8;
	v39 =	vshrl.u32 v47, $0xA  }
0x58: {  	v16 =	vadd.f32 v16, v45;
	v13 =	vmul.f32 v54, v20;
	vm9 =	vlt.s32 v51, $0x100000  }
0x59: {  	v62 =	vsel vm7, v5, v6;
	v59 =	vsel vm9, v26, v24;
	v60 =	vsel vm9, v33, v14  }
0x5a: {  	v57 =	vld.idx.msk [tilespmem:v21+s14+$0x0], $0xffff;
	v40 =	vsel vm9, v2, v4;
	vm8 =	vlt.f32 v50, v16;
	v13 =	vadd.f32 v13, v52  }
0x5b: {  	v63 =	vsub.f32 v60, v59;
	vm11 =	vlt.s32 v61, $0x100000;
	v56 =	vsel vm8, v45, v16  }
0x5c: {  	v16 =	vsel vm8, v16, v46;
	v58 =	vsel vm8, v55, v41;
	v41 =	vsel vm11, v29, v9  }
0x5d: {  	v25 =	vld.idx.msk [tilespmem:v25+s14+$0x0], $0xffff;
	v42 =	vsel vm11, v30, v10;
	v45 =	vshrl.u32 v51, $0xA;
	v46 =	vsel vm11, v1, v3  }
0x5e: {  	v15 =	vsel vm15, v56, v15;
	v17 =	vsel vm15, v16, v17;
	v18 =	vsel vm15, v18, v56  }
0x5f: {  	v21 =	vand.u32 $0x3FF, v58;
	vm10 =	vlt.f32 v62, v13;
	v20 =	vmul.f32 v63, v57  }
0x60: {  	v11 =	vsel vm15, v11, v16;
	v44 =	vsub.f32 v42, v41;
	v16 =	vsel vm10, v39, v47  }
0x61: {  	v31 =	vsel vm10, v52, v13;
	v20 =	vadd.f32 v20, v59;
	v16 =	vand.u32 $0x3FF, v16  }
0x62: {  	v13 =	vsel vm10, v13, v53;
	v22 =	vsel vm7, v31, v22;
	v25 =	vmul.f32 v44, v25  }
0x63: {  	v23 =	vsel vm7, v13, v23;
	v19 =	vsel vm7, v19, v31;
	vm12 =	vlt.f32 v40, v20  }
0x64: {  	v12 =	vsel vm7, v12, v13;
	v25 =	vadd.f32 v25, v41;
	v43 =	vld.idx.msk [tilespmem:v21+s13+$0x0], $0xffff;
	v13 =	vsel vm12, v45, v51  }
0x65: {  	v27 =	vsel vm12, v59, v20;
	v20 =	vsel vm12, v20, v60;
	v13 =	vand.u32 $0x3FF, v13  }
0x66: {  	v51 =	vshrl.u32 v61, $0xA;
	v26 =	vsel vm9, v27, v26;
	v31 =	vsel vm9, v20, v33;
	v47 =	vld.idx.msk [tilespmem:v16+s13+$0x0], $0xffff  }
0x67: {  	v24 =	vsel vm9, v24, v27;
	v14 =	vsel vm9, v14, v20;
	vm14 =	vlt.f32 v46, v25  }
0x68: {  	v21 =	vld.idx.msk [tilespmem:v21+s14+$0x0], $0xffff;
	v52 =	vsel vm14, v41, v25;
	v25 =	vsel vm14, v25, v42;
	v53 =	vsel vm14, v51, v61  }
0x69: {  	v16 =	vld.idx.msk [tilespmem:v16+s14+$0x0], $0xffff;
	v29 =	vsel vm11, v52, v29;
	v30 =	vsel vm11, v25, v30;
	vm13 =	vlt.s32 v43, $0x100000  }
0x6a: {  	v9 =	vsel vm11, v9, v52;
	v48 =	vsel vm13, v15, v18;
	v49 =	vsel vm13, v17, v11;
	v56 =	vld.idx.msk [tilespmem:v13+s13+$0x0], $0xffff  }
0x6b: {  	v10 =	vsel vm11, v10, v25;
	v50 =	vsub.f32 v49, v48;
	vm15 =	vlt.s32 v47, $0x100000  }
0x6c: {  	v59 =	vshrl.u32 v43, $0xA;
	v54 =	vsel vm15, v22, v19;
	v55 =	vsel vm15, v23, v12  }
0x6d: {  	v57 =	vsel vm13, v7, v8;
	v20 =	vmul.f32 v50, v21;
	v58 =	vsub.f32 v55, v54  }
0x6e: {  	v40 =	vshrl.u32 v47, $0xA;
	v60 =	vsel vm15, v5, v6;
	v21 =	vand.u32 $0x3FF, v53  }
0x6f: {  	v20 =	vadd.f32 v20, v48;
	v16 =	vmul.f32 v58, v16;
	vm7 =	vlt.s32 v56, $0x100000  }
0x70: {  	v13 =	vld.idx.msk [tilespmem:v13+s14+$0x0], $0xffff;
	v46 =	vshrl.u32 v56, $0xA;
	v61 =	vsel vm7, v26, v24;
	v62 =	vsel vm7, v31, v14  }
0x71: {  	v41 =	vsel vm7, v2, v4;
	vm6 =	vlt.f32 v57, v20;
	v16 =	vadd.f32 v16, v54  }
0x72: {  	v39 =	vsub.f32 v62, v61;
	v32 =	vsel vm6, v48, v20;
	v20 =	vsel vm6, v20, v49  }
0x73: {  	v25 =	vsel vm6, v59, v43;
	v63 =	vld.idx.msk [tilespmem:v21+s13+$0x0], $0xffff;
	v15 =	vsel vm13, v32, v15;
	v17 =	vsel vm13, v20, v17  }
0x74: {  	v25 =	vand.u32 $0x3FF, v25;
	v18 =	vsel vm13, v18, v32;
	vm8 =	vlt.f32 v60, v16  }
0x75: {  	v11 =	vsel vm13, v11, v20;
	v13 =	vmul.f32 v39, v13;
	v20 =	vsel vm8, v40, v47  }
0x76: {  	v27 =	vsel vm8, v54, v16;
	v16 =	vsel vm8, v16, v55;
	v20 =	vand.u32 $0x3FF, v20  }
0x77: {  	v21 =	vld.idx.msk [tilespmem:v21+s14+$0x0], $0xffff;
	v22 =	vsel vm15, v27, v22;
	v23 =	vsel vm15, v16, v23;
	v13 =	vadd.f32 v13, v61  }
0x78: {  	v19 =	vsel vm15, v19, v27;
	v12 =	vsel vm15, v12, v16;
	vm9 =	vlt.s32 v63, $0x100000  }
0x79: {  	vm10 =	vlt.f32 v41, v13;
	v42 =	vld.idx.msk [tilespmem:v25+s13+$0x0], $0xffff;
	v43 =	vsel vm9, v29, v9;
	v44 =	vsel vm9, v30, v10  }
0x7a: {  	v55 =	vshrl.u32 v63, $0xA;
	v48 =	vld.idx.msk [tilespmem:v25+s14+$0x0], $0xffff;
	v49 =	vsel vm10, v46, v56;
	v45 =	vsub.f32 v44, v43  }
0x7b: {  	v47 =	vsel vm10, v61, v13;
	v13 =	vsel vm10, v13, v62;
	v25 =	vand.u32 $0x3FF, v49;
	v52 =	vld.idx.msk [tilespmem:v20+s13+$0x0], $0xffff  }
0x7c: {  	v53 =	vsel vm9, v1, v3;
	v26 =	vsel vm7, v47, v26;
	v16 =	vmul.f32 v45, v21  }
0x7d: {  	v31 =	vsel vm7, v13, v31;
	v24 =	vsel vm7, v24, v47;
	v13 =	vsel vm7, v14, v13  }
0x7e: {  	vm11 =	vlt.s32 v42, $0x100000;
	v16 =	vadd.f32 v16, v43;
	v61 =	vshrl.u32 v42, $0xA  }
0x7f: {  	v50 =	vsel vm11, v15, v18;
	v51 =	vsel vm11, v17, v11;
	v56 =	vsel vm11, v7, v8  }
0x80: {  	v59 =	vld.idx.msk [tilespmem:v25+s13+$0x0], $0xffff;
	v54 =	vsub.f32 v51, v50;
	vm12 =	vlt.f32 v53, v16;
	vm13 =	vlt.s32 v52, $0x100000  }
0x81: {  	v20 =	vld.idx.msk [tilespmem:v20+s14+$0x0], $0xffff;
	v32 =	vsel vm12, v43, v16;
	v16 =	vsel vm12, v16, v44;
	v14 =	vsel vm12, v55, v63  }
0x82: {  	v57 =	vsel vm13, v22, v19;
	v58 =	vsel vm13, v23, v12;
	v62 =	vsel vm13, v5, v6  }
0x83: {  	v43 =	vshrl.u32 v52, $0xA;
	v21 =	vmul.f32 v54, v48;
	v29 =	vsel vm9, v32, v29  }
0x84: {  	v30 =	vsel vm9, v16, v30;
	v14 =	vand.u32 $0x3FF, v14;
	v60 =	vsub.f32 v58, v57  }
0x85: {  	v9 =	vsel vm9, v9, v32;
	v21 =	vadd.f32 v21, v50;
	vm15 =	vlt.s32 v59, $0x100000  }
0x86: {  	v10 =	vsel vm9, v10, v16;
	v20 =	vmul.f32 v60, v20;
	v40 =	vsel vm15, v26, v24  }
0x87: {  	v25 =	vld.idx.msk [tilespmem:v25+s14+$0x0], $0xffff;
	v41 =	vsel vm15, v31, v13;
	v49 =	vsel vm15, v2, v4;
	vm14 =	vlt.f32 v56, v21  }
0x88: {  	v20 =	vadd.f32 v20, v57;
	v27 =	vsel vm14, v50, v21;
	v21 =	vsel vm14, v21, v51  }
0x89: {  	v16 =	vsel vm14, v61, v42;
	v63 =	vld.idx.msk [tilespmem:v14+s13+$0x0], $0xffff;
	v42 =	vsub.f32 v41, v40;
	v51 =	vshrl.u32 v59, $0xA  }
0x8a: {  	v15 =	vsel vm11, v27, v15;
	v17 =	vsel vm11, v21, v17;
	v16 =	vand.u32 $0x3FF, v16  }
0x8b: {  	v18 =	vsel vm11, v18, v27;
	v11 =	vsel vm11, v11, v21;
	vm6 =	vlt.f32 v62, v20  }
0x8c: {  	v44 =	vsel vm6, v57, v20;
	v21 =	vmul.f32 v42, v25;
	v45 =	vsel vm6, v43, v52  }
0x8d: {  	v14 =	vld.idx.msk [tilespmem:v14+s14+$0x0], $0xffff;
	v20 =	vsel vm6, v20, v58;
	v22 =	vsel vm13, v44, v22;
	v25 =	vand.u32 $0x3FF, v45  }
0x8e: {  	v23 =	vsel vm13, v20, v23;
	v21 =	vadd.f32 v21, v40;
	vm7 =	vlt.s32 v63, $0x100000  }
0x8f: {  	v19 =	vsel vm13, v19, v44;
	v46 =	vsel vm7, v29, v9;
	v47 =	vsel vm7, v30, v10;
	v48 =	vld.idx.msk [tilespmem:v16+s13+$0x0], $0xffff  }
0x90: {  	v12 =	vsel vm13, v12, v20;
	vm8 =	vlt.f32 v49, v21;
	v50 =	vsub.f32 v47, v46  }
0x91: {  	v57 =	vshrl.u32 v63, $0xA;
	v52 =	vsel vm7, v1, v3;
	v32 =	vsel vm8, v40, v21  }
0x92: {  	v21 =	vsel vm8, v21, v41;
	v20 =	vsel vm8, v51, v59;
	v55 =	vld.idx.msk [tilespmem:v25+s13+$0x0], $0xffff;
	v14 =	vmul.f32 v50, v14  }
0x93: {  	v26 =	vsel vm15, v32, v26;
	v31 =	vsel vm15, v21, v31;
	v20 =	vand.u32 $0x3FF, v20  }
0x94: {  	v16 =	vld.idx.msk [tilespmem:v16+s14+$0x0], $0xffff;
	v24 =	vsel vm15, v24, v32;
	v14 =	vadd.f32 v14, v46;
	vm9 =	vlt.s32 v48, $0x100000  }
0x95: {  	v13 =	vsel vm15, v13, v21;
	v53 =	vsel vm9, v15, v18;
	v54 =	vsel vm9, v17, v11  }
0x96: {  	v58 =	vsel vm9, v7, v8;
	vm10 =	vlt.f32 v52, v14;
	v56 =	vsub.f32 v54, v53  }
0x97: {  	v25 =	vld.idx.msk [tilespmem:v25+s14+$0x0], $0xffff;
	vm11 =	vlt.s32 v55, $0x100000;
	v27 =	vsel vm10, v46, v14;
	v14 =	vsel vm10, v14, v47  }
0x98: {  	v59 =	vld.idx.msk [tilespmem:v20+s13+$0x0], $0xffff;
	v21 =	vsel vm10, v57, v63;
	v60 =	vsel vm11, v22, v19;
	v61 =	vsel vm11, v23, v12  }
0x99: {  	v63 =	vshrl.u32 v48, $0xA;
	v44 =	vsel vm11, v5, v6;
	v16 =	vmul.f32 v56, v16  }
0x9a: {  	v46 =	vshrl.u32 v55, $0xA;
	v29 =	vsel vm7, v27, v29;
	v62 =	vsub.f32 v61, v60  }
0x9b: {  	v30 =	vsel vm7, v14, v30;
	v21 =	vand.u32 $0x3FF, v21;
	v16 =	vadd.f32 v16, v53  }
0x9c: {  	v9 =	vsel vm7, v9, v27;
	v10 =	vsel vm7, v10, v14;
	v14 =	vmul.f32 v62, v25  }
0x9d: {  	vm13 =	vlt.s32 v59, $0x100000;
	v52 =	vshrl.u32 v59, $0xA;
	vm12 =	vlt.f32 v58, v16  }
0x9e: {  	v20 =	vld.idx.msk [tilespmem:v20+s14+$0x0], $0xffff;
	v14 =	vadd.f32 v14, v60;
	v41 =	vsel vm13, v26, v24;
	v42 =	vsel vm13, v31, v13  }
0x9f: {  	v47 =	vsel vm13, v2, v4;
	v39 =	vsel vm12, v53, v16;
	v16 =	vsel vm12, v16, v54  }
0xa0: {  	v40 =	vsel vm12, v63, v48;
	v43 =	vld.idx.msk [tilespmem:v21+s13+$0x0], $0xffff;
	v45 =	vsub.f32 v42, v41;
	v15 =	vsel vm9, v39, v15  }
0xa1: {  	v17 =	vsel vm9, v16, v17;
	v25 =	vand.u32 $0x3FF, v40;
	vm14 =	vlt.f32 v44, v14  }
0xa2: {  	v18 =	vsel vm9, v18, v39;
	v11 =	vsel vm9, v11, v16;
	v32 =	vsel vm14, v60, v14  }
0xa3: {  	v14 =	vsel vm14, v14, v61;
	v20 =	vmul.f32 v45, v20;
	v16 =	vsel vm14, v46, v55  }
0xa4: {  	v21 =	vld.idx.msk [tilespmem:v21+s14+$0x0], $0xffff;
	v22 =	vsel vm11, v32, v22;
	v23 =	vsel vm11, v14, v23;
	v16 =	vand.u32 $0x3FF, v16  }
0xa5: {  	v19 =	vsel vm11, v19, v32;
	v20 =	vadd.f32 v20, v41;
	vm15 =	vlt.s32 v43, $0x100000  }
0xa6: {  	v12 =	vsel vm11, v12, v14;
	v48 =	vsel vm15, v29, v9;
	v49 =	vsel vm15, v30, v10;
	v50 =	vld.idx.msk [tilespmem:v25+s13+$0x0], $0xffff  }
0xa7: {  	v58 =	vshrl.u32 v43, $0xA;
	vm6 =	vlt.f32 v47, v20;
	v51 =	vsub.f32 v49, v48  }
0xa8: {  	v53 =	vsel vm15, v1, v3;
	v27 =	vsel vm6, v41, v20;
	v14 =	vsel vm6, v52, v59  }
0xa9: {  	v20 =	vsel vm6, v20, v42;
	v54 =	vld.idx.msk [tilespmem:v16+s13+$0x0], $0xffff;
	v14 =	vand.u32 $0x3FF, v14;
	v21 =	vmul.f32 v51, v21  }
0xaa: {  	v26 =	vsel vm13, v27, v26;
	v31 =	vsel vm13, v20, v31;
	v24 =	vsel vm13, v24, v27  }
0xab: {  	v25 =	vld.idx.msk [tilespmem:v25+s14+$0x0], $0xffff;
	v13 =	vsel vm13, v13, v20;
	v21 =	vadd.f32 v21, v48;
	vm7 =	vlt.s32 v50, $0x100000  }
0xac: {  	v42 =	vshrl.u32 v50, $0xA;
	v55 =	vsel vm7, v15, v18;
	v56 =	vsel vm7, v17, v11  }
0xad: {  	v16 =	vld.idx.msk [tilespmem:v16+s14+$0x0], $0xffff;
	v40 =	vsel vm7, v7, v8;
	vm8 =	vlt.f32 v53, v21;
	v57 =	vsub.f32 v56, v55  }
0xae: {  	vm9 =	vlt.s32 v54, $0x100000;
	v63 =	vld.idx.msk [tilespmem:v14+s13+$0x0], $0xffff;
	v59 =	vsel vm8, v48, v21;
	v21 =	vsel vm8, v21, v49  }
0xaf: {  	v60 =	vsel vm8, v58, v43;
	v61 =	vsel vm9, v22, v19;
	v62 =	vsel vm9, v23, v12  }
0xb0: {  	v43 =	vsel vm9, v5, v6;
	v20 =	vmul.f32 v57, v25;
	v41 =	vsub.f32 v62, v61  }
0xb1: {  	v48 =	vshrl.u32 v54, $0xA;
	v29 =	vsel vm15, v59, v29;
	v30 =	vsel vm15, v21, v30  }
0xb2: {  	v25 =	vand.u32 $0x3FF, v60;
	v20 =	vadd.f32 v20, v55;
	v16 =	vmul.f32 v41, v16  }
0xb3: {  	v9 =	vsel vm15, v9, v59;
	v10 =	vsel vm15, v10, v21;
	vm11 =	vlt.s32 v63, $0x100000  }
0xb4: {  	vm10 =	vlt.f32 v40, v20;
	v16 =	vadd.f32 v16, v61;
	v44 =	vsel vm11, v26, v24  }
0xb5: {  	v14 =	vld.idx.msk [tilespmem:v14+s14+$0x0], $0xffff;
	v45 =	vsel vm11, v31, v13;
	v49 =	vsel vm11, v2, v4;
	v32 =	vsel vm10, v55, v20  }
0xb6: {  	v20 =	vsel vm10, v20, v56;
	v21 =	vsel vm10, v42, v50;
	v47 =	vsub.f32 v45, v44  }
0xb7: {  	v46 =	vld.idx.msk [tilespmem:v25+s13+$0x0], $0xffff;
	v15 =	vsel vm7, v32, v15;
	v17 =	vsel vm7, v20, v17;
	v21 =	vand.u32 $0x3FF, v21  }
0xb8: {  	v18 =	vsel vm7, v18, v32;
	vm12 =	vlt.f32 v43, v16;
	v11 =	vsel vm7, v11, v20  }
0xb9: {  	v27 =	vsel vm12, v61, v16;
	v16 =	vsel vm12, v16, v62;
	v20 =	vsel vm12, v48, v54  }
0xba: {  	v14 =	vmul.f32 v47, v14;
	v54 =	vshrl.u32 v63, $0xA;
	v20 =	vand.u32 $0x3FF, v20  }
0xbb: {  	v25 =	vld.idx.msk [tilespmem:v25+s14+$0x0], $0xffff;
	v22 =	vsel vm9, v27, v22;
	v23 =	vsel vm9, v16, v23;
	v19 =	vsel vm9, v19, v27  }
0xbc: {  	v12 =	vsel vm9, v12, v16;
	v14 =	vadd.f32 v14, v44;
	vm13 =	vlt.s32 v46, $0x100000  }
0xbd: {  	v62 =	vshrl.u32 v46, $0xA;
	v50 =	vld.idx.msk [tilespmem:v21+s13+$0x0], $0xffff;
	v51 =	vsel vm13, v29, v9;
	v52 =	vsel vm13, v30, v10  }
0xbe: {  	vm14 =	vlt.f32 v49, v14;
	v60 =	vsel vm13, v1, v3;
	v53 =	vsub.f32 v52, v51  }
0xbf: {  	v55 =	vsel vm14, v44, v14;
	v14 =	vsel vm14, v14, v45;
	v56 =	vsel vm14, v54, v63;
	v59 =	vld.idx.msk [tilespmem:v20+s13+$0x0], $0xffff  }
0xc0: {  	v26 =	vsel vm11, v55, v26;
	v16 =	vmul.f32 v53, v25;
	v25 =	vand.u32 $0x3FF, v56  }
0xc1: {  	v21 =	vld.idx.msk [tilespmem:v21+s14+$0x0], $0xffff;
	v31 =	vsel vm11, v14, v31;
	v24 =	vsel vm11, v24, v55;
	v13 =	vsel vm11, v13, v14  }
0xc2: {  	vm15 =	vlt.s32 v50, $0x100000;
	v16 =	vadd.f32 v16, v51;
	v44 =	vshrl.u32 v50, $0xA  }
0xc3: {  	v20 =	vld.idx.msk [tilespmem:v20+s14+$0x0], $0xffff;
	v57 =	vsel vm15, v15, v18;
	v58 =	vsel vm15, v17, v11;
	v63 =	vsel vm15, v7, v8  }
0xc4: {  	v61 =	vsub.f32 v58, v57;
	vm6 =	vlt.f32 v60, v16;
	vm7 =	vlt.s32 v59, $0x100000  }
0xc5: {  	v32 =	vsel vm6, v51, v16;
	v40 =	vsel vm7, v22, v19;
	v41 =	vsel vm7, v23, v12;
	v42 =	vld.idx.msk [tilespmem:v25+s13+$0x0], $0xffff  }
0xc6: {  	v16 =	vsel vm6, v16, v52;
	v21 =	vmul.f32 v61, v21;
	v43 =	vsub.f32 v41, v40  }
0xc7: {  	v14 =	vsel vm6, v62, v46;
	v45 =	vsel vm7, v5, v6;
	v29 =	vsel vm13, v32, v29  }
0xc8: {  	v14 =	vand.u32 $0x3FF, v14;
	v21 =	vadd.f32 v21, v57;
	v20 =	vmul.f32 v43, v20  }
0xc9: {  	v30 =	vsel vm13, v16, v30;
	v9 =	vsel vm13, v9, v32;
	v10 =	vsel vm13, v10, v16  }
0xca: {  	vm8 =	vlt.f32 v63, v21;
	v20 =	vadd.f32 v20, v40;
	vm9 =	vlt.s32 v42, $0x100000  }
0xcb: {  	v25 =	vld.idx.msk [tilespmem:v25+s14+$0x0], $0xffff;
	v27 =	vsel vm8, v57, v21;
	v21 =	vsel vm8, v21, v58;
	v16 =	vsel vm8, v44, v50  }
0xcc: {  	v47 =	vsel vm9, v26, v24;
	v48 =	vsel vm9, v31, v13;
	v50 =	vshrl.u32 v59, $0xA  }
0xcd: {  	v46 =	vld.idx.msk [tilespmem:v14+s13+$0x0], $0xffff;
	v56 =	vsel vm9, v2, v4;
	v58 =	vshrl.u32 v42, $0xA;
	v15 =	vsel vm15, v27, v15  }
0xce: {  	v17 =	vsel vm15, v21, v17;
	v16 =	vand.u32 $0x3FF, v16;
	v49 =	vsub.f32 v48, v47  }
0xcf: {  	v18 =	vsel vm15, v18, v27;
	v11 =	vsel vm15, v11, v21;
	vm10 =	vlt.f32 v45, v20  }
0xd0: {  	v51 =	vsel vm10, v40, v20;
	v52 =	vsel vm10, v50, v59;
	v21 =	vmul.f32 v49, v25  }
0xd1: {  	v14 =	vld.idx.msk [tilespmem:v14+s14+$0x0], $0xffff;
	v20 =	vsel vm10, v20, v41;
	v22 =	vsel vm7, v51, v22;
	v25 =	vand.u32 $0x3FF, v52  }
0xd2: {  	v23 =	vsel vm7, v20, v23;
	vm11 =	vlt.s32 v46, $0x100000;
	v21 =	vadd.f32 v21, v47  }
0xd3: {  	v19 =	vsel vm7, v19, v51;
	v53 =	vsel vm11, v29, v9;
	v54 =	vsel vm11, v30, v10;
	v55 =	vld.idx.msk [tilespmem:v16+s13+$0x0], $0xffff  }
0xd4: {  	v12 =	vsel vm7, v12, v20;
	v57 =	vsub.f32 v54, v53;
	vm12 =	vlt.f32 v56, v21  }
0xd5: {  	v39 =	vshrl.u32 v46, $0xA;
	v59 =	vsel vm11, v1, v3;
	v32 =	vsel vm12, v47, v21  }
0xd6: {  	v21 =	vsel vm12, v21, v48;
	v20 =	vsel vm12, v58, v42;
	v62 =	vld.idx.msk [tilespmem:v25+s13+$0x0], $0xffff;
	v14 =	vmul.f32 v57, v14  }
0xd7: {  	v26 =	vsel vm9, v32, v26;
	v31 =	vsel vm9, v21, v31;
	v20 =	vand.u32 $0x3FF, v20  }
0xd8: {  	v16 =	vld.idx.msk [tilespmem:v16+s14+$0x0], $0xffff;
	v24 =	vsel vm9, v24, v32;
	v14 =	vadd.f32 v14, v53;
	vm13 =	vlt.s32 v55, $0x100000  }
0xd9: {  	v13 =	vsel vm9, v13, v21;
	v45 =	vshrl.u32 v55, $0xA;
	v60 =	vsel vm13, v15, v18  }
0xda: {  	v25 =	vld.idx.msk [tilespmem:v25+s14+$0x0], $0xffff;
	v61 =	vsel vm13, v17, v11;
	v40 =	vsel vm13, v7, v8;
	vm14 =	vlt.f32 v59, v14  }
0xdb: {  	v63 =	vsub.f32 v61, v60;
	vm15 =	vlt.s32 v62, $0x100000;
	v27 =	vsel vm14, v53, v14  }
0xdc: {  	v14 =	vsel vm14, v14, v54;
	v41 =	vld.idx.msk [tilespmem:v20+s13+$0x0], $0xffff;
	v42 =	vsel vm15, v22, v19;
	v43 =	vsel vm15, v23, v12  }
0xdd: {  	v21 =	vsel vm14, v39, v46;
	v16 =	vmul.f32 v63, v16;
	v44 =	vsub.f32 v43, v42  }
0xde: {  	v51 =	vsel vm15, v5, v6;
	v30 =	vsel vm11, v14, v30;
	v21 =	vand.u32 $0x3FF, v21  }
0xdf: {  	v10 =	vsel vm11, v10, v14;
	v16 =	vadd.f32 v16, v60;
	v14 =	vmul.f32 v44, v25  }
0xe0: {  	v53 =	vshrl.u32 v62, $0xA;
	v29 =	vsel vm11, v27, v29;
	v9 =	vsel vm11, v9, v27  }
0xe1: {  	vm6 =	vlt.f32 v40, v16;
	vm7 =	vlt.s32 v41, $0x100000;
	v14 =	vadd.f32 v14, v42  }
0xe2: {  	v20 =	vld.idx.msk [tilespmem:v20+s14+$0x0], $0xffff;
	v59 =	vshrl.u32 v41, $0xA;
	v46 =	vsel vm6, v60, v16;
	v16 =	vsel vm6, v16, v61  }
0xe3: {  	v47 =	vsel vm6, v45, v55;
	v48 =	vsel vm7, v26, v24;
	v49 =	vsel vm7, v31, v13  }
0xe4: {  	v50 =	vld.idx.msk [tilespmem:v21+s13+$0x0], $0xffff;
	v54 =	vsel vm7, v2, v4;
	v15 =	vsel vm13, v46, v15;
	v17 =	vsel vm13, v16, v17  }
0xe5: {  	v52 =	vsub.f32 v49, v48;
	v25 =	vand.u32 $0x3FF, v47;
	vm8 =	vlt.f32 v51, v14  }
0xe6: {  	v18 =	vsel vm13, v18, v46;
	v11 =	vsel vm13, v11, v16;
	v32 =	vsel vm8, v42, v14  }
0xe7: {  	v14 =	vsel vm8, v14, v43;
	v16 =	vsel vm8, v53, v62;
	v20 =	vmul.f32 v52, v20  }
0xe8: {  	v21 =	vld.idx.msk [tilespmem:v21+s14+$0x0], $0xffff;
	v22 =	vsel vm15, v32, v22;
	v23 =	vsel vm15, v14, v23;
	v16 =	vand.u32 $0x3FF, v16  }
0xe9: {  	v19 =	vsel vm15, v19, v32;
	v20 =	vadd.f32 v20, v48;
	vm9 =	vlt.s32 v50, $0x100000  }
0xea: {  	v12 =	vsel vm15, v12, v14;
	v55 =	vsel vm9, v29, v9;
	v56 =	vsel vm9, v30, v10;
	v57 =	vld.idx.msk [tilespmem:v25+s13+$0x0], $0xffff  }
0xeb: {  	v40 =	vshrl.u32 v50, $0xA;
	vm10 =	vlt.f32 v54, v20;
	v58 =	vsub.f32 v56, v55  }
0xec: {  	v60 =	vsel vm9, v1, v3;
	v27 =	vsel vm10, v48, v20;
	v20 =	vsel vm10, v20, v49  }
0xed: {  	v14 =	vsel vm10, v59, v41;
	v61 =	vld.idx.msk [tilespmem:v16+s13+$0x0], $0xffff;
	v26 =	vsel vm7, v27, v26;
	v21 =	vmul.f32 v58, v21  }
0xee: {  	v25 =	vld.idx.msk [tilespmem:v25+s14+$0x0], $0xffff;
	v31 =	vsel vm7, v20, v31;
	v24 =	vsel vm7, v24, v27;
	v14 =	vand.u32 $0x3FF, v14  }
0xef: {  	v13 =	vsel vm7, v13, v20;
	v21 =	vadd.f32 v21, v55;
	vm11 =	vlt.s32 v57, $0x100000  }
0xf0: {  	v48 =	vshrl.u32 v57, $0xA;
	v62 =	vsel vm11, v15, v18;
	v63 =	vsel vm11, v17, v11  }
0xf1: {  	v16 =	vld.idx.msk [tilespmem:v16+s14+$0x0], $0xffff;
	v46 =	vsel vm11, v7, v8;
	vm12 =	vlt.f32 v60, v21;
	v39 =	vsub.f32 v63, v62  }
0xf2: {  	vm13 =	vlt.s32 v61, $0x100000;
	v54 =	vshrl.u32 v61, $0xA;
	v41 =	vsel vm12, v55, v21  }
0xf3: {  	v43 =	vsel vm13, v22, v19;
	v44 =	vsel vm13, v23, v12;
	v45 =	vld.idx.msk [tilespmem:v14+s13+$0x0], $0xffff;
	v20 =	vmul.f32 v39, v25  }
0xf4: {  	v21 =	vsel vm12, v21, v56;
	v42 =	vsel vm12, v40, v50;
	v47 =	vsub.f32 v44, v43  }
0xf5: {  	v49 =	vsel vm13, v5, v6;
	v29 =	vsel vm9, v41, v29;
	v20 =	vadd.f32 v20, v62  }
0xf6: {  	v30 =	vsel vm9, v21, v30;
	v25 =	vand.u32 $0x3FF, v42;
	v16 =	vmul.f32 v47, v16  }
0xf7: {  	v9 =	vsel vm9, v9, v41;
	v10 =	vsel vm9, v10, v21;
	vm14 =	vlt.f32 v46, v20  }
0xf8: {  	v16 =	vadd.f32 v16, v43;
	vm15 =	vlt.s32 v45, $0x100000;
	v60 =	vshrl.u32 v45, $0xA  }
0xf9: {  	v14 =	vld.idx.msk [tilespmem:v14+s14+$0x0], $0xffff;
	v32 =	vsel vm14, v62, v20;
	v20 =	vsel vm14, v20, v63;
	v21 =	vsel vm14, v48, v57  }
0xfa: {  	v50 =	vsel vm15, v26, v24;
	v51 =	vsel vm15, v31, v13;
	v55 =	vsel vm15, v2, v4  }
0xfb: {  	v52 =	vld.idx.msk [tilespmem:v25+s13+$0x0], $0xffff;
	v15 =	vsel vm11, v32, v15;
	v17 =	vsel vm11, v20, v17;
	v21 =	vand.u32 $0x3FF, v21  }
0xfc: {  	v18 =	vsel vm11, v18, v32;
	vm6 =	vlt.f32 v49, v16;
	v53 =	vsub.f32 v51, v50  }
0xfd: {  	v11 =	vsel vm11, v11, v20;
	v27 =	vsel vm6, v43, v16;
	v20 =	vsel vm6, v54, v61  }
0xfe: {  	v16 =	vsel vm6, v16, v44;
	v14 =	vmul.f32 v53, v14;
	v20 =	vand.u32 $0x3FF, v20  }
0xff: {  	v25 =	vld.idx.msk [tilespmem:v25+s14+$0x0], $0xffff;
	v22 =	vsel vm13, v27, v22;
	v23 =	vsel vm13, v16, v23;
	v19 =	vsel vm13, v19, v27  }
0x100: {  	v12 =	vsel vm13, v12, v16;
	v14 =	vadd.f32 v14, v50;
	vm7 =	vlt.s32 v52, $0x100000  }
0x101: {  	v44 =	vshrl.u32 v52, $0xA;
	v56 =	vld.idx.msk [tilespmem:v21+s13+$0x0], $0xffff;
	v57 =	vsel vm7, v29, v9;
	v58 =	vsel vm7, v30, v10  }
0x102: {  	v42 =	vsel vm7, v1, v3;
	vm8 =	vlt.f32 v55, v14;
	v59 =	vsub.f32 v58, v57  }
0x103: {  	v61 =	vsel vm8, v50, v14;
	v14 =	vsel vm8, v14, v51;
	v62 =	vsel vm8, v60, v45;
	v41 =	vld.idx.msk [tilespmem:v20+s13+$0x0], $0xffff  }
0x104: {  	v26 =	vsel vm15, v61, v26;
	v16 =	vmul.f32 v59, v25;
	v25 =	vand.u32 $0x3FF, v62  }
0x105: {  	v21 =	vld.idx.msk [tilespmem:v21+s14+$0x0], $0xffff;
	v31 =	vsel vm15, v14, v31;
	v24 =	vsel vm15, v24, v61;
	v13 =	vsel vm15, v13, v14  }
0x106: {  	vm9 =	vlt.s32 v56, $0x100000;
	v16 =	vadd.f32 v16, v57;
	v50 =	vshrl.u32 v56, $0xA  }
0x107: {  	v20 =	vld.idx.msk [tilespmem:v20+s14+$0x0], $0xffff;
	v63 =	vsel vm9, v15, v18;
	v40 =	vsel vm9, v17, v11;
	v45 =	vsel vm9, v7, v8  }
0x108: {  	v43 =	vsub.f32 v40, v63;
	vm10 =	vlt.f32 v42, v16;
	vm11 =	vlt.s32 v41, $0x100000  }
0x109: {  	v32 =	vsel vm10, v57, v16;
	v46 =	vsel vm11, v22, v19;
	v47 =	vsel vm11, v23, v12;
	v48 =	vld.idx.msk [tilespmem:v25+s13+$0x0], $0xffff  }
0x10a: {  	v16 =	vsel vm10, v16, v58;
	v21 =	vmul.f32 v43, v21;
	v49 =	vsub.f32 v47, v46  }
0x10b: {  	v14 =	vsel vm10, v44, v52;
	v51 =	vsel vm11, v5, v6;
	v29 =	vsel vm7, v32, v29  }
0x10c: {  	v14 =	vand.u32 $0x3FF, v14;
	v21 =	vadd.f32 v21, v63;
	v20 =	vmul.f32 v49, v20  }
0x10d: {  	v30 =	vsel vm7, v16, v30;
	v9 =	vsel vm7, v9, v32;
	v10 =	vsel vm7, v10, v16  }
0x10e: {  	vm12 =	vlt.f32 v45, v21;
	v20 =	vadd.f32 v20, v46;
	vm13 =	vlt.s32 v48, $0x100000  }
0x10f: {  	v25 =	vld.idx.msk [tilespmem:v25+s14+$0x0], $0xffff;
	v39 =	vshrl.u32 v48, $0xA;
	v27 =	vsel vm12, v63, v21;
	v21 =	vsel vm12, v21, v40  }
0x110: {  	v16 =	vsel vm12, v50, v56;
	v53 =	vsel vm13, v26, v24;
	v54 =	vsel vm13, v31, v13  }
0x111: {  	v52 =	vld.idx.msk [tilespmem:v14+s13+$0x0], $0xffff;
	v56 =	vshrl.u32 v41, $0xA;
	v62 =	vsel vm13, v2, v4;
	v15 =	vsel vm9, v27, v15  }
0x112: {  	v17 =	vsel vm9, v21, v17;
	v16 =	vand.u32 $0x3FF, v16;
	v55 =	vsub.f32 v54, v53  }
0x113: {  	v18 =	vsel vm9, v18, v27;
	v11 =	vsel vm9, v11, v21;
	vm14 =	vlt.f32 v51, v20  }
0x114: {  	v57 =	vsel vm14, v46, v20;
	v58 =	vsel vm14, v56, v41;
	v21 =	vmul.f32 v55, v25  }
0x115: {  	v14 =	vld.idx.msk [tilespmem:v14+s14+$0x0], $0xffff;
	v20 =	vsel vm14, v20, v47;
	v22 =	vsel vm11, v57, v22;
	v25 =	vand.u32 $0x3FF, v58  }
0x116: {  	v23 =	vsel vm11, v20, v23;
	vm15 =	vlt.s32 v52, $0x100000;
	v21 =	vadd.f32 v21, v53  }
0x117: {  	v19 =	vsel vm11, v19, v57;
	v59 =	vsel vm15, v29, v9;
	v60 =	vsel vm15, v30, v10;
	v61 =	vld.idx.msk [tilespmem:v16+s13+$0x0], $0xffff  }
0x118: {  	v12 =	vsel vm11, v12, v20;
	v63 =	vsub.f32 v60, v59;
	vm6 =	vlt.f32 v62, v21  }
0x119: {  	v45 =	vshrl.u32 v52, $0xA;
	v40 =	vsel vm15, v1, v3;
	v32 =	vsel vm6, v53, v21  }
0x11a: {  	v21 =	vsel vm6, v21, v54;
	v20 =	vsel vm6, v39, v48;
	v43 =	vld.idx.msk [tilespmem:v25+s13+$0x0], $0xffff;
	v14 =	vmul.f32 v63, v14  }
0x11b: {  	v26 =	vsel vm13, v32, v26;
	v31 =	vsel vm13, v21, v31;
	v20 =	vand.u32 $0x3FF, v20  }
0x11c: {  	v16 =	vld.idx.msk [tilespmem:v16+s14+$0x0], $0xffff;
	v24 =	vsel vm13, v24, v32;
	v14 =	vadd.f32 v14, v59;
	vm7 =	vlt.s32 v61, $0x100000  }
0x11d: {  	v13 =	vsel vm13, v13, v21;
	v51 =	vshrl.u32 v61, $0xA;
	v41 =	vsel vm7, v15, v18  }
0x11e: {  	v25 =	vld.idx.msk [tilespmem:v25+s14+$0x0], $0xffff;
	v42 =	vsel vm7, v17, v11;
	v46 =	vsel vm7, v7, v8;
	vm8 =	vlt.f32 v40, v14  }
0x11f: {  	v44 =	vsub.f32 v42, v41;
	vm9 =	vlt.s32 v43, $0x100000;
	v27 =	vsel vm8, v59, v14  }
0x120: {  	v14 =	vsel vm8, v14, v60;
	v47 =	vld.idx.msk [tilespmem:v20+s13+$0x0], $0xffff;
	v48 =	vsel vm9, v22, v19;
	v49 =	vsel vm9, v23, v12  }
0x121: {  	v21 =	vsel vm8, v45, v52;
	v16 =	vmul.f32 v44, v16;
	v50 =	vsub.f32 v49, v48  }
0x122: {  	v57 =	vsel vm9, v5, v6;
	v30 =	vsel vm15, v14, v30;
	v21 =	vand.u32 $0x3FF, v21  }
0x123: {  	v10 =	vsel vm15, v10, v14;
	v16 =	vadd.f32 v16, v41;
	v14 =	vmul.f32 v50, v25  }
0x124: {  	v59 =	vshrl.u32 v43, $0xA;
	v29 =	vsel vm15, v27, v29;
	v9 =	vsel vm15, v9, v27  }
0x125: {  	vm10 =	vlt.f32 v46, v16;
	vm11 =	vlt.s32 v47, $0x100000;
	v14 =	vadd.f32 v14, v48  }
0x126: {  	v20 =	vld.idx.msk [tilespmem:v20+s14+$0x0], $0xffff;
	v40 =	vshrl.u32 v47, $0xA;
	v52 =	vsel vm10, v41, v16;
	v16 =	vsel vm10, v16, v42  }
0x127: {  	v53 =	vsel vm10, v51, v61;
	v54 =	vsel vm11, v26, v24;
	v55 =	vsel vm11, v31, v13  }
0x128: {  	v56 =	vld.idx.msk [tilespmem:v21+s13+$0x0], $0xffff;
	v60 =	vsel vm11, v2, v4;
	v15 =	vsel vm7, v52, v15;
	v17 =	vsel vm7, v16, v17  }
0x129: {  	v58 =	vsub.f32 v55, v54;
	v25 =	vand.u32 $0x3FF, v53;
	vm12 =	vlt.f32 v57, v14  }
0x12a: {  	v18 =	vsel vm7, v18, v52;
	v11 =	vsel vm7, v11, v16;
	v32 =	vsel vm12, v48, v14  }
0x12b: {  	v14 =	vsel vm12, v14, v49;
	v16 =	vsel vm12, v59, v43;
	v20 =	vmul.f32 v58, v20  }
0x12c: {  	v21 =	vld.idx.msk [tilespmem:v21+s14+$0x0], $0xffff;
	v22 =	vsel vm9, v32, v22;
	v23 =	vsel vm9, v14, v23;
	v16 =	vand.u32 $0x3FF, v16  }
0x12d: {  	v19 =	vsel vm9, v19, v32;
	v20 =	vadd.f32 v20, v54;
	vm13 =	vlt.s32 v56, $0x100000  }
0x12e: {  	v12 =	vsel vm9, v12, v14;
	v61 =	vsel vm13, v29, v9;
	v62 =	vsel vm13, v30, v10;
	v63 =	vld.idx.msk [tilespmem:v25+s13+$0x0], $0xffff  }
0x12f: {  	v46 =	vshrl.u32 v56, $0xA;
	vm14 =	vlt.f32 v60, v20;
	v39 =	vsub.f32 v62, v61  }
0x130: {  	v41 =	vsel vm13, v1, v3;
	v27 =	vsel vm14, v54, v20;
	v20 =	vsel vm14, v20, v55  }
0x131: {  	v14 =	vsel vm14, v40, v47;
	v42 =	vld.idx.msk [tilespmem:v16+s13+$0x0], $0xffff;
	v26 =	vsel vm11, v27, v26;
	v21 =	vmul.f32 v39, v21  }
0x132: {  	v25 =	vld.idx.msk [tilespmem:v25+s14+$0x0], $0xffff;
	v31 =	vsel vm11, v20, v31;
	v24 =	vsel vm11, v24, v27;
	v14 =	vand.u32 $0x3FF, v14  }
0x133: {  	v13 =	vsel vm11, v13, v20;
	v21 =	vadd.f32 v21, v61;
	vm15 =	vlt.s32 v63, $0x100000  }
0x134: {  	v54 =	vshrl.u32 v63, $0xA;
	v43 =	vsel vm15, v15, v18;
	v44 =	vsel vm15, v17, v11  }
0x135: {  	v16 =	vld.idx.msk [tilespmem:v16+s14+$0x0], $0xffff;
	v52 =	vsel vm15, v7, v8;
	vm6 =	vlt.f32 v41, v21;
	v45 =	vsub.f32 v44, v43  }
0x136: {  	vm7 =	vlt.s32 v42, $0x100000;
	v60 =	vshrl.u32 v42, $0xA;
	v47 =	vsel vm6, v61, v21  }
0x137: {  	v49 =	vsel vm7, v22, v19;
	v50 =	vsel vm7, v23, v12;
	v51 =	vld.idx.msk [tilespmem:v14+s13+$0x0], $0xffff;
	v20 =	vmul.f32 v45, v25  }
0x138: {  	v21 =	vsel vm6, v21, v62;
	v48 =	vsel vm6, v46, v56;
	v53 =	vsub.f32 v50, v49  }
0x139: {  	v55 =	vsel vm7, v5, v6;
	v29 =	vsel vm13, v47, v29;
	v20 =	vadd.f32 v20, v43  }
0x13a: {  	v30 =	vsel vm13, v21, v30;
	v25 =	vand.u32 $0x3FF, v48;
	v16 =	vmul.f32 v53, v16  }
0x13b: {  	v9 =	vsel vm13, v9, v47;
	v10 =	vsel vm13, v10, v21;
	vm8 =	vlt.f32 v52, v20  }
0x13c: {  	v16 =	vadd.f32 v16, v49;
	vm9 =	vlt.s32 v51, $0x100000;
	v32 =	vsel vm8, v43, v20  }
0x13d: {  	v14 =	vld.idx.msk [tilespmem:v14+s14+$0x0], $0xffff;
	v20 =	vsel vm8, v20, v44;
	v21 =	vsel vm8, v54, v63;
	v56 =	vsel vm9, v26, v24  }
0x13e: {  	v57 =	vsel vm9, v31, v13;
	v61 =	vsel vm9, v2, v4;
	v15 =	vsel vm15, v32, v15  }
0x13f: {  	v58 =	vld.idx.msk [tilespmem:v25+s13+$0x0], $0xffff;
	v17 =	vsel vm15, v20, v17;
	v21 =	vand.u32 $0x3FF, v21;
	v18 =	vsel vm15, v18, v32  }
0x140: {  	vm10 =	vlt.f32 v55, v16;
	v59 =	vsub.f32 v57, v56;
	v11 =	vsel vm15, v11, v20  }
0x141: {  	v27 =	vsel vm10, v49, v16;
	v16 =	vsel vm10, v16, v50;
	v20 =	vsel vm10, v60, v42  }
0x142: {  	v42 =	vshrl.u32 v51, $0xA;
	v14 =	vmul.f32 v59, v14;
	v20 =	vand.u32 $0x3FF, v20  }
0x143: {  	v25 =	vld.idx.msk [tilespmem:v25+s14+$0x0], $0xffff;
	v22 =	vsel vm7, v27, v22;
	v23 =	vsel vm7, v16, v23;
	v19 =	vsel vm7, v19, v27  }
0x144: {  	v12 =	vsel vm7, v12, v16;
	v14 =	vadd.f32 v14, v56;
	vm11 =	vlt.s32 v58, $0x100000  }
0x145: {  	v50 =	vshrl.u32 v58, $0xA;
	v62 =	vld.idx.msk [tilespmem:v21+s13+$0x0], $0xffff;
	v63 =	vsel vm11, v29, v9;
	v40 =	vsel vm11, v30, v10  }
0x146: {  	v48 =	vsel vm11, v1, v3;
	vm12 =	vlt.f32 v61, v14;
	v41 =	vsub.f32 v40, v63  }
0x147: {  	v43 =	vsel vm12, v56, v14;
	v14 =	vsel vm12, v14, v57;
	v47 =	vld.idx.msk [tilespmem:v20+s13+$0x0], $0xffff;
	v27 =	vsel vm12, v42, v51  }
0x148: {  	v26 =	vsel vm9, v43, v26;
	v31 =	vsel vm9, v14, v31;
	v16 =	vmul.f32 v41, v25  }
0x149: {  	v21 =	vld.idx.msk [tilespmem:v21+s14+$0x0], $0xffff;
	v24 =	vsel vm9, v24, v43;
	v13 =	vsel vm9, v13, v14;
	v27 =	vand.u32 $0x3FF, v27  }
0x14a: {  	vm13 =	vlt.s32 v62, $0x100000;
	v44 =	vadd.f32 v16, v63;
	v52 =	vshrl.u32 v62, $0xA  }
0x14b: {  	v20 =	vld.idx.msk [tilespmem:v20+s14+$0x0], $0xffff;
	v45 =	vsel vm13, v15, v18;
	v46 =	vsel vm13, v17, v11;
	v53 =	vsel vm13, v7, v8  }
0x14c: {  	v49 =	vsub.f32 v46, v45;
	vm14 =	vlt.f32 v48, v44;
	vm15 =	vlt.s32 v47, $0x100000  }
0x14d: {  	v60 =	vshrl.u32 v47, $0xA;
	v54 =	vsel vm15, v22, v19;
	v55 =	vsel vm15, v23, v12  }
0x14e: {  	v32 =	vsel vm14, v63, v44;
	v39 =	vld.idx.msk [tilespmem:v27+s13+$0x0], $0xffff;
	v21 =	vmul.f32 v49, v21;
	v56 =	vsub.f32 v55, v54  }
0x14f: {  	v14 =	vsel vm14, v44, v40;
	v51 =	vsel vm14, v50, v58;
	v61 =	vsel vm15, v5, v6  }
0x150: {  	v33 =	vand.u32 $0x3FF, v51;
	v21 =	vadd.f32 v21, v45;
	v20 =	vmul.f32 v56, v20  }
0x151: {  	v29 =	vsel vm11, v32, v29;
	v30 =	vsel vm11, v14, v30;
	v9 =	vsel vm11, v9, v32  }
0x152: {  	v10 =	vsel vm11, v10, v14;
	vm6 =	vlt.f32 v53, v21;
	v58 =	vadd.f32 v20, v54  }
0x153: {  	v59 =	vld.idx.msk [tilespmem:v27+s14+$0x0], $0xffff;
	vm7 =	vlt.s32 v39, $0x100000;
	v48 =	vshrl.u32 v39, $0xA;
	v28 =	vsel vm6, v52, v62  }
0x154: {  	v16 =	vsel vm6, v45, v21;
	v21 =	vsel vm6, v21, v46;
	v57 =	vand.u32 $0x3FF, v28  }
0x155: {  	v62 =	vld.idx.msk [tilespmem:v33+s13+$0x0], $0xffff;
	v63 =	vsel vm7, v26, v24;
	v40 =	vsel vm7, v31, v13;
	v51 =	vsel vm7, v2, v4  }
0x156: {  	v14 =	vsel vm13, v16, v15;
	v15 =	vsel vm13, v21, v17;
	v42 =	vsub.f32 v40, v63  }
0x157: {  	v16 =	vsel vm13, v18, v16;
	v11 =	vsel vm13, v11, v21;
	vm8 =	vlt.f32 v61, v58  }
0x158: {  	v17 =	vsel vm8, v58, v55;
	v46 =	vsel vm8, v60, v47;
	v47 =	vld.idx.msk [tilespmem:v33+s14+$0x0], $0xffff;
	v18 =	vmul.f32 v42, v59  }
0x159: {  	v23 =	vsel vm15, v17, v23;
	v12 =	vsel vm15, v12, v17;
	v17 =	vand.u32 $0x3FF, v46;
	v43 =	vld.idx.msk [tilespmem:v57+s13+$0x0], $0xffff  }
0x15a: {  	v41 =	vsel vm8, v54, v58;
	vm9 =	vlt.s32 v62, $0x100000;
	v18 =	vadd.f32 v18, v63  }
0x15b: {  	v22 =	vsel vm15, v41, v22;
	v49 =	vsel vm9, v29, v9;
	v50 =	vsel vm9, v30, v10  }
0x15c: {  	v19 =	vsel vm15, v19, v41;
	v52 =	vsub.f32 v50, v49;
	vm11 =	vlt.f32 v51, v18  }
0x15d: {  	v58 =	vshrl.u32 v62, $0xA;
	v25 =	vld.idx.msk [tilespmem:v57+s14+$0x0], $0xffff;
	v57 =	vsel vm9, v1, v3;
	v32 =	vsel vm11, v48, v39  }
0x15e: {  	v21 =	vsel vm11, v63, v18;
	v56 =	vld.idx.msk [tilespmem:v17+s13+$0x0], $0xffff;
	v20 =	vmul.f32 v52, v47;
	vm10 =	vlt.s32 v43, $0x100000  }
0x15f: {  	v32 =	vand.u32 $0x3FF, v32;
	v53 =	vsel vm10, v14, v16;
	v54 =	vsel vm10, v15, v11  }
0x160: {  	v18 =	vsel vm11, v18, v40;
	v26 =	vsel vm7, v21, v26;
	v55 =	vsub.f32 v54, v53  }
0x161: {  	v31 =	vsel vm7, v18, v31;
	v21 =	vsel vm7, v24, v21;
	v20 =	vadd.f32 v20, v49  }
0x162: {  	v17 =	vld.idx.msk [tilespmem:v17+s14+$0x0], $0xffff;
	v13 =	vsel vm7, v13, v18;
	v61 =	vsel vm10, v7, v8;
	v25 =	vmul.f32 v55, v25  }
0x163: {  	vm12 =	vlt.f32 v57, v20;
	vm13 =	vlt.s32 v56, $0x100000;
	v40 =	vshrl.u32 v56, $0xA  }
0x164: {  	v63 =	vld.idx.msk [tilespmem:v32+s13+$0x0], $0xffff;
	v44 =	vsel vm13, v22, v19;
	v45 =	vsel vm13, v23, v12;
	v59 =	vadd.f32 v25, v53  }
0x165: {  	v60 =	vsel vm12, v58, v62;
	v62 =	vshrl.u32 v43, $0xA;
	v46 =	vsub.f32 v45, v44  }
0x166: {  	v33 =	vsel vm12, v49, v20;
	v18 =	vand.u32 $0x3FF, v60;
	vm4 =	vlt.f32 v61, v59  }
0x167: {  	v20 =	vsel vm12, v20, v50;
	v17 =	vmul.f32 v46, v17;
	v27 =	vsel vm4, v62, v43  }
0x168: {  	v32 =	vld.idx.msk [tilespmem:v32+s14+$0x0], $0xffff;
	v51 =	vsel vm13, v5, v6;
	v29 =	vsel vm9, v33, v29;
	v27 =	vand.u32 $0x3FF, v27  }
0x169: {  	v30 =	vsel vm9, v20, v30;
	vm14 =	vlt.s32 v63, $0x100000;
	v17 =	vadd.f32 v17, v44  }
0x16a: {  	v9 =	vsel vm9, v9, v33;
	v48 =	vsel vm14, v26, v21;
	v49 =	vsel vm14, v31, v13  }
0x16b: {  	v10 =	vsel vm9, v10, v20;
	v50 =	vld.idx.msk [tilespmem:v18+s13+$0x0], $0xffff;
	v52 =	vsub.f32 v49, v48;
	vm15 =	vlt.f32 v51, v17  }
0x16c: {  	v55 =	vshrl.u32 v63, $0xA;
	v47 =	vsel vm4, v53, v59;
	v28 =	vsel vm15, v40, v56  }
0x16d: {  	v24 =	vsel vm4, v59, v54;
	v32 =	vmul.f32 v52, v32;
	v54 =	vand.u32 $0x3FF, v28;
	v53 =	vld.idx.msk [tilespmem:v27+s13+$0x0], $0xffff  }
0x16e: {  	v57 =	vsel vm14, v2, v4;
	v14 =	vsel vm10, v47, v14;
	v15 =	vsel vm10, v24, v15  }
0x16f: {  	v18 =	vld.idx.msk [tilespmem:v18+s14+$0x0], $0xffff;
	v16 =	vsel vm10, v16, v47;
	v11 =	vsel vm10, v11, v24;
	v56 =	vadd.f32 v32, v48  }
0x170: {  	v61 =	vsel vm15, v44, v17;
	v17 =	vsel vm15, v17, v45;
	vm8 =	vlt.s32 v50, $0x100000  }
0x171: {  	v58 =	vsel vm8, v29, v9;
	v59 =	vsel vm8, v30, v10;
	v27 =	vld.idx.msk [tilespmem:v27+s14+$0x0], $0xffff;
	vm9 =	vlt.f32 v57, v56  }
0x172: {  	v60 =	vsub.f32 v59, v58;
	v24 =	vsel vm9, v55, v63;
	v63 =	vld.idx.msk [tilespmem:v54+s13+$0x0], $0xffff;
	vm5 =	vlt.s32 v53, $0x100000  }
0x173: {  	v22 =	vsel vm13, v61, v22;
	v14 =	vsel vm5, v14, v16;
	v11 =	vsel vm5, v15, v11  }
0x174: {  	v62 =	vmul.f32 v60, v18;
	v24 =	vand.u32 $0x3FF, v24;
	v11 =	vsub.f32 v11, v14  }
0x175: {  	v12 =	vsel vm13, v12, v17;
	v37 =	vshrl.u32 v50, $0xA;
	v32 =	vsel vm8, v1, v3  }
0x176: {  	v45 =	vshrl.u32 v53, $0xA;
	v16 =	vadd.f32 v62, v58;
	v11 =	vmul.f32 v11, v27  }
0x177: {  	v39 =	vld.idx.msk [tilespmem:v54+s14+$0x0], $0xffff;
	v15 =	vsel vm13, v19, v61;
	v7 =	vsel vm5, v7, v8;
	vm11 =	vlt.s32 v63, $0x100000  }
0x178: {  	vm10 =	vlt.f32 v32, v16;
	v27 =	vsel vm13, v17, v23;
	v11 =	vadd.f32 v11, v14  }
0x179: {  	v42 =	vsel vm11, v22, v15;
	v44 =	vld.idx.msk [tilespmem:v24+s13+$0x0], $0xffff;
	v41 =	vsel vm10, v37, v50;
	v43 =	vsel vm11, v27, v12  }
0x17a: {  	v8 =	vand.u32 $0x3FF, v41;
	vm5 =	vlt.f32 v7, v11;
	v11 =	vsub.f32 v43, v42  }
0x17b: {  	v46 =	vsel vm9, v48, v56;
	v14 =	vsel vm5, v45, v53  }
0x17c: {  	v47 =	vsel vm9, v56, v49;
	v11 =	vmul.f32 v11, v39;
	v14 =	vand.u32 $0x3FF, v14  }
0x17d: {  	v48 =	vsel vm14, v46, v26;
	v49 =	vsel vm14, v47, v31;
	v13 =	vsel vm14, v13, v47;
	v50 =	vld.idx.msk [tilespmem:v24+s14+$0x0], $0xffff  }
0x17e: {  	v15 =	vsel vm14, v21, v46;
	vm12 =	vlt.s32 v44, $0x100000;
	v7 =	vadd.f32 v11, v42  }
0x17f: {  	v5 =	vsel vm11, v5, v6;
	v51 =	vsel vm12, v48, v15;
	v52 =	vsel vm12, v49, v13;
	v53 =	vld.idx.msk [tilespmem:v8+s13+$0x0], $0xffff  }
0x180: {  	v54 =	vshrl.u32 v63, $0xA;
	v55 =	vsub.f32 v52, v51;
	vm13 =	vlt.f32 v5, v7  }
0x181: {  	v56 =	vsel vm10, v58, v16;
	v7 =	vsel vm13, v54, v63;
	v14 =	vld.idx.msk [tilespmem:v14+s15+$0x0], $0xffff  }
0x182: {  	v57 =	vsel vm10, v16, v59;
	v5 =	vmul.f32 v55, v50;
	v7 =	vand.u32 $0x3FF, v7  }
0x183: {  	v58 =	vsel vm8, v56, v29;
	v59 =	vsel vm8, v57, v30;
	v9 =	vsel vm8, v9, v56;
	v8 =	vld.idx.msk [tilespmem:v8+s14+$0x0], $0xffff  }
0x184: {  	v10 =	vsel vm8, v10, v57;
	vm14 =	vlt.s32 v53, $0x100000;
	v5 =	vadd.f32 v5, v51  }
0x185: {  	v2 =	vsel vm12, v2, v4;
	v60 =	vsel vm14, v58, v9;
	v61 =	vsel vm14, v59, v10  }
0x186: {  	v62 =	vshrl.u32 v44, $0xA;
	vm0 =	vlt.f32 v2, v5;
	v2 =	vsub.f32 v61, v60;
	[tilespmem:s20+$0x10C00] =	vst v14  }
0x187: {  	v5 =	vsel vm0, v62, v44;
	v63 =	vld.idx.msk [tilespmem:v7+s15+$0x0], $0xffff  }
0x188: {  	v2 =	vmul.f32 v2, v8;
	v5 =	vand.u32 $0x3FF, v5;
	_ =	sdelay $0x1  }
0x189: {  	v2 =	vadd.f32 v2, v60  }
0x18a: {  	v1 =	vsel vm14, v1, v3  }
0x18b: {  	v3 =	vshrl.u32 v53, $0xA;
	vm15 =	vlt.f32 v1, v2;
	[tilespmem:s20+$0x10C10] =	vst v63  }
0x18c: {  	v1 =	vsel vm15, v3, v53;
	v2 =	vld.idx.msk [tilespmem:v5+s15+$0x0], $0xffff  }
0x18d: {  	v1 =	vand.u32 $0x3FF, v1;
	_ =	sdelay $0x3  }
0x18e: {  	[tilespmem:s20+$0x10C20] =	vst v2  }
0x18f: {  	p0 =	sne.s32 s19, $0x1FF00;
	v1 =	vld.idx.msk [tilespmem:v1+s15+$0x0], $0xffff  }
.Ltmp0:
0x190: {  	_ = 	snop;
	(pc) =	sbr.rel @p0 .LBB2_2-.Ltmp0, $2  }
0x191: {  	_ =	sdelay $0x2  }
0x192: {  	s19 =	sadd.s32 $0x100, s19;
	[tilespmem:s20+$0x10C30] =	vst v1  }
0x193: {  	s18 =	sadd.s32 $0x1, s18  }
0x194: {  	p0 =	sne.s32 s18, s10  }
.Ltmp1:
0x195: {  	_ = 	snop;
	(pc) =	sbr.rel @p0 .LBB2_1-.Ltmp1, $4  }
0x196: {  	[hbm4b:s9+s4] =	stream.linear.scatter [tilespmem:s17], [sflag:$0x1], $0x8000, $0x38;
	[tilespmem:$0x18C80] =	vst v63  }
0x197: {  	_ =	swait.ge [sflag:s11], $0x8000  }
0x198: {  	[sflag:s11] =	ssyncset.done $0x0  }
0x199: {  	[sflag:s11] =	ssyncadd.s32 $0xFFFF8000  }
0x19a: {  	_ =	sfence.sel $0x180000  }
0x19b: {  	[bflag:$0x0] =	sbarrier.arrive $0xFFFF  }
0x19c: {  	p0 =	sne.s32 s3, $0x0;
	_ =	strace $0x90000047  }
0x19d: {  	s0 =	sadd.s32 @!p0 $0x100000, s0;
	[bflag:$0x2] =	sbarrier.arrive $0xFFFF  }
0x19e: {  	[sflag:s0] =	ssyncadd.tile.s32 @!p0 $0x1;
	_ =	shalt  }
.Lfunc_end2:
_tile_overlayer_lowered:
.L_overlay_start_2:
0x19f: {  	(tag) =	ssettag $0x2  }
0x1a0: {  	s0 =	rddreg [dreg:$0x0];
	s2 =	stileid.u32  }
0x1a1: {  	s1 =	rddreg [dreg:$0x1];
	p0 =	sne.s32 s2, $0x0  }
0x1a2: {  	s3 =	rddreg [dreg:$0x2];
	[bflag:$0x3] =	sbarrier.arrive $0xFFFF;
	s2 =	simm.s32 @!p0 $0x1C01  }
0x1a3: {  	[timem:s3], [sflag:s2] =	dma.local @!p0 [hbm:s0], s1  }
0x1a4: {  	s0 =	simm.s32 @!p0 $0x1  }
0x1a5: {  	_ =	swait.ge @!p0 [sflag:s0], s1  }
0x1a6: {  	s1 =	ssub.s32 @!p0 $0x0, s1;
	[sflag:s0] =	ssyncset.done @!p0 $0x0  }
0x1a7: {  	[sflag:s0] =	ssyncadd.s32 @!p0 s1  }
0x1a8: {  	[bflag:$0x3] =	sbarrier.arrive $0xFFFF  }
0x1a9: {  	_ =	shalt  }

</sc_bundles>
